<compile_context>
chip_gen: v7x
topology: tpu7x:2x2x1
jax: 0.10.2.dev20260603
libtpu: 0.0.44.dev20260713+nightly
codegen_flags: <defaults>
</compile_context>

<pallas_src>
import functools

import jax
import jax.numpy as jnp
from jax import lax
from jax.experimental import pallas as pl
from jax.experimental.pallas import tpu as pltpu, tpu_sc as plsc

N = 100000
E = 1600000
G = 64
F_IN = 30
F_HID = 40

NC, NS = 2, 16
NP = 100352
RT = NP // NS
NCH = 5
FC = 8

SBE = 2000
ET = E // NS
ET2 = E // (2 * NS)
NB = ET // SBE
NB2 = ET2 // SBE

BN = 3584
NG = NP // BN
PS = NP // 16
PB = BN // 16
FBIG = NCH * 128
XL = 16 * F_IN

_mesh = plsc.VectorSubcoreMesh(
    core_axis_name="c", subcore_axis_name="s", num_cores=NC, num_subcores=NS)



@functools.partial(
    pl.kernel,
    out_type=jax.ShapeDtypeStruct((NC, NP), jnp.float32),
    mesh=_mesh,
    compiler_params=pltpu.CompilerParams(use_tc_tiling_on_sc=False),
    scratch_types=[
        pltpu.VMEM_SHARED((NP,), jnp.float32),
        pltpu.VMEM((SBE,), jnp.int32),
        pltpu.VMEM((SBE,), jnp.float32),
        pltpu.VMEM((RT,), jnp.float32),
        pltpu.SemaphoreType.DMA,
    ],
)
def _deg_kernel(ei, out, acc, idxb, ones, zbuf, sem):
    c = lax.axis_index("c")
    t = lax.axis_index("s")
    r0 = t * RT

    def z16(i, carry):
        zbuf[pl.ds(i * 16, 16)] = jnp.zeros((16,), jnp.float32)
        return carry
    lax.fori_loop(0, RT // 16, z16, 0)

    def o16(i, carry):
        ones[pl.ds(i * 16, 16)] = jnp.ones((16,), jnp.float32)
        return carry
    lax.fori_loop(0, SBE // 16, o16, 0)

    pltpu.sync_copy(zbuf, acc.at[pl.ds(r0, RT)])
    plsc.subcore_barrier()

    w0 = (c * NS + t) * ET2

    def blk(sb, carry):
        base = w0 + sb * SBE
        pltpu.sync_copy(ei.at[1, pl.ds(base, SBE)], idxb)
        pltpu.async_copy(ones, acc.at[idxb], sem, add=True).wait()
        return carry
    lax.fori_loop(0, ET2 // SBE, blk, 0)

    plsc.subcore_barrier()
    pltpu.sync_copy(acc.at[pl.ds(r0, RT)], out.at[c, pl.ds(r0, RT)])


@functools.partial(
    pl.kernel,
    out_type=jax.ShapeDtypeStruct((NCH + 1, NP, FC), jnp.float32),
    mesh=_mesh,
    compiler_params=pltpu.CompilerParams(use_tc_tiling_on_sc=False),
    scratch_types=[
        pltpu.VMEM_SHARED((NP, FC), jnp.float32),
        pltpu.VMEM_SHARED((NP, FC), jnp.float32),
        pltpu.VMEM((SBE,), jnp.int32),
        pltpu.VMEM((SBE,), jnp.int32),
        pltpu.VMEM((SBE, FC), jnp.float32),
        pltpu.SemaphoreType.DMA,
        pltpu.SemaphoreType.DMA,
    ],
)
def _conv_kernel(ych, ei, out, tab, acc, sidx, didx, rows, gsem, ssem):
    c = lax.axis_index("c")
    t = lax.axis_index("s")
    r0 = t * RT

    def edge_block(base):
        pltpu.sync_copy(ei.at[0, pl.ds(base, SBE)], sidx)
        pltpu.sync_copy(ei.at[1, pl.ds(base, SBE)], didx)
        pltpu.async_copy(tab.at[sidx], rows, gsem).wait()
        pltpu.async_copy(rows, acc.at[didx], ssem, add=True).wait()

    for p in range(3):
        if p < 2:
            q = p * NC + c
            oslot = q
            e0 = t * ET
            nblk = NB
        else:
            q = NCH - 1
            oslot = NCH - 1 + c
            e0 = c * (E // 2) + t * ET2
            nblk = NB2
        pltpu.sync_copy(ych.at[q, pl.ds(r0, RT)], tab.at[pl.ds(r0, RT)])
        pltpu.sync_copy(ych.at[q, pl.ds(r0, RT)], acc.at[pl.ds(r0, RT)])
        plsc.subcore_barrier()

        def blk(sb, carry):
            edge_block(e0 + sb * SBE)
            return carry
        lax.fori_loop(0, nblk, blk, 0)

        plsc.subcore_barrier()
        pltpu.sync_copy(acc.at[pl.ds(r0, RT)], out.at[oslot, pl.ds(r0, RT)])
        plsc.subcore_barrier()



def _dis_packed(deg_ref):
    dis16 = lax.rsqrt(1.0 + deg_ref[0] + deg_ref[1])
    e_rows = lax.broadcasted_iota(jnp.int32, (16, 128), 0)
    e_lane = lax.broadcasted_iota(jnp.int32, (16, 128), 1)
    e16 = (e_rows == e_lane // 8).astype(jnp.float32)
    dis_p = jnp.dot(dis16, e16, preferred_element_type=jnp.float32)
    return jnp.concatenate([dis_p] * NCH, axis=1)


def _bias_packed(b_ref):
    parts = []
    for q in range(NCH):
        bq = b_ref[...][:, q * FC:(q + 1) * FC]
        parts.append(jnp.concatenate([bq] * 16, axis=1))
    return jnp.concatenate(parts, axis=1)


def _merge_s(s_ref, y_ref):
    s4 = s_ref[4] + s_ref[5] - y_ref[0]
    return jnp.concatenate([s_ref[0], s_ref[1], s_ref[2], s_ref[3], s4],
                           axis=1)


def _prep_body(x_ref, w_ref, deg_ref, y_ref):
    xw = jnp.dot(x_ref[...], w_ref[...], preferred_element_type=jnp.float32)
    y = xw * _dis_packed(deg_ref)
    for q in range(NCH):
        y_ref[q] = y[:, q * 128:(q + 1) * 128]


def _mid_body(s_ref, y4_ref, deg_ref, b_ref, w_ref, y_ref):
    s = _merge_s(s_ref, y4_ref)
    dis = _dis_packed(deg_ref)
    h = jnp.maximum(s * dis + _bias_packed(b_ref), 0.0)
    xw = jnp.dot(h, w_ref[...], preferred_element_type=jnp.float32)
    y = xw * dis
    for q in range(NCH):
        y_ref[q] = y[:, q * 128:(q + 1) * 128]


def _fin_body(s_ref, y4_ref, deg_ref, b_ref, batch_ref, sel_ref, red_ref,
              wl_ref, bl_ref, out_ref, msum):
    i = pl.program_id(0)

    @pl.when(i == 0)
    def _():
        msum[...] = jnp.zeros_like(msum)

    s = _merge_s(s_ref, y4_ref)
    dis = _dis_packed(deg_ref)
    h = jnp.maximum(s * dis + _bias_packed(b_ref), 0.0)
    haug = jnp.concatenate([h, jnp.ones((PB, 128), jnp.float32)], axis=1)
    b16 = batch_ref[...]
    bt = jnp.concatenate([b16] * G, axis=1)
    gl = lax.broadcasted_iota(jnp.int32, (PB, 16 * G), 1) // 16
    oh = (bt == gl).astype(jnp.float32)
    msum[...] += lax.dot_general(oh, haug, (((0,), (0,)), ((), ())),
                                 preferred_element_type=jnp.float32)

    @pl.when(i == NG - 1)
    def _():
        m = msum[...]
        rr = lax.broadcasted_iota(jnp.int32, (16 * G, FBIG + 128), 0) % 16
        rc = (lax.broadcasted_iota(jnp.int32, (16 * G, FBIG + 128), 1)
              % 128) // 8
        mm = m * (rr == rc).astype(jnp.float32)
        pp = jnp.dot(sel_ref[...], mm, preferred_element_type=jnp.float32)
        pk = jnp.dot(pp, red_ref[...], preferred_element_type=jnp.float32)
        sums = pk[:, :F_HID]
        cnt = pk[:, F_HID:F_HID + 1]
        pooled = sums / jnp.maximum(cnt, 1.0)
        out_ref[...] = jnp.dot(pooled, wl_ref[...],
                               preferred_element_type=jnp.float32) + bl_ref[...]


_S_SPEC = pl.BlockSpec((NCH + 1, PB, 128), lambda i: (0, i, 0))
_Y4_SPEC = pl.BlockSpec((1, PB, 128), lambda i: (NCH - 1, i, 0))
_DEG_SPEC = pl.BlockSpec((2, PB, 16), lambda i: (0, i, 0))


def _prep_call(xpk, w1big, deg3):
    return pl.pallas_call(
        _prep_body,
        grid=(NG,),
        in_specs=[pl.BlockSpec((PB, XL), lambda i: (i, 0)),
                  pl.BlockSpec((XL, FBIG), lambda i: (0, 0)),
                  _DEG_SPEC],
        out_specs=pl.BlockSpec((NCH, PB, 128), lambda i: (0, i, 0)),
        out_shape=jax.ShapeDtypeStruct((NCH, PS, 128), jnp.float32),
    )(xpk, w1big, deg3)


def _mid_call(spk, ypk, deg3, b, wbig):
    return pl.pallas_call(
        _mid_body,
        grid=(NG,),
        in_specs=[_S_SPEC, _Y4_SPEC, _DEG_SPEC,
                  pl.BlockSpec((1, F_HID), lambda i: (0, 0)),
                  pl.BlockSpec((FBIG, FBIG), lambda i: (0, 0))],
        out_specs=pl.BlockSpec((NCH, PB, 128), lambda i: (0, i, 0)),
        out_shape=jax.ShapeDtypeStruct((NCH, PS, 128), jnp.float32),
    )(spk, ypk, deg3, b, wbig)


def _fin_call(spk, ypk, deg3, b, batchpk, sel, red, Wlin, blin):
    return pl.pallas_call(
        _fin_body,
        grid=(NG,),
        in_specs=[_S_SPEC, _Y4_SPEC, _DEG_SPEC,
                  pl.BlockSpec((1, F_HID), lambda i: (0, 0)),
                  pl.BlockSpec((PB, 16), lambda i: (i, 0)),
                  pl.BlockSpec((G, 16 * G), lambda i: (0, 0)),
                  pl.BlockSpec((FBIG + 128, F_HID + FC), lambda i: (0, 0)),
                  pl.BlockSpec((F_HID, 2), lambda i: (0, 0)),
                  pl.BlockSpec((1, 2), lambda i: (0, 0))],
        out_specs=pl.BlockSpec((G, 2), lambda i: (0, 0)),
        out_shape=jax.ShapeDtypeStruct((G, 2), jnp.float32),
        scratch_shapes=[pltpu.VMEM((16 * G, FBIG + 128), jnp.float32)],
    )(spk, ypk, deg3, b, batchpk, sel, red, Wlin, blin)



def _expand_w(w):
    w4 = w.reshape(NCH, FC, NCH, FC)
    big = jnp.einsum('qfpg,rs->qrfpsg', w4, jnp.eye(16, dtype=jnp.float32))
    return big.reshape(FBIG, FBIG)


def _expand_w1(w1):
    w3 = w1.reshape(F_IN, NCH, FC)
    big = jnp.einsum('kqf,rs->rkqsf', w3, jnp.eye(16, dtype=jnp.float32))
    return big.reshape(XL, FBIG)


def kernel(x, edge_index, batch, W1, b1, W2, b2, W3, b3, Wlin, blin):
    xpk = jnp.zeros((NP, F_IN), jnp.float32).at[:N].set(x).reshape(PS, XL)
    ei = edge_index.astype(jnp.int32)
    batchpk = jnp.full((NP,), G, jnp.int32).at[:N].set(
        batch.astype(jnp.int32)).reshape(PS, 16)

    w1big = _expand_w1(W1)
    w2big = _expand_w(W2)
    w3big = _expand_w(W3)
    b1r = b1.reshape(1, F_HID)
    b2r = b2.reshape(1, F_HID)
    b3r = b3.reshape(1, F_HID)

    gi = jnp.arange(16 * G, dtype=jnp.int32)
    sel = (gi[None, :] // 16 ==
           jnp.arange(G, dtype=jnp.int32)[:, None]).astype(jnp.float32)
    li = jnp.arange(FBIG + 128, dtype=jnp.int32)
    col = jnp.where(li < FBIG, (li // 128) * FC + li % 8, F_HID + li % 8)
    red = (col[:, None] ==
           jnp.arange(F_HID + FC, dtype=jnp.int32)[None, :]).astype(
               jnp.float32)

    def to_sc(a):
        return a.reshape(NCH, NP, FC)

    def to_tc(a):
        return a.reshape(NCH + 1, PS, 128)

    deg2 = _deg_kernel(ei)
    deg3 = deg2.reshape(2, PS, 16)
    y1 = _prep_call(xpk, w1big, deg3)
    y1t = y1.reshape(NCH, PS, 128)
    s1 = _conv_kernel(to_sc(y1), ei)
    y2 = _mid_call(to_tc(s1), y1t, deg3, b1r, w2big)
    y2t = y2.reshape(NCH, PS, 128)
    s2 = _conv_kernel(to_sc(y2), ei)
    y3 = _mid_call(to_tc(s2), y2t, deg3, b2r, w3big)
    y3t = y3.reshape(NCH, PS, 128)
    s3 = _conv_kernel(to_sc(y3), ei)
    out = _fin_call(to_tc(s3), y3t, deg3, b3r, batchpk, sel, red, Wlin,
                    blin.reshape(1, 2))
    return out

# --- scband reference (transcript-rebuilt; emitter-appended) ---
"""Pipeline reference for scband-gcn-618475290672 (READ-ONLY COPY).

The authoritative reference and input builder live on the scoring server;
editing this copy changes nothing except your own understanding.
"""

import jax, jax.numpy as jnp
import numpy as np

N = 100000
E = 1600000
G = 64

def setup_inputs(seed: int = 0) -> dict:
    key = jax.random.key(seed)
    ks = jax.random.split(key, 12)
    x = jax.random.normal(ks[0], (N, 30), dtype=jnp.float32)
    edge_index = jax.random.randint(ks[1], (2, E), 0, N)
    batch = jnp.sort(jax.random.randint(ks[2], (N,), 0, G))
    W1 = jax.random.normal(ks[3], (30, 40), dtype=jnp.float32) * 0.1
    b1 = jnp.zeros((40,), dtype=jnp.float32)
    W2 = jax.random.normal(ks[4], (40, 40), dtype=jnp.float32) * 0.1
    b2 = jnp.zeros((40,), dtype=jnp.float32)
    W3 = jax.random.normal(ks[5], (40, 40), dtype=jnp.float32) * 0.1
    b3 = jnp.zeros((40,), dtype=jnp.float32)
    Wlin = jax.random.normal(ks[6], (40, 2), dtype=jnp.float32) * 0.1
    blin = jnp.zeros((2,), dtype=jnp.float32)
    return {"x": x, "edge_index": edge_index, "batch": batch,
            "W1": W1, "b1": b1, "W2": W2, "b2": b2, "W3": W3, "b3": b3,
            "Wlin": Wlin, "blin": blin}

def _gcn_conv(x, src, dst, W, b, num_nodes):
    # PyG GCNConv (normalize=True, add_self_loops=True): self loops already appended to src/dst
    xw = x @ W
    deg = jnp.zeros((num_nodes,), dtype=xw.dtype).at[dst].add(1.0)
    dis = jnp.where(deg > 0, deg ** -0.5, 0.0)
    norm = dis[src] * dis[dst]
    msgs = xw[src] * norm[:, None]
    out = jnp.zeros((num_nodes, xw.shape[1]), dtype=xw.dtype).at[dst].add(msgs)
    return out + b

def reference(x, edge_index, batch, W1, b1, W2, b2, W3, b3, Wlin, blin):
    num_nodes = x.shape[0]
    loop = jnp.arange(num_nodes, dtype=edge_index.dtype)
    src = jnp.concatenate([edge_index[0], loop])
    dst = jnp.concatenate([edge_index[1], loop])
    h = _gcn_conv(x, src, dst, W1, b1, num_nodes)
    h = jax.nn.relu(h)
    # dropout is identity in eval mode
    h = _gcn_conv(h, src, dst, W2, b2, num_nodes)
    h = jax.nn.relu(h)
    h = _gcn_conv(h, src, dst, W3, b3, num_nodes)
    h = jax.nn.relu(h)
    # global mean pool over graphs
    sums = jax.ops.segment_sum(h, batch, num_segments=G)
    cnts = jax.ops.segment_sum(jnp.ones((num_nodes,), dtype=h.dtype), batch, num_segments=G)
    pooled = sums / jnp.maximum(cnts, 1.0)[:, None]
    # dropout p=0.5 is identity in eval mode
    out = pooled @ Wlin + blin
    return out

if __name__ == "__main__":
    import jax
    _d = setup_inputs()
    print(jax.jit(kernel)(*tuple(_d.values())))

</pallas_src>

<mosaic_0001>
#map = affine_map<(d0, d1) -> (0, 0, 0)>
#map1 = affine_map<(d0, d1) -> (0, 0)>
module attributes {stable_mosaic.version = 14 : i64} {
  func.func @_conv_kernel(%arg0: i32, %arg1: i32, %arg2: memref<5x100352x8xf32, #tpu.memory_space<hbm>>, %arg3: memref<2x1600000xi32, #tpu.memory_space<hbm>>, %arg4: memref<6x100352x8xf32, #tpu.memory_space<hbm>>, %arg5: memref<100352x8xf32, #tpu.memory_space<vmem_shared>>, %arg6: memref<100352x8xf32, #tpu.memory_space<vmem_shared>>, %arg7: memref<2000xi32, #tpu.memory_space<vmem>>, %arg8: memref<2000xi32, #tpu.memory_space<vmem>>, %arg9: memref<2000x8xf32, #tpu.memory_space<vmem>>, %arg10: memref<!tpu.dma_semaphore, #tpu.memory_space<semaphore_mem>>, %arg11: memref<!tpu.dma_semaphore, #tpu.memory_space<semaphore_mem>>) attributes {dimension_semantics = [#tpu.dimension_semantics<core_parallel>, #tpu.dimension_semantics<subcore_parallel>], iteration_bounds = array<i64: 2, 16>, scalar_prefetch = 0 : i64, scratch_operands = 7 : i64, tpu.core_type = #tpu.core_type<sc_vector_subcore>, window_params = [{transform_indices = #map}, {transform_indices = #map1}, {transform_indices = #map}]} {
    %mul3A = arith.constant 6272 : i32
    %mul3A_0 = arith.muli %arg1, %mul3A : i32
    %add3A = arith.constant 0 : i32
    %add3A_1 = arith.addi %add3A, %arg0 : i32
    %mul3A_2 = arith.constant 100000 : i32
    %mul3A_3 = arith.muli %arg1, %mul3A_2 : i32
    "tpu.region"() ({
      %run_scoped3A_41 = tpu.sem_alloc : memref<!tpu.dma_semaphore, #tpu.memory_space<semaphore_mem>>
      %dma_start3A = arith.constant 0 : i32
      %dma_start3A_42 = tpu.memref_slice %arg5[%mul3A_0, %dma_start3A] : memref<100352x8xf32, #tpu.memory_space<vmem_shared>> -> memref<6272x8xf32, #tpu.memory_space<vmem_shared>>
      %dma_start3A_43 = arith.constant 0 : i32
      %dma_start3A_44 = tpu.memref_slice %arg2[%add3A_1, %mul3A_0, %dma_start3A_43] : memref<5x100352x8xf32, #tpu.memory_space<hbm>> -> memref<1x6272x8xf32, #tpu.memory_space<hbm>>
      %dma_start3A_45 = tpu.memref_squeeze %dma_start3A_44 : memref<1x6272x8xf32, #tpu.memory_space<hbm>> -> memref<6272x8xf32, #tpu.memory_space<hbm>>
      tpu.enqueue_dma source(%dma_start3A_45 : memref<6272x8xf32, #tpu.memory_space<hbm>>) target(%dma_start3A_42 : memref<6272x8xf32, #tpu.memory_space<vmem_shared>>) target_semaphore(%run_scoped3A_41 : memref<!tpu.dma_semaphore, #tpu.memory_space<semaphore_mem>>)
      %dma_wait3A = arith.constant 0 : i32
      %dma_wait3A_46 = tpu.memref_slice %arg5[%mul3A_0, %dma_wait3A] : memref<100352x8xf32, #tpu.memory_space<vmem_shared>> -> memref<6272x8xf32, #tpu.memory_space<vmem_shared>>
      %dma_wait3A_47 = arith.constant 0 : i32
      %dma_wait3A_48 = tpu.memref_slice %arg2[%add3A_1, %mul3A_0, %dma_wait3A_47] : memref<5x100352x8xf32, #tpu.memory_space<hbm>> -> memref<1x6272x8xf32, #tpu.memory_space<hbm>>
      %dma_wait3A_49 = tpu.memref_squeeze %dma_wait3A_48 : memref<1x6272x8xf32, #tpu.memory_space<hbm>> -> memref<6272x8xf32, #tpu.memory_space<hbm>>
      tpu.wait_dma2 semaphore(%run_scoped3A_41 : memref<!tpu.dma_semaphore, #tpu.memory_space<semaphore_mem>>) src(%dma_wait3A_49 : memref<6272x8xf32, #tpu.memory_space<hbm>>) dst(%dma_wait3A_46 : memref<6272x8xf32, #tpu.memory_space<vmem_shared>>)
      tpu.yield
    }) : () -> ()
    "tpu.region"() ({
      %run_scoped3A_41 = tpu.sem_alloc : memref<!tpu.dma_semaphore, #tpu.memory_space<semaphore_mem>>
      %dma_start3A = arith.constant 0 : i32
      %dma_start3A_42 = tpu.memref_slice %arg6[%mul3A_0, %dma_start3A] : memref<100352x8xf32, #tpu.memory_space<vmem_shared>> -> memref<6272x8xf32, #tpu.memory_space<vmem_shared>>
      %dma_start3A_43 = arith.constant 0 : i32
      %dma_start3A_44 = tpu.memref_slice %arg2[%add3A_1, %mul3A_0, %dma_start3A_43] : memref<5x100352x8xf32, #tpu.memory_space<hbm>> -> memref<1x6272x8xf32, #tpu.memory_space<hbm>>
      %dma_start3A_45 = tpu.memref_squeeze %dma_start3A_44 : memref<1x6272x8xf32, #tpu.memory_space<hbm>> -> memref<6272x8xf32, #tpu.memory_space<hbm>>
      tpu.enqueue_dma source(%dma_start3A_45 : memref<6272x8xf32, #tpu.memory_space<hbm>>) target(%dma_start3A_42 : memref<6272x8xf32, #tpu.memory_space<vmem_shared>>) target_semaphore(%run_scoped3A_41 : memref<!tpu.dma_semaphore, #tpu.memory_space<semaphore_mem>>)
      %dma_wait3A = arith.constant 0 : i32
      %dma_wait3A_46 = tpu.memref_slice %arg6[%mul3A_0, %dma_wait3A] : memref<100352x8xf32, #tpu.memory_space<vmem_shared>> -> memref<6272x8xf32, #tpu.memory_space<vmem_shared>>
      %dma_wait3A_47 = arith.constant 0 : i32
      %dma_wait3A_48 = tpu.memref_slice %arg2[%add3A_1, %mul3A_0, %dma_wait3A_47] : memref<5x100352x8xf32, #tpu.memory_space<hbm>> -> memref<1x6272x8xf32, #tpu.memory_space<hbm>>
      %dma_wait3A_49 = tpu.memref_squeeze %dma_wait3A_48 : memref<1x6272x8xf32, #tpu.memory_space<hbm>> -> memref<6272x8xf32, #tpu.memory_space<hbm>>
      tpu.wait_dma2 semaphore(%run_scoped3A_41 : memref<!tpu.dma_semaphore, #tpu.memory_space<semaphore_mem>>) src(%dma_wait3A_49 : memref<6272x8xf32, #tpu.memory_space<hbm>>) dst(%dma_wait3A_46 : memref<6272x8xf32, #tpu.memory_space<vmem_shared>>)
      tpu.yield
    }) : () -> ()
    %barrier3A = arith.constant 0 : index
    tpu.barrier barrier_id(%barrier3A)
    %scan3A = arith.constant 0 : i32
    %scan3A_4 = arith.constant 0 : i32
    %scan3A_5 = arith.constant 50 : i32
    %scan3A_6 = arith.addi %scan3A_4, %scan3A_5 : i32
    %scan3A_7 = arith.constant 1 : i32
    scf.for %scan3A_41 = %scan3A_4 to %scan3A_6 step %scan3A_7  : i32 {
      %mul3A_42 = arith.constant 2000 : i32
      %mul3A_43 = arith.muli %scan3A_41, %mul3A_42 : i32
      %add3A_44 = arith.addi %mul3A_3, %mul3A_43 : i32
      %run_scoped3A_45 = arith.constant 0 : i32
      "tpu.region"() ({
        %run_scoped3A_57 = tpu.sem_alloc : memref<!tpu.dma_semaphore, #tpu.memory_space<semaphore_mem>>
        %dma_start3A_58 = tpu.memref_slice %arg3[%run_scoped3A_45, %add3A_44] : memref<2x1600000xi32, #tpu.memory_space<hbm>> -> memref<1x2000xi32, #tpu.memory_space<hbm>>
        %dma_start3A_59 = tpu.memref_squeeze %dma_start3A_58 : memref<1x2000xi32, #tpu.memory_space<hbm>> -> memref<2000xi32, #tpu.memory_space<hbm>>
        %dma_start3A_60 = tpu.memref_slice %arg3[%run_scoped3A_45, %add3A_44] : memref<2x1600000xi32, #tpu.memory_space<hbm>> -> memref<1x2000xi32, #tpu.memory_space<hbm>>
        %dma_start3A_61 = tpu.memref_squeeze %dma_start3A_60 : memref<1x2000xi32, #tpu.memory_space<hbm>> -> memref<2000xi32, #tpu.memory_space<hbm>>
        tpu.enqueue_dma source(%dma_start3A_61 : memref<2000xi32, #tpu.memory_space<hbm>>) target(%arg7 : memref<2000xi32, #tpu.memory_space<vmem>>) target_semaphore(%run_scoped3A_57 : memref<!tpu.dma_semaphore, #tpu.memory_space<semaphore_mem>>)
        %dma_wait3A_62 = tpu.memref_slice %arg3[%run_scoped3A_45, %add3A_44] : memref<2x1600000xi32, #tpu.memory_space<hbm>> -> memref<1x2000xi32, #tpu.memory_space<hbm>>
        %dma_wait3A_63 = tpu.memref_squeeze %dma_wait3A_62 : memref<1x2000xi32, #tpu.memory_space<hbm>> -> memref<2000xi32, #tpu.memory_space<hbm>>
        %dma_wait3A_64 = tpu.memref_slice %arg3[%run_scoped3A_45, %add3A_44] : memref<2x1600000xi32, #tpu.memory_space<hbm>> -> memref<1x2000xi32, #tpu.memory_space<hbm>>
        %dma_wait3A_65 = tpu.memref_squeeze %dma_wait3A_64 : memref<1x2000xi32, #tpu.memory_space<hbm>> -> memref<2000xi32, #tpu.memory_space<hbm>>
        tpu.wait_dma2 semaphore(%run_scoped3A_57 : memref<!tpu.dma_semaphore, #tpu.memory_space<semaphore_mem>>) src(%dma_wait3A_65 : memref<2000xi32, #tpu.memory_space<hbm>>) dst(%arg7 : memref<2000xi32, #tpu.memory_space<vmem>>)
        tpu.yield
      }) : () -> ()
      %run_scoped3A_46 = arith.constant 1 : i32
      "tpu.region"() ({
        %run_scoped3A_57 = tpu.sem_alloc : memref<!tpu.dma_semaphore, #tpu.memory_space<semaphore_mem>>
        %dma_start3A_58 = tpu.memref_slice %arg3[%run_scoped3A_46, %add3A_44] : memref<2x1600000xi32, #tpu.memory_space<hbm>> -> memref<1x2000xi32, #tpu.memory_space<hbm>>
        %dma_start3A_59 = tpu.memref_squeeze %dma_start3A_58 : memref<1x2000xi32, #tpu.memory_space<hbm>> -> memref<2000xi32, #tpu.memory_space<hbm>>
        %dma_start3A_60 = tpu.memref_slice %arg3[%run_scoped3A_46, %add3A_44] : memref<2x1600000xi32, #tpu.memory_space<hbm>> -> memref<1x2000xi32, #tpu.memory_space<hbm>>
        %dma_start3A_61 = tpu.memref_squeeze %dma_start3A_60 : memref<1x2000xi32, #tpu.memory_space<hbm>> -> memref<2000xi32, #tpu.memory_space<hbm>>
        tpu.enqueue_dma source(%dma_start3A_61 : memref<2000xi32, #tpu.memory_space<hbm>>) target(%arg8 : memref<2000xi32, #tpu.memory_space<vmem>>) target_semaphore(%run_scoped3A_57 : memref<!tpu.dma_semaphore, #tpu.memory_space<semaphore_mem>>)
        %dma_wait3A_62 = tpu.memref_slice %arg3[%run_scoped3A_46, %add3A_44] : memref<2x1600000xi32, #tpu.memory_space<hbm>> -> memref<1x2000xi32, #tpu.memory_space<hbm>>
        %dma_wait3A_63 = tpu.memref_squeeze %dma_wait3A_62 : memref<1x2000xi32, #tpu.memory_space<hbm>> -> memref<2000xi32, #tpu.memory_space<hbm>>
        %dma_wait3A_64 = tpu.memref_slice %arg3[%run_scoped3A_46, %add3A_44] : memref<2x1600000xi32, #tpu.memory_space<hbm>> -> memref<1x2000xi32, #tpu.memory_space<hbm>>
        %dma_wait3A_65 = tpu.memref_squeeze %dma_wait3A_64 : memref<1x2000xi32, #tpu.memory_space<hbm>> -> memref<2000xi32, #tpu.memory_space<hbm>>
        tpu.wait_dma2 semaphore(%run_scoped3A_57 : memref<!tpu.dma_semaphore, #tpu.memory_space<semaphore_mem>>) src(%dma_wait3A_65 : memref<2000xi32, #tpu.memory_space<hbm>>) dst(%arg8 : memref<2000xi32, #tpu.memory_space<vmem>>)
        tpu.yield
      }) : () -> ()
      %dma_start3A = arith.constant 0 : i32
      %dma_start3A_47 = arith.constant 0 : i32
      %dma_start3A_48 = tpu.memref_slice %arg5[%dma_start3A, %dma_start3A_47] : memref<100352x8xf32, #tpu.memory_space<vmem_shared>> -> memref<100352x8xf32, #tpu.memory_space<vmem_shared>>
      tpu.enqueue_indirect_dma source(%dma_start3A_48 : memref<100352x8xf32, #tpu.memory_space<vmem_shared>>) target(%arg9 : memref<2000x8xf32, #tpu.memory_space<vmem>>) offsets(%arg7 : memref<2000xi32, #tpu.memory_space<vmem>>) semaphore(%arg10 : memref<!tpu.dma_semaphore, #tpu.memory_space<semaphore_mem>>)
      %dma_wait3A = arith.constant 0 : i32
      %dma_wait3A_49 = arith.constant 0 : i32
      %dma_wait3A_50 = tpu.memref_slice %arg5[%dma_wait3A, %dma_wait3A_49] : memref<100352x8xf32, #tpu.memory_space<vmem_shared>> -> memref<100352x8xf32, #tpu.memory_space<vmem_shared>>
      tpu.wait_indirect_dma semaphore(%arg10 : memref<!tpu.dma_semaphore, #tpu.memory_space<semaphore_mem>>) src(%dma_wait3A_50 : memref<100352x8xf32, #tpu.memory_space<vmem_shared>>) dst(%arg9 : memref<2000x8xf32, #tpu.memory_space<vmem>>)
      %dma_start3A_51 = arith.constant 0 : i32
      %dma_start3A_52 = arith.constant 0 : i32
      %dma_start3A_53 = tpu.memref_slice %arg6[%dma_start3A_51, %dma_start3A_52] : memref<100352x8xf32, #tpu.memory_space<vmem_shared>> -> memref<100352x8xf32, #tpu.memory_space<vmem_shared>>
      tpu.enqueue_indirect_dma source(%arg9 : memref<2000x8xf32, #tpu.memory_space<vmem>>) target(%dma_start3A_53 : memref<100352x8xf32, #tpu.memory_space<vmem_shared>>) offsets(%arg8 : memref<2000xi32, #tpu.memory_space<vmem>>) semaphore(%arg11 : memref<!tpu.dma_semaphore, #tpu.memory_space<semaphore_mem>>) {add = true}
      %dma_wait3A_54 = arith.constant 0 : i32
      %dma_wait3A_55 = arith.constant 0 : i32
      %dma_wait3A_56 = tpu.memref_slice %arg6[%dma_wait3A_54, %dma_wait3A_55] : memref<100352x8xf32, #tpu.memory_space<vmem_shared>> -> memref<100352x8xf32, #tpu.memory_space<vmem_shared>>
      tpu.wait_indirect_dma semaphore(%arg11 : memref<!tpu.dma_semaphore, #tpu.memory_space<semaphore_mem>>) src(%arg9 : memref<2000x8xf32, #tpu.memory_space<vmem>>) dst(%dma_wait3A_56 : memref<100352x8xf32, #tpu.memory_space<vmem_shared>>)
    }
    %scan3A_8 = arith.constant 50 : i32
    %barrier3A_9 = arith.constant 0 : index
    tpu.barrier barrier_id(%barrier3A_9)
    "tpu.region"() ({
      %run_scoped3A_41 = tpu.sem_alloc : memref<!tpu.dma_semaphore, #tpu.memory_space<semaphore_mem>>
      %dma_start3A = arith.constant 0 : i32
      %dma_start3A_42 = tpu.memref_slice %arg4[%add3A_1, %mul3A_0, %dma_start3A] : memref<6x100352x8xf32, #tpu.memory_space<hbm>> -> memref<1x6272x8xf32, #tpu.memory_space<hbm>>
      %dma_start3A_43 = tpu.memref_squeeze %dma_start3A_42 : memref<1x6272x8xf32, #tpu.memory_space<hbm>> -> memref<6272x8xf32, #tpu.memory_space<hbm>>
      %dma_start3A_44 = arith.constant 0 : i32
      %dma_start3A_45 = tpu.memref_slice %arg6[%mul3A_0, %dma_start3A_44] : memref<100352x8xf32, #tpu.memory_space<vmem_shared>> -> memref<6272x8xf32, #tpu.memory_space<vmem_shared>>
      tpu.enqueue_dma source(%dma_start3A_45 : memref<6272x8xf32, #tpu.memory_space<vmem_shared>>) target(%dma_start3A_43 : memref<6272x8xf32, #tpu.memory_space<hbm>>) target_semaphore(%run_scoped3A_41 : memref<!tpu.dma_semaphore, #tpu.memory_space<semaphore_mem>>)
      %dma_wait3A = arith.constant 0 : i32
      %dma_wait3A_46 = tpu.memref_slice %arg4[%add3A_1, %mul3A_0, %dma_wait3A] : memref<6x100352x8xf32, #tpu.memory_space<hbm>> -> memref<1x6272x8xf32, #tpu.memory_space<hbm>>
      %dma_wait3A_47 = tpu.memref_squeeze %dma_wait3A_46 : memref<1x6272x8xf32, #tpu.memory_space<hbm>> -> memref<6272x8xf32, #tpu.memory_space<hbm>>
      %dma_wait3A_48 = arith.constant 0 : i32
      %dma_wait3A_49 = tpu.memref_slice %arg6[%mul3A_0, %dma_wait3A_48] : memref<100352x8xf32, #tpu.memory_space<vmem_shared>> -> memref<6272x8xf32, #tpu.memory_space<vmem_shared>>
      tpu.wait_dma2 semaphore(%run_scoped3A_41 : memref<!tpu.dma_semaphore, #tpu.memory_space<semaphore_mem>>) src(%dma_wait3A_49 : memref<6272x8xf32, #tpu.memory_space<vmem_shared>>) dst(%dma_wait3A_47 : memref<6272x8xf32, #tpu.memory_space<hbm>>)
      tpu.yield
    }) : () -> ()
    %barrier3A_10 = arith.constant 0 : index
    tpu.barrier barrier_id(%barrier3A_10)
    %add3A_11 = arith.constant 2 : i32
    %add3A_12 = arith.addi %add3A_11, %arg0 : i32
    %mul3A_13 = arith.constant 100000 : i32
    %mul3A_14 = arith.muli %arg1, %mul3A_13 : i32
    "tpu.region"() ({
      %run_scoped3A_41 = tpu.sem_alloc : memref<!tpu.dma_semaphore, #tpu.memory_space<semaphore_mem>>
      %dma_start3A = arith.constant 0 : i32
      %dma_start3A_42 = tpu.memref_slice %arg5[%mul3A_0, %dma_start3A] : memref<100352x8xf32, #tpu.memory_space<vmem_shared>> -> memref<6272x8xf32, #tpu.memory_space<vmem_shared>>
      %dma_start3A_43 = arith.constant 0 : i32
      %dma_start3A_44 = tpu.memref_slice %arg2[%add3A_12, %mul3A_0, %dma_start3A_43] : memref<5x100352x8xf32, #tpu.memory_space<hbm>> -> memref<1x6272x8xf32, #tpu.memory_space<hbm>>
      %dma_start3A_45 = tpu.memref_squeeze %dma_start3A_44 : memref<1x6272x8xf32, #tpu.memory_space<hbm>> -> memref<6272x8xf32, #tpu.memory_space<hbm>>
      tpu.enqueue_dma source(%dma_start3A_45 : memref<6272x8xf32, #tpu.memory_space<hbm>>) target(%dma_start3A_42 : memref<6272x8xf32, #tpu.memory_space<vmem_shared>>) target_semaphore(%run_scoped3A_41 : memref<!tpu.dma_semaphore, #tpu.memory_space<semaphore_mem>>)
      %dma_wait3A = arith.constant 0 : i32
      %dma_wait3A_46 = tpu.memref_slice %arg5[%mul3A_0, %dma_wait3A] : memref<100352x8xf32, #tpu.memory_space<vmem_shared>> -> memref<6272x8xf32, #tpu.memory_space<vmem_shared>>
      %dma_wait3A_47 = arith.constant 0 : i32
      %dma_wait3A_48 = tpu.memref_slice %arg2[%add3A_12, %mul3A_0, %dma_wait3A_47] : memref<5x100352x8xf32, #tpu.memory_space<hbm>> -> memref<1x6272x8xf32, #tpu.memory_space<hbm>>
      %dma_wait3A_49 = tpu.memref_squeeze %dma_wait3A_48 : memref<1x6272x8xf32, #tpu.memory_space<hbm>> -> memref<6272x8xf32, #tpu.memory_space<hbm>>
      tpu.wait_dma2 semaphore(%run_scoped3A_41 : memref<!tpu.dma_semaphore, #tpu.memory_space<semaphore_mem>>) src(%dma_wait3A_49 : memref<6272x8xf32, #tpu.memory_space<hbm>>) dst(%dma_wait3A_46 : memref<6272x8xf32, #tpu.memory_space<vmem_shared>>)
      tpu.yield
    }) : () -> ()
    "tpu.region"() ({
      %run_scoped3A_41 = tpu.sem_alloc : memref<!tpu.dma_semaphore, #tpu.memory_space<semaphore_mem>>
      %dma_start3A = arith.constant 0 : i32
      %dma_start3A_42 = tpu.memref_slice %arg6[%mul3A_0, %dma_start3A] : memref<100352x8xf32, #tpu.memory_space<vmem_shared>> -> memref<6272x8xf32, #tpu.memory_space<vmem_shared>>
      %dma_start3A_43 = arith.constant 0 : i32
      %dma_start3A_44 = tpu.memref_slice %arg2[%add3A_12, %mul3A_0, %dma_start3A_43] : memref<5x100352x8xf32, #tpu.memory_space<hbm>> -> memref<1x6272x8xf32, #tpu.memory_space<hbm>>
      %dma_start3A_45 = tpu.memref_squeeze %dma_start3A_44 : memref<1x6272x8xf32, #tpu.memory_space<hbm>> -> memref<6272x8xf32, #tpu.memory_space<hbm>>
      tpu.enqueue_dma source(%dma_start3A_45 : memref<6272x8xf32, #tpu.memory_space<hbm>>) target(%dma_start3A_42 : memref<6272x8xf32, #tpu.memory_space<vmem_shared>>) target_semaphore(%run_scoped3A_41 : memref<!tpu.dma_semaphore, #tpu.memory_space<semaphore_mem>>)
      %dma_wait3A = arith.constant 0 : i32
      %dma_wait3A_46 = tpu.memref_slice %arg6[%mul3A_0, %dma_wait3A] : memref<100352x8xf32, #tpu.memory_space<vmem_shared>> -> memref<6272x8xf32, #tpu.memory_space<vmem_shared>>
      %dma_wait3A_47 = arith.constant 0 : i32
      %dma_wait3A_48 = tpu.memref_slice %arg2[%add3A_12, %mul3A_0, %dma_wait3A_47] : memref<5x100352x8xf32, #tpu.memory_space<hbm>> -> memref<1x6272x8xf32, #tpu.memory_space<hbm>>
      %dma_wait3A_49 = tpu.memref_squeeze %dma_wait3A_48 : memref<1x6272x8xf32, #tpu.memory_space<hbm>> -> memref<6272x8xf32, #tpu.memory_space<hbm>>
      tpu.wait_dma2 semaphore(%run_scoped3A_41 : memref<!tpu.dma_semaphore, #tpu.memory_space<semaphore_mem>>) src(%dma_wait3A_49 : memref<6272x8xf32, #tpu.memory_space<hbm>>) dst(%dma_wait3A_46 : memref<6272x8xf32, #tpu.memory_space<vmem_shared>>)
      tpu.yield
    }) : () -> ()
    %barrier3A_15 = arith.constant 0 : index
    tpu.barrier barrier_id(%barrier3A_15)
    %scan3A_16 = arith.constant 0 : i32
    %scan3A_17 = arith.constant 0 : i32
    %scan3A_18 = arith.constant 50 : i32
    %scan3A_19 = arith.addi %scan3A_17, %scan3A_18 : i32
    %scan3A_20 = arith.constant 1 : i32
    scf.for %scan3A_41 = %scan3A_17 to %scan3A_19 step %scan3A_20  : i32 {
      %mul3A_42 = arith.constant 2000 : i32
      %mul3A_43 = arith.muli %scan3A_41, %mul3A_42 : i32
      %add3A_44 = arith.addi %mul3A_14, %mul3A_43 : i32
      %run_scoped3A_45 = arith.constant 0 : i32
      "tpu.region"() ({
        %run_scoped3A_57 = tpu.sem_alloc : memref<!tpu.dma_semaphore, #tpu.memory_space<semaphore_mem>>
        %dma_start3A_58 = tpu.memref_slice %arg3[%run_scoped3A_45, %add3A_44] : memref<2x1600000xi32, #tpu.memory_space<hbm>> -> memref<1x2000xi32, #tpu.memory_space<hbm>>
        %dma_start3A_59 = tpu.memref_squeeze %dma_start3A_58 : memref<1x2000xi32, #tpu.memory_space<hbm>> -> memref<2000xi32, #tpu.memory_space<hbm>>
        %dma_start3A_60 = tpu.memref_slice %arg3[%run_scoped3A_45, %add3A_44] : memref<2x1600000xi32, #tpu.memory_space<hbm>> -> memref<1x2000xi32, #tpu.memory_space<hbm>>
        %dma_start3A_61 = tpu.memref_squeeze %dma_start3A_60 : memref<1x2000xi32, #tpu.memory_space<hbm>> -> memref<2000xi32, #tpu.memory_space<hbm>>
        tpu.enqueue_dma source(%dma_start3A_61 : memref<2000xi32, #tpu.memory_space<hbm>>) target(%arg7 : memref<2000xi32, #tpu.memory_space<vmem>>) target_semaphore(%run_scoped3A_57 : memref<!tpu.dma_semaphore, #tpu.memory_space<semaphore_mem>>)
        %dma_wait3A_62 = tpu.memref_slice %arg3[%run_scoped3A_45, %add3A_44] : memref<2x1600000xi32, #tpu.memory_space<hbm>> -> memref<1x2000xi32, #tpu.memory_space<hbm>>
        %dma_wait3A_63 = tpu.memref_squeeze %dma_wait3A_62 : memref<1x2000xi32, #tpu.memory_space<hbm>> -> memref<2000xi32, #tpu.memory_space<hbm>>
        %dma_wait3A_64 = tpu.memref_slice %arg3[%run_scoped3A_45, %add3A_44] : memref<2x1600000xi32, #tpu.memory_space<hbm>> -> memref<1x2000xi32, #tpu.memory_space<hbm>>
        %dma_wait3A_65 = tpu.memref_squeeze %dma_wait3A_64 : memref<1x2000xi32, #tpu.memory_space<hbm>> -> memref<2000xi32, #tpu.memory_space<hbm>>
        tpu.wait_dma2 semaphore(%run_scoped3A_57 : memref<!tpu.dma_semaphore, #tpu.memory_space<semaphore_mem>>) src(%dma_wait3A_65 : memref<2000xi32, #tpu.memory_space<hbm>>) dst(%arg7 : memref<2000xi32, #tpu.memory_space<vmem>>)
        tpu.yield
      }) : () -> ()
      %run_scoped3A_46 = arith.constant 1 : i32
      "tpu.region"() ({
        %run_scoped3A_57 = tpu.sem_alloc : memref<!tpu.dma_semaphore, #tpu.memory_space<semaphore_mem>>
        %dma_start3A_58 = tpu.memref_slice %arg3[%run_scoped3A_46, %add3A_44] : memref<2x1600000xi32, #tpu.memory_space<hbm>> -> memref<1x2000xi32, #tpu.memory_space<hbm>>
        %dma_start3A_59 = tpu.memref_squeeze %dma_start3A_58 : memref<1x2000xi32, #tpu.memory_space<hbm>> -> memref<2000xi32, #tpu.memory_space<hbm>>
        %dma_start3A_60 = tpu.memref_slice %arg3[%run_scoped3A_46, %add3A_44] : memref<2x1600000xi32, #tpu.memory_space<hbm>> -> memref<1x2000xi32, #tpu.memory_space<hbm>>
        %dma_start3A_61 = tpu.memref_squeeze %dma_start3A_60 : memref<1x2000xi32, #tpu.memory_space<hbm>> -> memref<2000xi32, #tpu.memory_space<hbm>>
        tpu.enqueue_dma source(%dma_start3A_61 : memref<2000xi32, #tpu.memory_space<hbm>>) target(%arg8 : memref<2000xi32, #tpu.memory_space<vmem>>) target_semaphore(%run_scoped3A_57 : memref<!tpu.dma_semaphore, #tpu.memory_space<semaphore_mem>>)
        %dma_wait3A_62 = tpu.memref_slice %arg3[%run_scoped3A_46, %add3A_44] : memref<2x1600000xi32, #tpu.memory_space<hbm>> -> memref<1x2000xi32, #tpu.memory_space<hbm>>
        %dma_wait3A_63 = tpu.memref_squeeze %dma_wait3A_62 : memref<1x2000xi32, #tpu.memory_space<hbm>> -> memref<2000xi32, #tpu.memory_space<hbm>>
        %dma_wait3A_64 = tpu.memref_slice %arg3[%run_scoped3A_46, %add3A_44] : memref<2x1600000xi32, #tpu.memory_space<hbm>> -> memref<1x2000xi32, #tpu.memory_space<hbm>>
        %dma_wait3A_65 = tpu.memref_squeeze %dma_wait3A_64 : memref<1x2000xi32, #tpu.memory_space<hbm>> -> memref<2000xi32, #tpu.memory_space<hbm>>
        tpu.wait_dma2 semaphore(%run_scoped3A_57 : memref<!tpu.dma_semaphore, #tpu.memory_space<semaphore_mem>>) src(%dma_wait3A_65 : memref<2000xi32, #tpu.memory_space<hbm>>) dst(%arg8 : memref<2000xi32, #tpu.memory_space<vmem>>)
        tpu.yield
      }) : () -> ()
      %dma_start3A = arith.constant 0 : i32
      %dma_start3A_47 = arith.constant 0 : i32
      %dma_start3A_48 = tpu.memref_slice %arg5[%dma_start3A, %dma_start3A_47] : memref<100352x8xf32, #tpu.memory_space<vmem_shared>> -> memref<100352x8xf32, #tpu.memory_space<vmem_shared>>
      tpu.enqueue_indirect_dma source(%dma_start3A_48 : memref<100352x8xf32, #tpu.memory_space<vmem_shared>>) target(%arg9 : memref<2000x8xf32, #tpu.memory_space<vmem>>) offsets(%arg7 : memref<2000xi32, #tpu.memory_space<vmem>>) semaphore(%arg10 : memref<!tpu.dma_semaphore, #tpu.memory_space<semaphore_mem>>)
      %dma_wait3A = arith.constant 0 : i32
      %dma_wait3A_49 = arith.constant 0 : i32
      %dma_wait3A_50 = tpu.memref_slice %arg5[%dma_wait3A, %dma_wait3A_49] : memref<100352x8xf32, #tpu.memory_space<vmem_shared>> -> memref<100352x8xf32, #tpu.memory_space<vmem_shared>>
      tpu.wait_indirect_dma semaphore(%arg10 : memref<!tpu.dma_semaphore, #tpu.memory_space<semaphore_mem>>) src(%dma_wait3A_50 : memref<100352x8xf32, #tpu.memory_space<vmem_shared>>) dst(%arg9 : memref<2000x8xf32, #tpu.memory_space<vmem>>)
      %dma_start3A_51 = arith.constant 0 : i32
      %dma_start3A_52 = arith.constant 0 : i32
      %dma_start3A_53 = tpu.memref_slice %arg6[%dma_start3A_51, %dma_start3A_52] : memref<100352x8xf32, #tpu.memory_space<vmem_shared>> -> memref<100352x8xf32, #tpu.memory_space<vmem_shared>>
      tpu.enqueue_indirect_dma source(%arg9 : memref<2000x8xf32, #tpu.memory_space<vmem>>) target(%dma_start3A_53 : memref<100352x8xf32, #tpu.memory_space<vmem_shared>>) offsets(%arg8 : memref<2000xi32, #tpu.memory_space<vmem>>) semaphore(%arg11 : memref<!tpu.dma_semaphore, #tpu.memory_space<semaphore_mem>>) {add = true}
      %dma_wait3A_54 = arith.constant 0 : i32
      %dma_wait3A_55 = arith.constant 0 : i32
      %dma_wait3A_56 = tpu.memref_slice %arg6[%dma_wait3A_54, %dma_wait3A_55] : memref<100352x8xf32, #tpu.memory_space<vmem_shared>> -> memref<100352x8xf32, #tpu.memory_space<vmem_shared>>
      tpu.wait_indirect_dma semaphore(%arg11 : memref<!tpu.dma_semaphore, #tpu.memory_space<semaphore_mem>>) src(%arg9 : memref<2000x8xf32, #tpu.memory_space<vmem>>) dst(%dma_wait3A_56 : memref<100352x8xf32, #tpu.memory_space<vmem_shared>>)
    }
    %scan3A_21 = arith.constant 50 : i32
    %barrier3A_22 = arith.constant 0 : index
    tpu.barrier barrier_id(%barrier3A_22)
    "tpu.region"() ({
      %run_scoped3A_41 = tpu.sem_alloc : memref<!tpu.dma_semaphore, #tpu.memory_space<semaphore_mem>>
      %dma_start3A = arith.constant 0 : i32
      %dma_start3A_42 = tpu.memref_slice %arg4[%add3A_12, %mul3A_0, %dma_start3A] : memref<6x100352x8xf32, #tpu.memory_space<hbm>> -> memref<1x6272x8xf32, #tpu.memory_space<hbm>>
      %dma_start3A_43 = tpu.memref_squeeze %dma_start3A_42 : memref<1x6272x8xf32, #tpu.memory_space<hbm>> -> memref<6272x8xf32, #tpu.memory_space<hbm>>
      %dma_start3A_44 = arith.constant 0 : i32
      %dma_start3A_45 = tpu.memref_slice %arg6[%mul3A_0, %dma_start3A_44] : memref<100352x8xf32, #tpu.memory_space<vmem_shared>> -> memref<6272x8xf32, #tpu.memory_space<vmem_shared>>
      tpu.enqueue_dma source(%dma_start3A_45 : memref<6272x8xf32, #tpu.memory_space<vmem_shared>>) target(%dma_start3A_43 : memref<6272x8xf32, #tpu.memory_space<hbm>>) target_semaphore(%run_scoped3A_41 : memref<!tpu.dma_semaphore, #tpu.memory_space<semaphore_mem>>)
      %dma_wait3A = arith.constant 0 : i32
      %dma_wait3A_46 = tpu.memref_slice %arg4[%add3A_12, %mul3A_0, %dma_wait3A] : memref<6x100352x8xf32, #tpu.memory_space<hbm>> -> memref<1x6272x8xf32, #tpu.memory_space<hbm>>
      %dma_wait3A_47 = tpu.memref_squeeze %dma_wait3A_46 : memref<1x6272x8xf32, #tpu.memory_space<hbm>> -> memref<6272x8xf32, #tpu.memory_space<hbm>>
      %dma_wait3A_48 = arith.constant 0 : i32
      %dma_wait3A_49 = tpu.memref_slice %arg6[%mul3A_0, %dma_wait3A_48] : memref<100352x8xf32, #tpu.memory_space<vmem_shared>> -> memref<6272x8xf32, #tpu.memory_space<vmem_shared>>
      tpu.wait_dma2 semaphore(%run_scoped3A_41 : memref<!tpu.dma_semaphore, #tpu.memory_space<semaphore_mem>>) src(%dma_wait3A_49 : memref<6272x8xf32, #tpu.memory_space<vmem_shared>>) dst(%dma_wait3A_47 : memref<6272x8xf32, #tpu.memory_space<hbm>>)
      tpu.yield
    }) : () -> ()
    %barrier3A_23 = arith.constant 0 : index
    tpu.barrier barrier_id(%barrier3A_23)
    %add3A_24 = arith.constant 4 : i32
    %add3A_25 = arith.addi %add3A_24, %arg0 : i32
    %mul3A_26 = arith.constant 800000 : i32
    %mul3A_27 = arith.muli %arg0, %mul3A_26 : i32
    %mul3A_28 = arith.constant 50000 : i32
    %mul3A_29 = arith.muli %arg1, %mul3A_28 : i32
    %add3A_30 = arith.addi %mul3A_27, %mul3A_29 : i32
    %run_scoped3A = arith.constant 4 : i32
    "tpu.region"() ({
      %run_scoped3A_41 = tpu.sem_alloc : memref<!tpu.dma_semaphore, #tpu.memory_space<semaphore_mem>>
      %dma_start3A = arith.constant 0 : i32
      %dma_start3A_42 = tpu.memref_slice %arg5[%mul3A_0, %dma_start3A] : memref<100352x8xf32, #tpu.memory_space<vmem_shared>> -> memref<6272x8xf32, #tpu.memory_space<vmem_shared>>
      %dma_start3A_43 = arith.constant 0 : i32
      %dma_start3A_44 = tpu.memref_slice %arg2[%run_scoped3A, %mul3A_0, %dma_start3A_43] : memref<5x100352x8xf32, #tpu.memory_space<hbm>> -> memref<1x6272x8xf32, #tpu.memory_space<hbm>>
      %dma_start3A_45 = tpu.memref_squeeze %dma_start3A_44 : memref<1x6272x8xf32, #tpu.memory_space<hbm>> -> memref<6272x8xf32, #tpu.memory_space<hbm>>
      tpu.enqueue_dma source(%dma_start3A_45 : memref<6272x8xf32, #tpu.memory_space<hbm>>) target(%dma_start3A_42 : memref<6272x8xf32, #tpu.memory_space<vmem_shared>>) target_semaphore(%run_scoped3A_41 : memref<!tpu.dma_semaphore, #tpu.memory_space<semaphore_mem>>)
      %dma_wait3A = arith.constant 0 : i32
      %dma_wait3A_46 = tpu.memref_slice %arg5[%mul3A_0, %dma_wait3A] : memref<100352x8xf32, #tpu.memory_space<vmem_shared>> -> memref<6272x8xf32, #tpu.memory_space<vmem_shared>>
      %dma_wait3A_47 = arith.constant 0 : i32
      %dma_wait3A_48 = tpu.memref_slice %arg2[%run_scoped3A, %mul3A_0, %dma_wait3A_47] : memref<5x100352x8xf32, #tpu.memory_space<hbm>> -> memref<1x6272x8xf32, #tpu.memory_space<hbm>>
      %dma_wait3A_49 = tpu.memref_squeeze %dma_wait3A_48 : memref<1x6272x8xf32, #tpu.memory_space<hbm>> -> memref<6272x8xf32, #tpu.memory_space<hbm>>
      tpu.wait_dma2 semaphore(%run_scoped3A_41 : memref<!tpu.dma_semaphore, #tpu.memory_space<semaphore_mem>>) src(%dma_wait3A_49 : memref<6272x8xf32, #tpu.memory_space<hbm>>) dst(%dma_wait3A_46 : memref<6272x8xf32, #tpu.memory_space<vmem_shared>>)
      tpu.yield
    }) : () -> ()
    %run_scoped3A_31 = arith.constant 4 : i32
    "tpu.region"() ({
      %run_scoped3A_41 = tpu.sem_alloc : memref<!tpu.dma_semaphore, #tpu.memory_space<semaphore_mem>>
      %dma_start3A = arith.constant 0 : i32
      %dma_start3A_42 = tpu.memref_slice %arg6[%mul3A_0, %dma_start3A] : memref<100352x8xf32, #tpu.memory_space<vmem_shared>> -> memref<6272x8xf32, #tpu.memory_space<vmem_shared>>
      %dma_start3A_43 = arith.constant 0 : i32
      %dma_start3A_44 = tpu.memref_slice %arg2[%run_scoped3A_31, %mul3A_0, %dma_start3A_43] : memref<5x100352x8xf32, #tpu.memory_space<hbm>> -> memref<1x6272x8xf32, #tpu.memory_space<hbm>>
      %dma_start3A_45 = tpu.memref_squeeze %dma_start3A_44 : memref<1x6272x8xf32, #tpu.memory_space<hbm>> -> memref<6272x8xf32, #tpu.memory_space<hbm>>
      tpu.enqueue_dma source(%dma_start3A_45 : memref<6272x8xf32, #tpu.memory_space<hbm>>) target(%dma_start3A_42 : memref<6272x8xf32, #tpu.memory_space<vmem_shared>>) target_semaphore(%run_scoped3A_41 : memref<!tpu.dma_semaphore, #tpu.memory_space<semaphore_mem>>)
      %dma_wait3A = arith.constant 0 : i32
      %dma_wait3A_46 = tpu.memref_slice %arg6[%mul3A_0, %dma_wait3A] : memref<100352x8xf32, #tpu.memory_space<vmem_shared>> -> memref<6272x8xf32, #tpu.memory_space<vmem_shared>>
      %dma_wait3A_47 = arith.constant 0 : i32
      %dma_wait3A_48 = tpu.memref_slice %arg2[%run_scoped3A_31, %mul3A_0, %dma_wait3A_47] : memref<5x100352x8xf32, #tpu.memory_space<hbm>> -> memref<1x6272x8xf32, #tpu.memory_space<hbm>>
      %dma_wait3A_49 = tpu.memref_squeeze %dma_wait3A_48 : memref<1x6272x8xf32, #tpu.memory_space<hbm>> -> memref<6272x8xf32, #tpu.memory_space<hbm>>
      tpu.wait_dma2 semaphore(%run_scoped3A_41 : memref<!tpu.dma_semaphore, #tpu.memory_space<semaphore_mem>>) src(%dma_wait3A_49 : memref<6272x8xf32, #tpu.memory_space<hbm>>) dst(%dma_wait3A_46 : memref<6272x8xf32, #tpu.memory_space<vmem_shared>>)
      tpu.yield
    }) : () -> ()
    %barrier3A_32 = arith.constant 0 : index
    tpu.barrier barrier_id(%barrier3A_32)
    %scan3A_33 = arith.constant 0 : i32
    %scan3A_34 = arith.constant 0 : i32
    %scan3A_35 = arith.constant 25 : i32
    %scan3A_36 = arith.addi %scan3A_34, %scan3A_35 : i32
    %scan3A_37 = arith.constant 1 : i32
    scf.for %scan3A_41 = %scan3A_34 to %scan3A_36 step %scan3A_37  : i32 {
      %mul3A_42 = arith.constant 2000 : i32
      %mul3A_43 = arith.muli %scan3A_41, %mul3A_42 : i32
      %add3A_44 = arith.addi %add3A_30, %mul3A_43 : i32
      %run_scoped3A_45 = arith.constant 0 : i32
      "tpu.region"() ({
        %run_scoped3A_57 = tpu.sem_alloc : memref<!tpu.dma_semaphore, #tpu.memory_space<semaphore_mem>>
        %dma_start3A_58 = tpu.memref_slice %arg3[%run_scoped3A_45, %add3A_44] : memref<2x1600000xi32, #tpu.memory_space<hbm>> -> memref<1x2000xi32, #tpu.memory_space<hbm>>
        %dma_start3A_59 = tpu.memref_squeeze %dma_start3A_58 : memref<1x2000xi32, #tpu.memory_space<hbm>> -> memref<2000xi32, #tpu.memory_space<hbm>>
        %dma_start3A_60 = tpu.memref_slice %arg3[%run_scoped3A_45, %add3A_44] : memref<2x1600000xi32, #tpu.memory_space<hbm>> -> memref<1x2000xi32, #tpu.memory_space<hbm>>
        %dma_start3A_61 = tpu.memref_squeeze %dma_start3A_60 : memref<1x2000xi32, #tpu.memory_space<hbm>> -> memref<2000xi32, #tpu.memory_space<hbm>>
        tpu.enqueue_dma source(%dma_start3A_61 : memref<2000xi32, #tpu.memory_space<hbm>>) target(%arg7 : memref<2000xi32, #tpu.memory_space<vmem>>) target_semaphore(%run_scoped3A_57 : memref<!tpu.dma_semaphore, #tpu.memory_space<semaphore_mem>>)
        %dma_wait3A_62 = tpu.memref_slice %arg3[%run_scoped3A_45, %add3A_44] : memref<2x1600000xi32, #tpu.memory_space<hbm>> -> memref<1x2000xi32, #tpu.memory_space<hbm>>
        %dma_wait3A_63 = tpu.memref_squeeze %dma_wait3A_62 : memref<1x2000xi32, #tpu.memory_space<hbm>> -> memref<2000xi32, #tpu.memory_space<hbm>>
        %dma_wait3A_64 = tpu.memref_slice %arg3[%run_scoped3A_45, %add3A_44] : memref<2x1600000xi32, #tpu.memory_space<hbm>> -> memref<1x2000xi32, #tpu.memory_space<hbm>>
        %dma_wait3A_65 = tpu.memref_squeeze %dma_wait3A_64 : memref<1x2000xi32, #tpu.memory_space<hbm>> -> memref<2000xi32, #tpu.memory_space<hbm>>
        tpu.wait_dma2 semaphore(%run_scoped3A_57 : memref<!tpu.dma_semaphore, #tpu.memory_space<semaphore_mem>>) src(%dma_wait3A_65 : memref<2000xi32, #tpu.memory_space<hbm>>) dst(%arg7 : memref<2000xi32, #tpu.memory_space<vmem>>)
        tpu.yield
      }) : () -> ()
      %run_scoped3A_46 = arith.constant 1 : i32
      "tpu.region"() ({
        %run_scoped3A_57 = tpu.sem_alloc : memref<!tpu.dma_semaphore, #tpu.memory_space<semaphore_mem>>
        %dma_start3A_58 = tpu.memref_slice %arg3[%run_scoped3A_46, %add3A_44] : memref<2x1600000xi32, #tpu.memory_space<hbm>> -> memref<1x2000xi32, #tpu.memory_space<hbm>>
        %dma_start3A_59 = tpu.memref_squeeze %dma_start3A_58 : memref<1x2000xi32, #tpu.memory_space<hbm>> -> memref<2000xi32, #tpu.memory_space<hbm>>
        %dma_start3A_60 = tpu.memref_slice %arg3[%run_scoped3A_46, %add3A_44] : memref<2x1600000xi32, #tpu.memory_space<hbm>> -> memref<1x2000xi32, #tpu.memory_space<hbm>>
        %dma_start3A_61 = tpu.memref_squeeze %dma_start3A_60 : memref<1x2000xi32, #tpu.memory_space<hbm>> -> memref<2000xi32, #tpu.memory_space<hbm>>
        tpu.enqueue_dma source(%dma_start3A_61 : memref<2000xi32, #tpu.memory_space<hbm>>) target(%arg8 : memref<2000xi32, #tpu.memory_space<vmem>>) target_semaphore(%run_scoped3A_57 : memref<!tpu.dma_semaphore, #tpu.memory_space<semaphore_mem>>)
        %dma_wait3A_62 = tpu.memref_slice %arg3[%run_scoped3A_46, %add3A_44] : memref<2x1600000xi32, #tpu.memory_space<hbm>> -> memref<1x2000xi32, #tpu.memory_space<hbm>>
        %dma_wait3A_63 = tpu.memref_squeeze %dma_wait3A_62 : memref<1x2000xi32, #tpu.memory_space<hbm>> -> memref<2000xi32, #tpu.memory_space<hbm>>
        %dma_wait3A_64 = tpu.memref_slice %arg3[%run_scoped3A_46, %add3A_44] : memref<2x1600000xi32, #tpu.memory_space<hbm>> -> memref<1x2000xi32, #tpu.memory_space<hbm>>
        %dma_wait3A_65 = tpu.memref_squeeze %dma_wait3A_64 : memref<1x2000xi32, #tpu.memory_space<hbm>> -> memref<2000xi32, #tpu.memory_space<hbm>>
        tpu.wait_dma2 semaphore(%run_scoped3A_57 : memref<!tpu.dma_semaphore, #tpu.memory_space<semaphore_mem>>) src(%dma_wait3A_65 : memref<2000xi32, #tpu.memory_space<hbm>>) dst(%arg8 : memref<2000xi32, #tpu.memory_space<vmem>>)
        tpu.yield
      }) : () -> ()
      %dma_start3A = arith.constant 0 : i32
      %dma_start3A_47 = arith.constant 0 : i32
      %dma_start3A_48 = tpu.memref_slice %arg5[%dma_start3A, %dma_start3A_47] : memref<100352x8xf32, #tpu.memory_space<vmem_shared>> -> memref<100352x8xf32, #tpu.memory_space<vmem_shared>>
      tpu.enqueue_indirect_dma source(%dma_start3A_48 : memref<100352x8xf32, #tpu.memory_space<vmem_shared>>) target(%arg9 : memref<2000x8xf32, #tpu.memory_space<vmem>>) offsets(%arg7 : memref<2000xi32, #tpu.memory_space<vmem>>) semaphore(%arg10 : memref<!tpu.dma_semaphore, #tpu.memory_space<semaphore_mem>>)
      %dma_wait3A = arith.constant 0 : i32
      %dma_wait3A_49 = arith.constant 0 : i32
      %dma_wait3A_50 = tpu.memref_slice %arg5[%dma_wait3A, %dma_wait3A_49] : memref<100352x8xf32, #tpu.memory_space<vmem_shared>> -> memref<100352x8xf32, #tpu.memory_space<vmem_shared>>
      tpu.wait_indirect_dma semaphore(%arg10 : memref<!tpu.dma_semaphore, #tpu.memory_space<semaphore_mem>>) src(%dma_wait3A_50 : memref<100352x8xf32, #tpu.memory_space<vmem_shared>>) dst(%arg9 : memref<2000x8xf32, #tpu.memory_space<vmem>>)
      %dma_start3A_51 = arith.constant 0 : i32
      %dma_start3A_52 = arith.constant 0 : i32
      %dma_start3A_53 = tpu.memref_slice %arg6[%dma_start3A_51, %dma_start3A_52] : memref<100352x8xf32, #tpu.memory_space<vmem_shared>> -> memref<100352x8xf32, #tpu.memory_space<vmem_shared>>
      tpu.enqueue_indirect_dma source(%arg9 : memref<2000x8xf32, #tpu.memory_space<vmem>>) target(%dma_start3A_53 : memref<100352x8xf32, #tpu.memory_space<vmem_shared>>) offsets(%arg8 : memref<2000xi32, #tpu.memory_space<vmem>>) semaphore(%arg11 : memref<!tpu.dma_semaphore, #tpu.memory_space<semaphore_mem>>) {add = true}
      %dma_wait3A_54 = arith.constant 0 : i32
      %dma_wait3A_55 = arith.constant 0 : i32
      %dma_wait3A_56 = tpu.memref_slice %arg6[%dma_wait3A_54, %dma_wait3A_55] : memref<100352x8xf32, #tpu.memory_space<vmem_shared>> -> memref<100352x8xf32, #tpu.memory_space<vmem_shared>>
      tpu.wait_indirect_dma semaphore(%arg11 : memref<!tpu.dma_semaphore, #tpu.memory_space<semaphore_mem>>) src(%arg9 : memref<2000x8xf32, #tpu.memory_space<vmem>>) dst(%dma_wait3A_56 : memref<100352x8xf32, #tpu.memory_space<vmem_shared>>)
    }
    %scan3A_38 = arith.constant 25 : i32
    %barrier3A_39 = arith.constant 0 : index
    tpu.barrier barrier_id(%barrier3A_39)
    "tpu.region"() ({
      %run_scoped3A_41 = tpu.sem_alloc : memref<!tpu.dma_semaphore, #tpu.memory_space<semaphore_mem>>
      %dma_start3A = arith.constant 0 : i32
      %dma_start3A_42 = tpu.memref_slice %arg4[%add3A_25, %mul3A_0, %dma_start3A] : memref<6x100352x8xf32, #tpu.memory_space<hbm>> -> memref<1x6272x8xf32, #tpu.memory_space<hbm>>
      %dma_start3A_43 = tpu.memref_squeeze %dma_start3A_42 : memref<1x6272x8xf32, #tpu.memory_space<hbm>> -> memref<6272x8xf32, #tpu.memory_space<hbm>>
      %dma_start3A_44 = arith.constant 0 : i32
      %dma_start3A_45 = tpu.memref_slice %arg6[%mul3A_0, %dma_start3A_44] : memref<100352x8xf32, #tpu.memory_space<vmem_shared>> -> memref<6272x8xf32, #tpu.memory_space<vmem_shared>>
      tpu.enqueue_dma source(%dma_start3A_45 : memref<6272x8xf32, #tpu.memory_space<vmem_shared>>) target(%dma_start3A_43 : memref<6272x8xf32, #tpu.memory_space<hbm>>) target_semaphore(%run_scoped3A_41 : memref<!tpu.dma_semaphore, #tpu.memory_space<semaphore_mem>>)
      %dma_wait3A = arith.constant 0 : i32
      %dma_wait3A_46 = tpu.memref_slice %arg4[%add3A_25, %mul3A_0, %dma_wait3A] : memref<6x100352x8xf32, #tpu.memory_space<hbm>> -> memref<1x6272x8xf32, #tpu.memory_space<hbm>>
      %dma_wait3A_47 = tpu.memref_squeeze %dma_wait3A_46 : memref<1x6272x8xf32, #tpu.memory_space<hbm>> -> memref<6272x8xf32, #tpu.memory_space<hbm>>
      %dma_wait3A_48 = arith.constant 0 : i32
      %dma_wait3A_49 = tpu.memref_slice %arg6[%mul3A_0, %dma_wait3A_48] : memref<100352x8xf32, #tpu.memory_space<vmem_shared>> -> memref<6272x8xf32, #tpu.memory_space<vmem_shared>>
      tpu.wait_dma2 semaphore(%run_scoped3A_41 : memref<!tpu.dma_semaphore, #tpu.memory_space<semaphore_mem>>) src(%dma_wait3A_49 : memref<6272x8xf32, #tpu.memory_space<vmem_shared>>) dst(%dma_wait3A_47 : memref<6272x8xf32, #tpu.memory_space<hbm>>)
      tpu.yield
    }) : () -> ()
    %barrier3A_40 = arith.constant 0 : index
    tpu.barrier barrier_id(%barrier3A_40)
    return
  }
}

#map = affine_map<(d0, d1) -> (0, 0, 0)>
#map1 = affine_map<(d0, d1) -> (0, 0)>
module attributes {stable_mosaic.version = 14 : i64} {
  func.func @_conv_kernel(%arg0: i32, %arg1: i32, %arg2: memref<5x100352x8xf32, #tpu.memory_space<hbm>>, %arg3: memref<2x1600000xi32, #tpu.memory_space<hbm>>, %arg4: memref<6x100352x8xf32, #tpu.memory_space<hbm>>, %arg5: memref<100352x8xf32, #tpu.memory_space<vmem_shared>>, %arg6: memref<100352x8xf32, #tpu.memory_space<vmem_shared>>, %arg7: memref<2000xi32, #tpu.memory_space<vmem>>, %arg8: memref<2000xi32, #tpu.memory_space<vmem>>, %arg9: memref<2000x8xf32, #tpu.memory_space<vmem>>, %arg10: memref<!tpu.dma_semaphore, #tpu.memory_space<semaphore_mem>>, %arg11: memref<!tpu.dma_semaphore, #tpu.memory_space<semaphore_mem>>) attributes {dimension_semantics = [#tpu.dimension_semantics<core_parallel>, #tpu.dimension_semantics<subcore_parallel>], iteration_bounds = array<i64: 2, 16>, scalar_prefetch = 0 : i64, scratch_operands = 7 : i64, tpu.core_type = #tpu.core_type<sc_vector_subcore>, window_params = [{transform_indices = #map}, {transform_indices = #map1}, {transform_indices = #map}]} {
    %mul3A = arith.constant 6272 : i32
    %mul3A_0 = arith.muli %arg1, %mul3A : i32
    %add3A = arith.constant 0 : i32
    %add3A_1 = arith.addi %add3A, %arg0 : i32
    %mul3A_2 = arith.constant 100000 : i32
    %mul3A_3 = arith.muli %arg1, %mul3A_2 : i32
    "tpu.region"() ({
      %run_scoped3A_41 = tpu.sem_alloc : memref<!tpu.dma_semaphore, #tpu.memory_space<semaphore_mem>>
      %dma_start3A = arith.constant 0 : i32
      %dma_start3A_42 = tpu.memref_slice %arg5[%mul3A_0, %dma_start3A] : memref<100352x8xf32, #tpu.memory_space<vmem_shared>> -> memref<6272x8xf32, #tpu.memory_space<vmem_shared>>
      %dma_start3A_43 = arith.constant 0 : i32
      %dma_start3A_44 = tpu.memref_slice %arg2[%add3A_1, %mul3A_0, %dma_start3A_43] : memref<5x100352x8xf32, #tpu.memory_space<hbm>> -> memref<1x6272x8xf32, #tpu.memory_space<hbm>>
      %dma_start3A_45 = tpu.memref_squeeze %dma_start3A_44 : memref<1x6272x8xf32, #tpu.memory_space<hbm>> -> memref<6272x8xf32, #tpu.memory_space<hbm>>
      tpu.enqueue_dma source(%dma_start3A_45 : memref<6272x8xf32, #tpu.memory_space<hbm>>) target(%dma_start3A_42 : memref<6272x8xf32, #tpu.memory_space<vmem_shared>>) target_semaphore(%run_scoped3A_41 : memref<!tpu.dma_semaphore, #tpu.memory_space<semaphore_mem>>)
      %dma_wait3A = arith.constant 0 : i32
      %dma_wait3A_46 = tpu.memref_slice %arg5[%mul3A_0, %dma_wait3A] : memref<100352x8xf32, #tpu.memory_space<vmem_shared>> -> memref<6272x8xf32, #tpu.memory_space<vmem_shared>>
      %dma_wait3A_47 = arith.constant 0 : i32
      %dma_wait3A_48 = tpu.memref_slice %arg2[%add3A_1, %mul3A_0, %dma_wait3A_47] : memref<5x100352x8xf32, #tpu.memory_space<hbm>> -> memref<1x6272x8xf32, #tpu.memory_space<hbm>>
      %dma_wait3A_49 = tpu.memref_squeeze %dma_wait3A_48 : memref<1x6272x8xf32, #tpu.memory_space<hbm>> -> memref<6272x8xf32, #tpu.memory_space<hbm>>
      tpu.wait_dma2 semaphore(%run_scoped3A_41 : memref<!tpu.dma_semaphore, #tpu.memory_space<semaphore_mem>>) src(%dma_wait3A_49 : memref<6272x8xf32, #tpu.memory_space<hbm>>) dst(%dma_wait3A_46 : memref<6272x8xf32, #tpu.memory_space<vmem_shared>>)
      tpu.yield
    }) : () -> ()
    "tpu.region"() ({
      %run_scoped3A_41 = tpu.sem_alloc : memref<!tpu.dma_semaphore, #tpu.memory_space<semaphore_mem>>
      %dma_start3A = arith.constant 0 : i32
      %dma_start3A_42 = tpu.memref_slice %arg6[%mul3A_0, %dma_start3A] : memref<100352x8xf32, #tpu.memory_space<vmem_shared>> -> memref<6272x8xf32, #tpu.memory_space<vmem_shared>>
      %dma_start3A_43 = arith.constant 0 : i32
      %dma_start3A_44 = tpu.memref_slice %arg2[%add3A_1, %mul3A_0, %dma_start3A_43] : memref<5x100352x8xf32, #tpu.memory_space<hbm>> -> memref<1x6272x8xf32, #tpu.memory_space<hbm>>
      %dma_start3A_45 = tpu.memref_squeeze %dma_start3A_44 : memref<1x6272x8xf32, #tpu.memory_space<hbm>> -> memref<6272x8xf32, #tpu.memory_space<hbm>>
      tpu.enqueue_dma source(%dma_start3A_45 : memref<6272x8xf32, #tpu.memory_space<hbm>>) target(%dma_start3A_42 : memref<6272x8xf32, #tpu.memory_space<vmem_shared>>) target_semaphore(%run_scoped3A_41 : memref<!tpu.dma_semaphore, #tpu.memory_space<semaphore_mem>>)
      %dma_wait3A = arith.constant 0 : i32
      %dma_wait3A_46 = tpu.memref_slice %arg6[%mul3A_0, %dma_wait3A] : memref<100352x8xf32, #tpu.memory_space<vmem_shared>> -> memref<6272x8xf32, #tpu.memory_space<vmem_shared>>
      %dma_wait3A_47 = arith.constant 0 : i32
      %dma_wait3A_48 = tpu.memref_slice %arg2[%add3A_1, %mul3A_0, %dma_wait3A_47] : memref<5x100352x8xf32, #tpu.memory_space<hbm>> -> memref<1x6272x8xf32, #tpu.memory_space<hbm>>
      %dma_wait3A_49 = tpu.memref_squeeze %dma_wait3A_48 : memref<1x6272x8xf32, #tpu.memory_space<hbm>> -> memref<6272x8xf32, #tpu.memory_space<hbm>>
      tpu.wait_dma2 semaphore(%run_scoped3A_41 : memref<!tpu.dma_semaphore, #tpu.memory_space<semaphore_mem>>) src(%dma_wait3A_49 : memref<6272x8xf32, #tpu.memory_space<hbm>>) dst(%dma_wait3A_46 : memref<6272x8xf32, #tpu.memory_space<vmem_shared>>)
      tpu.yield
    }) : () -> ()
    %barrier3A = arith.constant 0 : index
    tpu.barrier barrier_id(%barrier3A)
    %scan3A = arith.constant 0 : i32
    %scan3A_4 = arith.constant 0 : i32
    %scan3A_5 = arith.constant 50 : i32
    %scan3A_6 = arith.addi %scan3A_4, %scan3A_5 : i32
    %scan3A_7 = arith.constant 1 : i32
    scf.for %scan3A_41 = %scan3A_4 to %scan3A_6 step %scan3A_7  : i32 {
      %mul3A_42 = arith.constant 2000 : i32
      %mul3A_43 = arith.muli %scan3A_41, %mul3A_42 : i32
      %add3A_44 = arith.addi %mul3A_3, %mul3A_43 : i32
      %run_scoped3A_45 = arith.constant 0 : i32
      "tpu.region"() ({
        %run_scoped3A_57 = tpu.sem_alloc : memref<!tpu.dma_semaphore, #tpu.memory_space<semaphore_mem>>
        %dma_start3A_58 = tpu.memref_slice %arg3[%run_scoped3A_45, %add3A_44] : memref<2x1600000xi32, #tpu.memory_space<hbm>> -> memref<1x2000xi32, #tpu.memory_space<hbm>>
        %dma_start3A_59 = tpu.memref_squeeze %dma_start3A_58 : memref<1x2000xi32, #tpu.memory_space<hbm>> -> memref<2000xi32, #tpu.memory_space<hbm>>
        %dma_start3A_60 = tpu.memref_slice %arg3[%run_scoped3A_45, %add3A_44] : memref<2x1600000xi32, #tpu.memory_space<hbm>> -> memref<1x2000xi32, #tpu.memory_space<hbm>>
        %dma_start3A_61 = tpu.memref_squeeze %dma_start3A_60 : memref<1x2000xi32, #tpu.memory_space<hbm>> -> memref<2000xi32, #tpu.memory_space<hbm>>
        tpu.enqueue_dma source(%dma_start3A_61 : memref<2000xi32, #tpu.memory_space<hbm>>) target(%arg7 : memref<2000xi32, #tpu.memory_space<vmem>>) target_semaphore(%run_scoped3A_57 : memref<!tpu.dma_semaphore, #tpu.memory_space<semaphore_mem>>)
        %dma_wait3A_62 = tpu.memref_slice %arg3[%run_scoped3A_45, %add3A_44] : memref<2x1600000xi32, #tpu.memory_space<hbm>> -> memref<1x2000xi32, #tpu.memory_space<hbm>>
        %dma_wait3A_63 = tpu.memref_squeeze %dma_wait3A_62 : memref<1x2000xi32, #tpu.memory_space<hbm>> -> memref<2000xi32, #tpu.memory_space<hbm>>
        %dma_wait3A_64 = tpu.memref_slice %arg3[%run_scoped3A_45, %add3A_44] : memref<2x1600000xi32, #tpu.memory_space<hbm>> -> memref<1x2000xi32, #tpu.memory_space<hbm>>
        %dma_wait3A_65 = tpu.memref_squeeze %dma_wait3A_64 : memref<1x2000xi32, #tpu.memory_space<hbm>> -> memref<2000xi32, #tpu.memory_space<hbm>>
        tpu.wait_dma2 semaphore(%run_scoped3A_57 : memref<!tpu.dma_semaphore, #tpu.memory_space<semaphore_mem>>) src(%dma_wait3A_65 : memref<2000xi32, #tpu.memory_space<hbm>>) dst(%arg7 : memref<2000xi32, #tpu.memory_space<vmem>>)
        tpu.yield
      }) : () -> ()
      %run_scoped3A_46 = arith.constant 1 : i32
      "tpu.region"() ({
        %run_scoped3A_57 = tpu.sem_alloc : memref<!tpu.dma_semaphore, #tpu.memory_space<semaphore_mem>>
        %dma_start3A_58 = tpu.memref_slice %arg3[%run_scoped3A_46, %add3A_44] : memref<2x1600000xi32, #tpu.memory_space<hbm>> -> memref<1x2000xi32, #tpu.memory_space<hbm>>
        %dma_start3A_59 = tpu.memref_squeeze %dma_start3A_58 : memref<1x2000xi32, #tpu.memory_space<hbm>> -> memref<2000xi32, #tpu.memory_space<hbm>>
        %dma_start3A_60 = tpu.memref_slice %arg3[%run_scoped3A_46, %add3A_44] : memref<2x1600000xi32, #tpu.memory_space<hbm>> -> memref<1x2000xi32, #tpu.memory_space<hbm>>
        %dma_start3A_61 = tpu.memref_squeeze %dma_start3A_60 : memref<1x2000xi32, #tpu.memory_space<hbm>> -> memref<2000xi32, #tpu.memory_space<hbm>>
        tpu.enqueue_dma source(%dma_start3A_61 : memref<2000xi32, #tpu.memory_space<hbm>>) target(%arg8 : memref<2000xi32, #tpu.memory_space<vmem>>) target_semaphore(%run_scoped3A_57 : memref<!tpu.dma_semaphore, #tpu.memory_space<semaphore_mem>>)
        %dma_wait3A_62 = tpu.memref_slice %arg3[%run_scoped3A_46, %add3A_44] : memref<2x1600000xi32, #tpu.memory_space<hbm>> -> memref<1x2000xi32, #tpu.memory_space<hbm>>
        %dma_wait3A_63 = tpu.memref_squeeze %dma_wait3A_62 : memref<1x2000xi32, #tpu.memory_space<hbm>> -> memref<2000xi32, #tpu.memory_space<hbm>>
        %dma_wait3A_64 = tpu.memref_slice %arg3[%run_scoped3A_46, %add3A_44] : memref<2x1600000xi32, #tpu.memory_space<hbm>> -> memref<1x2000xi32, #tpu.memory_space<hbm>>
        %dma_wait3A_65 = tpu.memref_squeeze %dma_wait3A_64 : memref<1x2000xi32, #tpu.memory_space<hbm>> -> memref<2000xi32, #tpu.memory_space<hbm>>
        tpu.wait_dma2 semaphore(%run_scoped3A_57 : memref<!tpu.dma_semaphore, #tpu.memory_space<semaphore_mem>>) src(%dma_wait3A_65 : memref<2000xi32, #tpu.memory_space<hbm>>) dst(%arg8 : memref<2000xi32, #tpu.memory_space<vmem>>)
        tpu.yield
      }) : () -> ()
      %dma_start3A = arith.constant 0 : i32
      %dma_start3A_47 = arith.constant 0 : i32
      %dma_start3A_48 = tpu.memref_slice %arg5[%dma_start3A, %dma_start3A_47] : memref<100352x8xf32, #tpu.memory_space<vmem_shared>> -> memref<100352x8xf32, #tpu.memory_space<vmem_shared>>
      tpu.enqueue_indirect_dma source(%dma_start3A_48 : memref<100352x8xf32, #tpu.memory_space<vmem_shared>>) target(%arg9 : memref<2000x8xf32, #tpu.memory_space<vmem>>) offsets(%arg7 : memref<2000xi32, #tpu.memory_space<vmem>>) semaphore(%arg10 : memref<!tpu.dma_semaphore, #tpu.memory_space<semaphore_mem>>)
      %dma_wait3A = arith.constant 0 : i32
      %dma_wait3A_49 = arith.constant 0 : i32
      %dma_wait3A_50 = tpu.memref_slice %arg5[%dma_wait3A, %dma_wait3A_49] : memref<100352x8xf32, #tpu.memory_space<vmem_shared>> -> memref<100352x8xf32, #tpu.memory_space<vmem_shared>>
      tpu.wait_indirect_dma semaphore(%arg10 : memref<!tpu.dma_semaphore, #tpu.memory_space<semaphore_mem>>) src(%dma_wait3A_50 : memref<100352x8xf32, #tpu.memory_space<vmem_shared>>) dst(%arg9 : memref<2000x8xf32, #tpu.memory_space<vmem>>)
      %dma_start3A_51 = arith.constant 0 : i32
      %dma_start3A_52 = arith.constant 0 : i32
      %dma_start3A_53 = tpu.memref_slice %arg6[%dma_start3A_51, %dma_start3A_52] : memref<100352x8xf32, #tpu.memory_space<vmem_shared>> -> memref<100352x8xf32, #tpu.memory_space<vmem_shared>>
      tpu.enqueue_indirect_dma source(%arg9 : memref<2000x8xf32, #tpu.memory_space<vmem>>) target(%dma_start3A_53 : memref<100352x8xf32, #tpu.memory_space<vmem_shared>>) offsets(%arg8 : memref<2000xi32, #tpu.memory_space<vmem>>) semaphore(%arg11 : memref<!tpu.dma_semaphore, #tpu.memory_space<semaphore_mem>>) {add = true}
      %dma_wait3A_54 = arith.constant 0 : i32
      %dma_wait3A_55 = arith.constant 0 : i32
      %dma_wait3A_56 = tpu.memref_slice %arg6[%dma_wait3A_54, %dma_wait3A_55] : memref<100352x8xf32, #tpu.memory_space<vmem_shared>> -> memref<100352x8xf32, #tpu.memory_space<vmem_shared>>
      tpu.wait_indirect_dma semaphore(%arg11 : memref<!tpu.dma_semaphore, #tpu.memory_space<semaphore_mem>>) src(%arg9 : memref<2000x8xf32, #tpu.memory_space<vmem>>) dst(%dma_wait3A_56 : memref<100352x8xf32, #tpu.memory_space<vmem_shared>>)
    }
    %scan3A_8 = arith.constant 50 : i32
    %barrier3A_9 = arith.constant 0 : index
    tpu.barrier barrier_id(%barrier3A_9)
    "tpu.region"() ({
      %run_scoped3A_41 = tpu.sem_alloc : memref<!tpu.dma_semaphore, #tpu.memory_space<semaphore_mem>>
      %dma_start3A = arith.constant 0 : i32
      %dma_start3A_42 = tpu.memref_slice %arg4[%add3A_1, %mul3A_0, %dma_start3A] : memref<6x100352x8xf32, #tpu.memory_space<hbm>> -> memref<1x6272x8xf32, #tpu.memory_space<hbm>>
      %dma_start3A_43 = tpu.memref_squeeze %dma_start3A_42 : memref<1x6272x8xf32, #tpu.memory_space<hbm>> -> memref<6272x8xf32, #tpu.memory_space<hbm>>
      %dma_start3A_44 = arith.constant 0 : i32
      %dma_start3A_45 = tpu.memref_slice %arg6[%mul3A_0, %dma_start3A_44] : memref<100352x8xf32, #tpu.memory_space<vmem_shared>> -> memref<6272x8xf32, #tpu.memory_space<vmem_shared>>
      tpu.enqueue_dma source(%dma_start3A_45 : memref<6272x8xf32, #tpu.memory_space<vmem_shared>>) target(%dma_start3A_43 : memref<6272x8xf32, #tpu.memory_space<hbm>>) target_semaphore(%run_scoped3A_41 : memref<!tpu.dma_semaphore, #tpu.memory_space<semaphore_mem>>)
      %dma_wait3A = arith.constant 0 : i32
      %dma_wait3A_46 = tpu.memref_slice %arg4[%add3A_1, %mul3A_0, %dma_wait3A] : memref<6x100352x8xf32, #tpu.memory_space<hbm>> -> memref<1x6272x8xf32, #tpu.memory_space<hbm>>
      %dma_wait3A_47 = tpu.memref_squeeze %dma_wait3A_46 : memref<1x6272x8xf32, #tpu.memory_space<hbm>> -> memref<6272x8xf32, #tpu.memory_space<hbm>>
      %dma_wait3A_48 = arith.constant 0 : i32
      %dma_wait3A_49 = tpu.memref_slice %arg6[%mul3A_0, %dma_wait3A_48] : memref<100352x8xf32, #tpu.memory_space<vmem_shared>> -> memref<6272x8xf32, #tpu.memory_space<vmem_shared>>
      tpu.wait_dma2 semaphore(%run_scoped3A_41 : memref<!tpu.dma_semaphore, #tpu.memory_space<semaphore_mem>>) src(%dma_wait3A_49 : memref<6272x8xf32, #tpu.memory_space<vmem_shared>>) dst(%dma_wait3A_47 : memref<6272x8xf32, #tpu.memory_space<hbm>>)
      tpu.yield
    }) : () -> ()
    %barrier3A_10 = arith.constant 0 : index
    tpu.barrier barrier_id(%barrier3A_10)
    %add3A_11 = arith.constant 2 : i32
    %add3A_12 = arith.addi %add3A_11, %arg0 : i32
    %mul3A_13 = arith.constant 100000 : i32
    %mul3A_14 = arith.muli %arg1, %mul3A_13 : i32
    "tpu.region"() ({
      %run_scoped3A_41 = tpu.sem_alloc : memref<!tpu.dma_semaphore, #tpu.memory_space<semaphore_mem>>
      %dma_start3A = arith.constant 0 : i32
      %dma_start3A_42 = tpu.memref_slice %arg5[%mul3A_0, %dma_start3A] : memref<100352x8xf32, #tpu.memory_space<vmem_shared>> -> memref<6272x8xf32, #tpu.memory_space<vmem_shared>>
      %dma_start3A_43 = arith.constant 0 : i32
      %dma_start3A_44 = tpu.memref_slice %arg2[%add3A_12, %mul3A_0, %dma_start3A_43] : memref<5x100352x8xf32, #tpu.memory_space<hbm>> -> memref<1x6272x8xf32, #tpu.memory_space<hbm>>
      %dma_start3A_45 = tpu.memref_squeeze %dma_start3A_44 : memref<1x6272x8xf32, #tpu.memory_space<hbm>> -> memref<6272x8xf32, #tpu.memory_space<hbm>>
      tpu.enqueue_dma source(%dma_start3A_45 : memref<6272x8xf32, #tpu.memory_space<hbm>>) target(%dma_start3A_42 : memref<6272x8xf32, #tpu.memory_space<vmem_shared>>) target_semaphore(%run_scoped3A_41 : memref<!tpu.dma_semaphore, #tpu.memory_space<semaphore_mem>>)
      %dma_wait3A = arith.constant 0 : i32
      %dma_wait3A_46 = tpu.memref_slice %arg5[%mul3A_0, %dma_wait3A] : memref<100352x8xf32, #tpu.memory_space<vmem_shared>> -> memref<6272x8xf32, #tpu.memory_space<vmem_shared>>
      %dma_wait3A_47 = arith.constant 0 : i32
      %dma_wait3A_48 = tpu.memref_slice %arg2[%add3A_12, %mul3A_0, %dma_wait3A_47] : memref<5x100352x8xf32, #tpu.memory_space<hbm>> -> memref<1x6272x8xf32, #tpu.memory_space<hbm>>
      %dma_wait3A_49 = tpu.memref_squeeze %dma_wait3A_48 : memref<1x6272x8xf32, #tpu.memory_space<hbm>> -> memref<6272x8xf32, #tpu.memory_space<hbm>>
      tpu.wait_dma2 semaphore(%run_scoped3A_41 : memref<!tpu.dma_semaphore, #tpu.memory_space<semaphore_mem>>) src(%dma_wait3A_49 : memref<6272x8xf32, #tpu.memory_space<hbm>>) dst(%dma_wait3A_46 : memref<6272x8xf32, #tpu.memory_space<vmem_shared>>)
      tpu.yield
    }) : () -> ()
    "tpu.region"() ({
      %run_scoped3A_41 = tpu.sem_alloc : memref<!tpu.dma_semaphore, #tpu.memory_space<semaphore_mem>>
      %dma_start3A = arith.constant 0 : i32
      %dma_start3A_42 = tpu.memref_slice %arg6[%mul3A_0, %dma_start3A] : memref<100352x8xf32, #tpu.memory_space<vmem_shared>> -> memref<6272x8xf32, #tpu.memory_space<vmem_shared>>
      %dma_start3A_43 = arith.constant 0 : i32
      %dma_start3A_44 = tpu.memref_slice %arg2[%add3A_12, %mul3A_0, %dma_start3A_43] : memref<5x100352x8xf32, #tpu.memory_space<hbm>> -> memref<1x6272x8xf32, #tpu.memory_space<hbm>>
      %dma_start3A_45 = tpu.memref_squeeze %dma_start3A_44 : memref<1x6272x8xf32, #tpu.memory_space<hbm>> -> memref<6272x8xf32, #tpu.memory_space<hbm>>
      tpu.enqueue_dma source(%dma_start3A_45 : memref<6272x8xf32, #tpu.memory_space<hbm>>) target(%dma_start3A_42 : memref<6272x8xf32, #tpu.memory_space<vmem_shared>>) target_semaphore(%run_scoped3A_41 : memref<!tpu.dma_semaphore, #tpu.memory_space<semaphore_mem>>)
      %dma_wait3A = arith.constant 0 : i32
      %dma_wait3A_46 = tpu.memref_slice %arg6[%mul3A_0, %dma_wait3A] : memref<100352x8xf32, #tpu.memory_space<vmem_shared>> -> memref<6272x8xf32, #tpu.memory_space<vmem_shared>>
      %dma_wait3A_47 = arith.constant 0 : i32
      %dma_wait3A_48 = tpu.memref_slice %arg2[%add3A_12, %mul3A_0, %dma_wait3A_47] : memref<5x100352x8xf32, #tpu.memory_space<hbm>> -> memref<1x6272x8xf32, #tpu.memory_space<hbm>>
      %dma_wait3A_49 = tpu.memref_squeeze %dma_wait3A_48 : memref<1x6272x8xf32, #tpu.memory_space<hbm>> -> memref<6272x8xf32, #tpu.memory_space<hbm>>
      tpu.wait_dma2 semaphore(%run_scoped3A_41 : memref<!tpu.dma_semaphore, #tpu.memory_space<semaphore_mem>>) src(%dma_wait3A_49 : memref<6272x8xf32, #tpu.memory_space<hbm>>) dst(%dma_wait3A_46 : memref<6272x8xf32, #tpu.memory_space<vmem_shared>>)
      tpu.yield
    }) : () -> ()
    %barrier3A_15 = arith.constant 0 : index
    tpu.barrier barrier_id(%barrier3A_15)
    %scan3A_16 = arith.constant 0 : i32
    %scan3A_17 = arith.constant 0 : i32
    %scan3A_18 = arith.constant 50 : i32
    %scan3A_19 = arith.addi %scan3A_17, %scan3A_18 : i32
    %scan3A_20 = arith.constant 1 : i32
    scf.for %scan3A_41 = %scan3A_17 to %scan3A_19 step %scan3A_20  : i32 {
      %mul3A_42 = arith.constant 2000 : i32
      %mul3A_43 = arith.muli %scan3A_41, %mul3A_42 : i32
      %add3A_44 = arith.addi %mul3A_14, %mul3A_43 : i32
      %run_scoped3A_45 = arith.constant 0 : i32
      "tpu.region"() ({
        %run_scoped3A_57 = tpu.sem_alloc : memref<!tpu.dma_semaphore, #tpu.memory_space<semaphore_mem>>
        %dma_start3A_58 = tpu.memref_slice %arg3[%run_scoped3A_45, %add3A_44] : memref<2x1600000xi32, #tpu.memory_space<hbm>> -> memref<1x2000xi32, #tpu.memory_space<hbm>>
        %dma_start3A_59 = tpu.memref_squeeze %dma_start3A_58 : memref<1x2000xi32, #tpu.memory_space<hbm>> -> memref<2000xi32, #tpu.memory_space<hbm>>
        %dma_start3A_60 = tpu.memref_slice %arg3[%run_scoped3A_45, %add3A_44] : memref<2x1600000xi32, #tpu.memory_space<hbm>> -> memref<1x2000xi32, #tpu.memory_space<hbm>>
        %dma_start3A_61 = tpu.memref_squeeze %dma_start3A_60 : memref<1x2000xi32, #tpu.memory_space<hbm>> -> memref<2000xi32, #tpu.memory_space<hbm>>
        tpu.enqueue_dma source(%dma_start3A_61 : memref<2000xi32, #tpu.memory_space<hbm>>) target(%arg7 : memref<2000xi32, #tpu.memory_space<vmem>>) target_semaphore(%run_scoped3A_57 : memref<!tpu.dma_semaphore, #tpu.memory_space<semaphore_mem>>)
        %dma_wait3A_62 = tpu.memref_slice %arg3[%run_scoped3A_45, %add3A_44] : memref<2x1600000xi32, #tpu.memory_space<hbm>> -> memref<1x2000xi32, #tpu.memory_space<hbm>>
        %dma_wait3A_63 = tpu.memref_squeeze %dma_wait3A_62 : memref<1x2000xi32, #tpu.memory_space<hbm>> -> memref<2000xi32, #tpu.memory_space<hbm>>
        %dma_wait3A_64 = tpu.memref_slice %arg3[%run_scoped3A_45, %add3A_44] : memref<2x1600000xi32, #tpu.memory_space<hbm>> -> memref<1x2000xi32, #tpu.memory_space<hbm>>
        %dma_wait3A_65 = tpu.memref_squeeze %dma_wait3A_64 : memref<1x2000xi32, #tpu.memory_space<hbm>> -> memref<2000xi32, #tpu.memory_space<hbm>>
        tpu.wait_dma2 semaphore(%run_scoped3A_57 : memref<!tpu.dma_semaphore, #tpu.memory_space<semaphore_mem>>) src(%dma_wait3A_65 : memref<2000xi32, #tpu.memory_space<hbm>>) dst(%arg7 : memref<2000xi32, #tpu.memory_space<vmem>>)
        tpu.yield
      }) : () -> ()
      %run_scoped3A_46 = arith.constant 1 : i32
      "tpu.region"() ({
        %run_scoped3A_57 = tpu.sem_alloc : memref<!tpu.dma_semaphore, #tpu.memory_space<semaphore_mem>>
        %dma_start3A_58 = tpu.memref_slice %arg3[%run_scoped3A_46, %add3A_44] : memref<2x1600000xi32, #tpu.memory_space<hbm>> -> memref<1x2000xi32, #tpu.memory_space<hbm>>
        %dma_start3A_59 = tpu.memref_squeeze %dma_start3A_58 : memref<1x2000xi32, #tpu.memory_space<hbm>> -> memref<2000xi32, #tpu.memory_space<hbm>>
        %dma_start3A_60 = tpu.memref_slice %arg3[%run_scoped3A_46, %add3A_44] : memref<2x1600000xi32, #tpu.memory_space<hbm>> -> memref<1x2000xi32, #tpu.memory_space<hbm>>
        %dma_start3A_61 = tpu.memref_squeeze %dma_start3A_60 : memref<1x2000xi32, #tpu.memory_space<hbm>> -> memref<2000xi32, #tpu.memory_space<hbm>>
        tpu.enqueue_dma source(%dma_start3A_61 : memref<2000xi32, #tpu.memory_space<hbm>>) target(%arg8 : memref<2000xi32, #tpu.memory_space<vmem>>) target_semaphore(%run_scoped3A_57 : memref<!tpu.dma_semaphore, #tpu.memory_space<semaphore_mem>>)
        %dma_wait3A_62 = tpu.memref_slice %arg3[%run_scoped3A_46, %add3A_44] : memref<2x1600000xi32, #tpu.memory_space<hbm>> -> memref<1x2000xi32, #tpu.memory_space<hbm>>
        %dma_wait3A_63 = tpu.memref_squeeze %dma_wait3A_62 : memref<1x2000xi32, #tpu.memory_space<hbm>> -> memref<2000xi32, #tpu.memory_space<hbm>>
        %dma_wait3A_64 = tpu.memref_slice %arg3[%run_scoped3A_46, %add3A_44] : memref<2x1600000xi32, #tpu.memory_space<hbm>> -> memref<1x2000xi32, #tpu.memory_space<hbm>>
        %dma_wait3A_65 = tpu.memref_squeeze %dma_wait3A_64 : memref<1x2000xi32, #tpu.memory_space<hbm>> -> memref<2000xi32, #tpu.memory_space<hbm>>
        tpu.wait_dma2 semaphore(%run_scoped3A_57 : memref<!tpu.dma_semaphore, #tpu.memory_space<semaphore_mem>>) src(%dma_wait3A_65 : memref<2000xi32, #tpu.memory_space<hbm>>) dst(%arg8 : memref<2000xi32, #tpu.memory_space<vmem>>)
        tpu.yield
      }) : () -> ()
      %dma_start3A = arith.constant 0 : i32
      %dma_start3A_47 = arith.constant 0 : i32
      %dma_start3A_48 = tpu.memref_slice %arg5[%dma_start3A, %dma_start3A_47] : memref<100352x8xf32, #tpu.memory_space<vmem_shared>> -> memref<100352x8xf32, #tpu.memory_space<vmem_shared>>
      tpu.enqueue_indirect_dma source(%dma_start3A_48 : memref<100352x8xf32, #tpu.memory_space<vmem_shared>>) target(%arg9 : memref<2000x8xf32, #tpu.memory_space<vmem>>) offsets(%arg7 : memref<2000xi32, #tpu.memory_space<vmem>>) semaphore(%arg10 : memref<!tpu.dma_semaphore, #tpu.memory_space<semaphore_mem>>)
      %dma_wait3A = arith.constant 0 : i32
      %dma_wait3A_49 = arith.constant 0 : i32
      %dma_wait3A_50 = tpu.memref_slice %arg5[%dma_wait3A, %dma_wait3A_49] : memref<100352x8xf32, #tpu.memory_space<vmem_shared>> -> memref<100352x8xf32, #tpu.memory_space<vmem_shared>>
      tpu.wait_indirect_dma semaphore(%arg10 : memref<!tpu.dma_semaphore, #tpu.memory_space<semaphore_mem>>) src(%dma_wait3A_50 : memref<100352x8xf32, #tpu.memory_space<vmem_shared>>) dst(%arg9 : memref<2000x8xf32, #tpu.memory_space<vmem>>)
      %dma_start3A_51 = arith.constant 0 : i32
      %dma_start3A_52 = arith.constant 0 : i32
      %dma_start3A_53 = tpu.memref_slice %arg6[%dma_start3A_51, %dma_start3A_52] : memref<100352x8xf32, #tpu.memory_space<vmem_shared>> -> memref<100352x8xf32, #tpu.memory_space<vmem_shared>>
      tpu.enqueue_indirect_dma source(%arg9 : memref<2000x8xf32, #tpu.memory_space<vmem>>) target(%dma_start3A_53 : memref<100352x8xf32, #tpu.memory_space<vmem_shared>>) offsets(%arg8 : memref<2000xi32, #tpu.memory_space<vmem>>) semaphore(%arg11 : memref<!tpu.dma_semaphore, #tpu.memory_space<semaphore_mem>>) {add = true}
      %dma_wait3A_54 = arith.constant 0 : i32
      %dma_wait3A_55 = arith.constant 0 : i32
      %dma_wait3A_56 = tpu.memref_slice %arg6[%dma_wait3A_54, %dma_wait3A_55] : memref<100352x8xf32, #tpu.memory_space<vmem_shared>> -> memref<100352x8xf32, #tpu.memory_space<vmem_shared>>
      tpu.wait_indirect_dma semaphore(%arg11 : memref<!tpu.dma_semaphore, #tpu.memory_space<semaphore_mem>>) src(%arg9 : memref<2000x8xf32, #tpu.memory_space<vmem>>) dst(%dma_wait3A_56 : memref<100352x8xf32, #tpu.memory_space<vmem_shared>>)
    }
    %scan3A_21 = arith.constant 50 : i32
    %barrier3A_22 = arith.constant 0 : index
    tpu.barrier barrier_id(%barrier3A_22)
    "tpu.region"() ({
      %run_scoped3A_41 = tpu.sem_alloc : memref<!tpu.dma_semaphore, #tpu.memory_space<semaphore_mem>>
      %dma_start3A = arith.constant 0 : i32
      %dma_start3A_42 = tpu.memref_slice %arg4[%add3A_12, %mul3A_0, %dma_start3A] : memref<6x100352x8xf32, #tpu.memory_space<hbm>> -> memref<1x6272x8xf32, #tpu.memory_space<hbm>>
      %dma_start3A_43 = tpu.memref_squeeze %dma_start3A_42 : memref<1x6272x8xf32, #tpu.memory_space<hbm>> -> memref<6272x8xf32, #tpu.memory_space<hbm>>
      %dma_start3A_44 = arith.constant 0 : i32
      %dma_start3A_45 = tpu.memref_slice %arg6[%mul3A_0, %dma_start3A_44] : memref<100352x8xf32, #tpu.memory_space<vmem_shared>> -> memref<6272x8xf32, #tpu.memory_space<vmem_shared>>
      tpu.enqueue_dma source(%dma_start3A_45 : memref<6272x8xf32, #tpu.memory_space<vmem_shared>>) target(%dma_start3A_43 : memref<6272x8xf32, #tpu.memory_space<hbm>>) target_semaphore(%run_scoped3A_41 : memref<!tpu.dma_semaphore, #tpu.memory_space<semaphore_mem>>)
      %dma_wait3A = arith.constant 0 : i32
      %dma_wait3A_46 = tpu.memref_slice %arg4[%add3A_12, %mul3A_0, %dma_wait3A] : memref<6x100352x8xf32, #tpu.memory_space<hbm>> -> memref<1x6272x8xf32, #tpu.memory_space<hbm>>
      %dma_wait3A_47 = tpu.memref_squeeze %dma_wait3A_46 : memref<1x6272x8xf32, #tpu.memory_space<hbm>> -> memref<6272x8xf32, #tpu.memory_space<hbm>>
      %dma_wait3A_48 = arith.constant 0 : i32
      %dma_wait3A_49 = tpu.memref_slice %arg6[%mul3A_0, %dma_wait3A_48] : memref<100352x8xf32, #tpu.memory_space<vmem_shared>> -> memref<6272x8xf32, #tpu.memory_space<vmem_shared>>
      tpu.wait_dma2 semaphore(%run_scoped3A_41 : memref<!tpu.dma_semaphore, #tpu.memory_space<semaphore_mem>>) src(%dma_wait3A_49 : memref<6272x8xf32, #tpu.memory_space<vmem_shared>>) dst(%dma_wait3A_47 : memref<6272x8xf32, #tpu.memory_space<hbm>>)
      tpu.yield
    }) : () -> ()
    %barrier3A_23 = arith.constant 0 : index
    tpu.barrier barrier_id(%barrier3A_23)
    %add3A_24 = arith.constant 4 : i32
    %add3A_25 = arith.addi %add3A_24, %arg0 : i32
    %mul3A_26 = arith.constant 800000 : i32
    %mul3A_27 = arith.muli %arg0, %mul3A_26 : i32
    %mul3A_28 = arith.constant 50000 : i32
    %mul3A_29 = arith.muli %arg1, %mul3A_28 : i32
    %add3A_30 = arith.addi %mul3A_27, %mul3A_29 : i32
    %run_scoped3A = arith.constant 4 : i32
    "tpu.region"() ({
      %run_scoped3A_41 = tpu.sem_alloc : memref<!tpu.dma_semaphore, #tpu.memory_space<semaphore_mem>>
      %dma_start3A = arith.constant 0 : i32
      %dma_start3A_42 = tpu.memref_slice %arg5[%mul3A_0, %dma_start3A] : memref<100352x8xf32, #tpu.memory_space<vmem_shared>> -> memref<6272x8xf32, #tpu.memory_space<vmem_shared>>
      %dma_start3A_43 = arith.constant 0 : i32
      %dma_start3A_44 = tpu.memref_slice %arg2[%run_scoped3A, %mul3A_0, %dma_start3A_43] : memref<5x100352x8xf32, #tpu.memory_space<hbm>> -> memref<1x6272x8xf32, #tpu.memory_space<hbm>>
      %dma_start3A_45 = tpu.memref_squeeze %dma_start3A_44 : memref<1x6272x8xf32, #tpu.memory_space<hbm>> -> memref<6272x8xf32, #tpu.memory_space<hbm>>
      tpu.enqueue_dma source(%dma_start3A_45 : memref<6272x8xf32, #tpu.memory_space<hbm>>) target(%dma_start3A_42 : memref<6272x8xf32, #tpu.memory_space<vmem_shared>>) target_semaphore(%run_scoped3A_41 : memref<!tpu.dma_semaphore, #tpu.memory_space<semaphore_mem>>)
      %dma_wait3A = arith.constant 0 : i32
      %dma_wait3A_46 = tpu.memref_slice %arg5[%mul3A_0, %dma_wait3A] : memref<100352x8xf32, #tpu.memory_space<vmem_shared>> -> memref<6272x8xf32, #tpu.memory_space<vmem_shared>>
      %dma_wait3A_47 = arith.constant 0 : i32
      %dma_wait3A_48 = tpu.memref_slice %arg2[%run_scoped3A, %mul3A_0, %dma_wait3A_47] : memref<5x100352x8xf32, #tpu.memory_space<hbm>> -> memref<1x6272x8xf32, #tpu.memory_space<hbm>>
      %dma_wait3A_49 = tpu.memref_squeeze %dma_wait3A_48 : memref<1x6272x8xf32, #tpu.memory_space<hbm>> -> memref<6272x8xf32, #tpu.memory_space<hbm>>
      tpu.wait_dma2 semaphore(%run_scoped3A_41 : memref<!tpu.dma_semaphore, #tpu.memory_space<semaphore_mem>>) src(%dma_wait3A_49 : memref<6272x8xf32, #tpu.memory_space<hbm>>) dst(%dma_wait3A_46 : memref<6272x8xf32, #tpu.memory_space<vmem_shared>>)
      tpu.yield
    }) : () -> ()
    %run_scoped3A_31 = arith.constant 4 : i32
    "tpu.region"() ({
      %run_scoped3A_41 = tpu.sem_alloc : memref<!tpu.dma_semaphore, #tpu.memory_space<semaphore_mem>>
      %dma_start3A = arith.constant 0 : i32
      %dma_start3A_42 = tpu.memref_slice %arg6[%mul3A_0, %dma_start3A] : memref<100352x8xf32, #tpu.memory_space<vmem_shared>> -> memref<6272x8xf32, #tpu.memory_space<vmem_shared>>
      %dma_start3A_43 = arith.constant 0 : i32
      %dma_start3A_44 = tpu.memref_slice %arg2[%run_scoped3A_31, %mul3A_0, %dma_start3A_43] : memref<5x100352x8xf32, #tpu.memory_space<hbm>> -> memref<1x6272x8xf32, #tpu.memory_space<hbm>>
      %dma_start3A_45 = tpu.memref_squeeze %dma_start3A_44 : memref<1x6272x8xf32, #tpu.memory_space<hbm>> -> memref<6272x8xf32, #tpu.memory_space<hbm>>
      tpu.enqueue_dma source(%dma_start3A_45 : memref<6272x8xf32, #tpu.memory_space<hbm>>) target(%dma_start3A_42 : memref<6272x8xf32, #tpu.memory_space<vmem_shared>>) target_semaphore(%run_scoped3A_41 : memref<!tpu.dma_semaphore, #tpu.memory_space<semaphore_mem>>)
      %dma_wait3A = arith.constant 0 : i32
      %dma_wait3A_46 = tpu.memref_slice %arg6[%mul3A_0, %dma_wait3A] : memref<100352x8xf32, #tpu.memory_space<vmem_shared>> -> memref<6272x8xf32, #tpu.memory_space<vmem_shared>>
      %dma_wait3A_47 = arith.constant 0 : i32
      %dma_wait3A_48 = tpu.memref_slice %arg2[%run_scoped3A_31, %mul3A_0, %dma_wait3A_47] : memref<5x100352x8xf32, #tpu.memory_space<hbm>> -> memref<1x6272x8xf32, #tpu.memory_space<hbm>>
      %dma_wait3A_49 = tpu.memref_squeeze %dma_wait3A_48 : memref<1x6272x8xf32, #tpu.memory_space<hbm>> -> memref<6272x8xf32, #tpu.memory_space<hbm>>
      tpu.wait_dma2 semaphore(%run_scoped3A_41 : memref<!tpu.dma_semaphore, #tpu.memory_space<semaphore_mem>>) src(%dma_wait3A_49 : memref<6272x8xf32, #tpu.memory_space<hbm>>) dst(%dma_wait3A_46 : memref<6272x8xf32, #tpu.memory_space<vmem_shared>>)
      tpu.yield
    }) : () -> ()
    %barrier3A_32 = arith.constant 0 : index
    tpu.barrier barrier_id(%barrier3A_32)
    %scan3A_33 = arith.constant 0 : i32
    %scan3A_34 = arith.constant 0 : i32
    %scan3A_35 = arith.constant 25 : i32
    %scan3A_36 = arith.addi %scan3A_34, %scan3A_35 : i32
    %scan3A_37 = arith.constant 1 : i32
    scf.for %scan3A_41 = %scan3A_34 to %scan3A_36 step %scan3A_37  : i32 {
      %mul3A_42 = arith.constant 2000 : i32
      %mul3A_43 = arith.muli %scan3A_41, %mul3A_42 : i32
      %add3A_44 = arith.addi %add3A_30, %mul3A_43 : i32
      %run_scoped3A_45 = arith.constant 0 : i32
      "tpu.region"() ({
        %run_scoped3A_57 = tpu.sem_alloc : memref<!tpu.dma_semaphore, #tpu.memory_space<semaphore_mem>>
        %dma_start3A_58 = tpu.memref_slice %arg3[%run_scoped3A_45, %add3A_44] : memref<2x1600000xi32, #tpu.memory_space<hbm>> -> memref<1x2000xi32, #tpu.memory_space<hbm>>
        %dma_start3A_59 = tpu.memref_squeeze %dma_start3A_58 : memref<1x2000xi32, #tpu.memory_space<hbm>> -> memref<2000xi32, #tpu.memory_space<hbm>>
        %dma_start3A_60 = tpu.memref_slice %arg3[%run_scoped3A_45, %add3A_44] : memref<2x1600000xi32, #tpu.memory_space<hbm>> -> memref<1x2000xi32, #tpu.memory_space<hbm>>
        %dma_start3A_61 = tpu.memref_squeeze %dma_start3A_60 : memref<1x2000xi32, #tpu.memory_space<hbm>> -> memref<2000xi32, #tpu.memory_space<hbm>>
        tpu.enqueue_dma source(%dma_start3A_61 : memref<2000xi32, #tpu.memory_space<hbm>>) target(%arg7 : memref<2000xi32, #tpu.memory_space<vmem>>) target_semaphore(%run_scoped3A_57 : memref<!tpu.dma_semaphore, #tpu.memory_space<semaphore_mem>>)
        %dma_wait3A_62 = tpu.memref_slice %arg3[%run_scoped3A_45, %add3A_44] : memref<2x1600000xi32, #tpu.memory_space<hbm>> -> memref<1x2000xi32, #tpu.memory_space<hbm>>
        %dma_wait3A_63 = tpu.memref_squeeze %dma_wait3A_62 : memref<1x2000xi32, #tpu.memory_space<hbm>> -> memref<2000xi32, #tpu.memory_space<hbm>>
        %dma_wait3A_64 = tpu.memref_slice %arg3[%run_scoped3A_45, %add3A_44] : memref<2x1600000xi32, #tpu.memory_space<hbm>> -> memref<1x2000xi32, #tpu.memory_space<hbm>>
        %dma_wait3A_65 = tpu.memref_squeeze %dma_wait3A_64 : memref<1x2000xi32, #tpu.memory_space<hbm>> -> memref<2000xi32, #tpu.memory_space<hbm>>
        tpu.wait_dma2 semaphore(%run_scoped3A_57 : memref<!tpu.dma_semaphore, #tpu.memory_space<semaphore_mem>>) src(%dma_wait3A_65 : memref<2000xi32, #tpu.memory_space<hbm>>) dst(%arg7 : memref<2000xi32, #tpu.memory_space<vmem>>)
        tpu.yield
      }) : () -> ()
      %run_scoped3A_46 = arith.constant 1 : i32
      "tpu.region"() ({
        %run_scoped3A_57 = tpu.sem_alloc : memref<!tpu.dma_semaphore, #tpu.memory_space<semaphore_mem>>
        %dma_start3A_58 = tpu.memref_slice %arg3[%run_scoped3A_46, %add3A_44] : memref<2x1600000xi32, #tpu.memory_space<hbm>> -> memref<1x2000xi32, #tpu.memory_space<hbm>>
        %dma_start3A_59 = tpu.memref_squeeze %dma_start3A_58 : memref<1x2000xi32, #tpu.memory_space<hbm>> -> memref<2000xi32, #tpu.memory_space<hbm>>
        %dma_start3A_60 = tpu.memref_slice %arg3[%run_scoped3A_46, %add3A_44] : memref<2x1600000xi32, #tpu.memory_space<hbm>> -> memref<1x2000xi32, #tpu.memory_space<hbm>>
        %dma_start3A_61 = tpu.memref_squeeze %dma_start3A_60 : memref<1x2000xi32, #tpu.memory_space<hbm>> -> memref<2000xi32, #tpu.memory_space<hbm>>
        tpu.enqueue_dma source(%dma_start3A_61 : memref<2000xi32, #tpu.memory_space<hbm>>) target(%arg8 : memref<2000xi32, #tpu.memory_space<vmem>>) target_semaphore(%run_scoped3A_57 : memref<!tpu.dma_semaphore, #tpu.memory_space<semaphore_mem>>)
        %dma_wait3A_62 = tpu.memref_slice %arg3[%run_scoped3A_46, %add3A_44] : memref<2x1600000xi32, #tpu.memory_space<hbm>> -> memref<1x2000xi32, #tpu.memory_space<hbm>>
        %dma_wait3A_63 = tpu.memref_squeeze %dma_wait3A_62 : memref<1x2000xi32, #tpu.memory_space<hbm>> -> memref<2000xi32, #tpu.memory_space<hbm>>
        %dma_wait3A_64 = tpu.memref_slice %arg3[%run_scoped3A_46, %add3A_44] : memref<2x1600000xi32, #tpu.memory_space<hbm>> -> memref<1x2000xi32, #tpu.memory_space<hbm>>
        %dma_wait3A_65 = tpu.memref_squeeze %dma_wait3A_64 : memref<1x2000xi32, #tpu.memory_space<hbm>> -> memref<2000xi32, #tpu.memory_space<hbm>>
        tpu.wait_dma2 semaphore(%run_scoped3A_57 : memref<!tpu.dma_semaphore, #tpu.memory_space<semaphore_mem>>) src(%dma_wait3A_65 : memref<2000xi32, #tpu.memory_space<hbm>>) dst(%arg8 : memref<2000xi32, #tpu.memory_space<vmem>>)
        tpu.yield
      }) : () -> ()
      %dma_start3A = arith.constant 0 : i32
      %dma_start3A_47 = arith.constant 0 : i32
      %dma_start3A_48 = tpu.memref_slice %arg5[%dma_start3A, %dma_start3A_47] : memref<100352x8xf32, #tpu.memory_space<vmem_shared>> -> memref<100352x8xf32, #tpu.memory_space<vmem_shared>>
      tpu.enqueue_indirect_dma source(%dma_start3A_48 : memref<100352x8xf32, #tpu.memory_space<vmem_shared>>) target(%arg9 : memref<2000x8xf32, #tpu.memory_space<vmem>>) offsets(%arg7 : memref<2000xi32, #tpu.memory_space<vmem>>) semaphore(%arg10 : memref<!tpu.dma_semaphore, #tpu.memory_space<semaphore_mem>>)
      %dma_wait3A = arith.constant 0 : i32
      %dma_wait3A_49 = arith.constant 0 : i32
      %dma_wait3A_50 = tpu.memref_slice %arg5[%dma_wait3A, %dma_wait3A_49] : memref<100352x8xf32, #tpu.memory_space<vmem_shared>> -> memref<100352x8xf32, #tpu.memory_space<vmem_shared>>
      tpu.wait_indirect_dma semaphore(%arg10 : memref<!tpu.dma_semaphore, #tpu.memory_space<semaphore_mem>>) src(%dma_wait3A_50 : memref<100352x8xf32, #tpu.memory_space<vmem_shared>>) dst(%arg9 : memref<2000x8xf32, #tpu.memory_space<vmem>>)
      %dma_start3A_51 = arith.constant 0 : i32
      %dma_start3A_52 = arith.constant 0 : i32
      %dma_start3A_53 = tpu.memref_slice %arg6[%dma_start3A_51, %dma_start3A_52] : memref<100352x8xf32, #tpu.memory_space<vmem_shared>> -> memref<100352x8xf32, #tpu.memory_space<vmem_shared>>
      tpu.enqueue_indirect_dma source(%arg9 : memref<2000x8xf32, #tpu.memory_space<vmem>>) target(%dma_start3A_53 : memref<100352x8xf32, #tpu.memory_space<vmem_shared>>) offsets(%arg8 : memref<2000xi32, #tpu.memory_space<vmem>>) semaphore(%arg11 : memref<!tpu.dma_semaphore, #tpu.memory_space<semaphore_mem>>) {add = true}
      %dma_wait3A_54 = arith.constant 0 : i32
      %dma_wait3A_55 = arith.constant 0 : i32
      %dma_wait3A_56 = tpu.memref_slice %arg6[%dma_wait3A_54, %dma_wait3A_55] : memref<100352x8xf32, #tpu.memory_space<vmem_shared>> -> memref<100352x8xf32, #tpu.memory_space<vmem_shared>>
      tpu.wait_indirect_dma semaphore(%arg11 : memref<!tpu.dma_semaphore, #tpu.memory_space<semaphore_mem>>) src(%arg9 : memref<2000x8xf32, #tpu.memory_space<vmem>>) dst(%dma_wait3A_56 : memref<100352x8xf32, #tpu.memory_space<vmem_shared>>)
    }
    %scan3A_38 = arith.constant 25 : i32
    %barrier3A_39 = arith.constant 0 : index
    tpu.barrier barrier_id(%barrier3A_39)
    "tpu.region"() ({
      %run_scoped3A_41 = tpu.sem_alloc : memref<!tpu.dma_semaphore, #tpu.memory_space<semaphore_mem>>
      %dma_start3A = arith.constant 0 : i32
      %dma_start3A_42 = tpu.memref_slice %arg4[%add3A_25, %mul3A_0, %dma_start3A] : memref<6x100352x8xf32, #tpu.memory_space<hbm>> -> memref<1x6272x8xf32, #tpu.memory_space<hbm>>
      %dma_start3A_43 = tpu.memref_squeeze %dma_start3A_42 : memref<1x6272x8xf32, #tpu.memory_space<hbm>> -> memref<6272x8xf32, #tpu.memory_space<hbm>>
      %dma_start3A_44 = arith.constant 0 : i32
      %dma_start3A_45 = tpu.memref_slice %arg6[%mul3A_0, %dma_start3A_44] : memref<100352x8xf32, #tpu.memory_space<vmem_shared>> -> memref<6272x8xf32, #tpu.memory_space<vmem_shared>>
      tpu.enqueue_dma source(%dma_start3A_45 : memref<6272x8xf32, #tpu.memory_space<vmem_shared>>) target(%dma_start3A_43 : memref<6272x8xf32, #tpu.memory_space<hbm>>) target_semaphore(%run_scoped3A_41 : memref<!tpu.dma_semaphore, #tpu.memory_space<semaphore_mem>>)
      %dma_wait3A = arith.constant 0 : i32
      %dma_wait3A_46 = tpu.memref_slice %arg4[%add3A_25, %mul3A_0, %dma_wait3A] : memref<6x100352x8xf32, #tpu.memory_space<hbm>> -> memref<1x6272x8xf32, #tpu.memory_space<hbm>>
      %dma_wait3A_47 = tpu.memref_squeeze %dma_wait3A_46 : memref<1x6272x8xf32, #tpu.memory_space<hbm>> -> memref<6272x8xf32, #tpu.memory_space<hbm>>
      %dma_wait3A_48 = arith.constant 0 : i32
      %dma_wait3A_49 = tpu.memref_slice %arg6[%mul3A_0, %dma_wait3A_48] : memref<100352x8xf32, #tpu.memory_space<vmem_shared>> -> memref<6272x8xf32, #tpu.memory_space<vmem_shared>>
      tpu.wait_dma2 semaphore(%run_scoped3A_41 : memref<!tpu.dma_semaphore, #tpu.memory_space<semaphore_mem>>) src(%dma_wait3A_49 : memref<6272x8xf32, #tpu.memory_space<vmem_shared>>) dst(%dma_wait3A_47 : memref<6272x8xf32, #tpu.memory_space<hbm>>)
      tpu.yield
    }) : () -> ()
    %barrier3A_40 = arith.constant 0 : index
    tpu.barrier barrier_id(%barrier3A_40)
    return
  }
}

#map = affine_map<(d0, d1) -> (0, 0, 0)>
#map1 = affine_map<(d0, d1) -> (0, 0)>
module attributes {stable_mosaic.version = 14 : i64} {
  func.func @_conv_kernel(%arg0: i32, %arg1: i32, %arg2: memref<5x100352x8xf32, #tpu.memory_space<hbm>>, %arg3: memref<2x1600000xi32, #tpu.memory_space<hbm>>, %arg4: memref<6x100352x8xf32, #tpu.memory_space<hbm>>, %arg5: memref<100352x8xf32, #tpu.memory_space<vmem_shared>>, %arg6: memref<100352x8xf32, #tpu.memory_space<vmem_shared>>, %arg7: memref<2000xi32, #tpu.memory_space<vmem>>, %arg8: memref<2000xi32, #tpu.memory_space<vmem>>, %arg9: memref<2000x8xf32, #tpu.memory_space<vmem>>, %arg10: memref<!tpu.dma_semaphore, #tpu.memory_space<semaphore_mem>>, %arg11: memref<!tpu.dma_semaphore, #tpu.memory_space<semaphore_mem>>) attributes {dimension_semantics = [#tpu.dimension_semantics<core_parallel>, #tpu.dimension_semantics<subcore_parallel>], iteration_bounds = array<i64: 2, 16>, scalar_prefetch = 0 : i64, scratch_operands = 7 : i64, tpu.core_type = #tpu.core_type<sc_vector_subcore>, window_params = [{transform_indices = #map}, {transform_indices = #map1}, {transform_indices = #map}]} {
    %mul3A = arith.constant 6272 : i32
    %mul3A_0 = arith.muli %arg1, %mul3A : i32
    %add3A = arith.constant 0 : i32
    %add3A_1 = arith.addi %add3A, %arg0 : i32
    %mul3A_2 = arith.constant 100000 : i32
    %mul3A_3 = arith.muli %arg1, %mul3A_2 : i32
    "tpu.region"() ({
      %run_scoped3A_41 = tpu.sem_alloc : memref<!tpu.dma_semaphore, #tpu.memory_space<semaphore_mem>>
      %dma_start3A = arith.constant 0 : i32
      %dma_start3A_42 = tpu.memref_slice %arg5[%mul3A_0, %dma_start3A] : memref<100352x8xf32, #tpu.memory_space<vmem_shared>> -> memref<6272x8xf32, #tpu.memory_space<vmem_shared>>
      %dma_start3A_43 = arith.constant 0 : i32
      %dma_start3A_44 = tpu.memref_slice %arg2[%add3A_1, %mul3A_0, %dma_start3A_43] : memref<5x100352x8xf32, #tpu.memory_space<hbm>> -> memref<1x6272x8xf32, #tpu.memory_space<hbm>>
      %dma_start3A_45 = tpu.memref_squeeze %dma_start3A_44 : memref<1x6272x8xf32, #tpu.memory_space<hbm>> -> memref<6272x8xf32, #tpu.memory_space<hbm>>
      tpu.enqueue_dma source(%dma_start3A_45 : memref<6272x8xf32, #tpu.memory_space<hbm>>) target(%dma_start3A_42 : memref<6272x8xf32, #tpu.memory_space<vmem_shared>>) target_semaphore(%run_scoped3A_41 : memref<!tpu.dma_semaphore, #tpu.memory_space<semaphore_mem>>)
      %dma_wait3A = arith.constant 0 : i32
      %dma_wait3A_46 = tpu.memref_slice %arg5[%mul3A_0, %dma_wait3A] : memref<100352x8xf32, #tpu.memory_space<vmem_shared>> -> memref<6272x8xf32, #tpu.memory_space<vmem_shared>>
      %dma_wait3A_47 = arith.constant 0 : i32
      %dma_wait3A_48 = tpu.memref_slice %arg2[%add3A_1, %mul3A_0, %dma_wait3A_47] : memref<5x100352x8xf32, #tpu.memory_space<hbm>> -> memref<1x6272x8xf32, #tpu.memory_space<hbm>>
      %dma_wait3A_49 = tpu.memref_squeeze %dma_wait3A_48 : memref<1x6272x8xf32, #tpu.memory_space<hbm>> -> memref<6272x8xf32, #tpu.memory_space<hbm>>
      tpu.wait_dma2 semaphore(%run_scoped3A_41 : memref<!tpu.dma_semaphore, #tpu.memory_space<semaphore_mem>>) src(%dma_wait3A_49 : memref<6272x8xf32, #tpu.memory_space<hbm>>) dst(%dma_wait3A_46 : memref<6272x8xf32, #tpu.memory_space<vmem_shared>>)
      tpu.yield
    }) : () -> ()
    "tpu.region"() ({
      %run_scoped3A_41 = tpu.sem_alloc : memref<!tpu.dma_semaphore, #tpu.memory_space<semaphore_mem>>
      %dma_start3A = arith.constant 0 : i32
      %dma_start3A_42 = tpu.memref_slice %arg6[%mul3A_0, %dma_start3A] : memref<100352x8xf32, #tpu.memory_space<vmem_shared>> -> memref<6272x8xf32, #tpu.memory_space<vmem_shared>>
      %dma_start3A_43 = arith.constant 0 : i32
      %dma_start3A_44 = tpu.memref_slice %arg2[%add3A_1, %mul3A_0, %dma_start3A_43] : memref<5x100352x8xf32, #tpu.memory_space<hbm>> -> memref<1x6272x8xf32, #tpu.memory_space<hbm>>
      %dma_start3A_45 = tpu.memref_squeeze %dma_start3A_44 : memref<1x6272x8xf32, #tpu.memory_space<hbm>> -> memref<6272x8xf32, #tpu.memory_space<hbm>>
      tpu.enqueue_dma source(%dma_start3A_45 : memref<6272x8xf32, #tpu.memory_space<hbm>>) target(%dma_start3A_42 : memref<6272x8xf32, #tpu.memory_space<vmem_shared>>) target_semaphore(%run_scoped3A_41 : memref<!tpu.dma_semaphore, #tpu.memory_space<semaphore_mem>>)
      %dma_wait3A = arith.constant 0 : i32
      %dma_wait3A_46 = tpu.memref_slice %arg6[%mul3A_0, %dma_wait3A] : memref<100352x8xf32, #tpu.memory_space<vmem_shared>> -> memref<6272x8xf32, #tpu.memory_space<vmem_shared>>
      %dma_wait3A_47 = arith.constant 0 : i32
      %dma_wait3A_48 = tpu.memref_slice %arg2[%add3A_1, %mul3A_0, %dma_wait3A_47] : memref<5x100352x8xf32, #tpu.memory_space<hbm>> -> memref<1x6272x8xf32, #tpu.memory_space<hbm>>
      %dma_wait3A_49 = tpu.memref_squeeze %dma_wait3A_48 : memref<1x6272x8xf32, #tpu.memory_space<hbm>> -> memref<6272x8xf32, #tpu.memory_space<hbm>>
      tpu.wait_dma2 semaphore(%run_scoped3A_41 : memref<!tpu.dma_semaphore, #tpu.memory_space<semaphore_mem>>) src(%dma_wait3A_49 : memref<6272x8xf32, #tpu.memory_space<hbm>>) dst(%dma_wait3A_46 : memref<6272x8xf32, #tpu.memory_space<vmem_shared>>)
      tpu.yield
    }) : () -> ()
    %barrier3A = arith.constant 0 : index
    tpu.barrier barrier_id(%barrier3A)
    %scan3A = arith.constant 0 : i32
    %scan3A_4 = arith.constant 0 : i32
    %scan3A_5 = arith.constant 50 : i32
    %scan3A_6 = arith.addi %scan3A_4, %scan3A_5 : i32
    %scan3A_7 = arith.constant 1 : i32
    scf.for %scan3A_41 = %scan3A_4 to %scan3A_6 step %scan3A_7  : i32 {
      %mul3A_42 = arith.constant 2000 : i32
      %mul3A_43 = arith.muli %scan3A_41, %mul3A_42 : i32
      %add3A_44 = arith.addi %mul3A_3, %mul3A_43 : i32
      %run_scoped3A_45 = arith.constant 0 : i32
      "tpu.region"() ({
        %run_scoped3A_57 = tpu.sem_alloc : memref<!tpu.dma_semaphore, #tpu.memory_space<semaphore_mem>>
        %dma_start3A_58 = tpu.memref_slice %arg3[%run_scoped3A_45, %add3A_44] : memref<2x1600000xi32, #tpu.memory_space<hbm>> -> memref<1x2000xi32, #tpu.memory_space<hbm>>
        %dma_start3A_59 = tpu.memref_squeeze %dma_start3A_58 : memref<1x2000xi32, #tpu.memory_space<hbm>> -> memref<2000xi32, #tpu.memory_space<hbm>>
        %dma_start3A_60 = tpu.memref_slice %arg3[%run_scoped3A_45, %add3A_44] : memref<2x1600000xi32, #tpu.memory_space<hbm>> -> memref<1x2000xi32, #tpu.memory_space<hbm>>
        %dma_start3A_61 = tpu.memref_squeeze %dma_start3A_60 : memref<1x2000xi32, #tpu.memory_space<hbm>> -> memref<2000xi32, #tpu.memory_space<hbm>>
        tpu.enqueue_dma source(%dma_start3A_61 : memref<2000xi32, #tpu.memory_space<hbm>>) target(%arg7 : memref<2000xi32, #tpu.memory_space<vmem>>) target_semaphore(%run_scoped3A_57 : memref<!tpu.dma_semaphore, #tpu.memory_space<semaphore_mem>>)
        %dma_wait3A_62 = tpu.memref_slice %arg3[%run_scoped3A_45, %add3A_44] : memref<2x1600000xi32, #tpu.memory_space<hbm>> -> memref<1x2000xi32, #tpu.memory_space<hbm>>
        %dma_wait3A_63 = tpu.memref_squeeze %dma_wait3A_62 : memref<1x2000xi32, #tpu.memory_space<hbm>> -> memref<2000xi32, #tpu.memory_space<hbm>>
        %dma_wait3A_64 = tpu.memref_slice %arg3[%run_scoped3A_45, %add3A_44] : memref<2x1600000xi32, #tpu.memory_space<hbm>> -> memref<1x2000xi32, #tpu.memory_space<hbm>>
        %dma_wait3A_65 = tpu.memref_squeeze %dma_wait3A_64 : memref<1x2000xi32, #tpu.memory_space<hbm>> -> memref<2000xi32, #tpu.memory_space<hbm>>
        tpu.wait_dma2 semaphore(%run_scoped3A_57 : memref<!tpu.dma_semaphore, #tpu.memory_space<semaphore_mem>>) src(%dma_wait3A_65 : memref<2000xi32, #tpu.memory_space<hbm>>) dst(%arg7 : memref<2000xi32, #tpu.memory_space<vmem>>)
        tpu.yield
      }) : () -> ()
      %run_scoped3A_46 = arith.constant 1 : i32
      "tpu.region"() ({
        %run_scoped3A_57 = tpu.sem_alloc : memref<!tpu.dma_semaphore, #tpu.memory_space<semaphore_mem>>
        %dma_start3A_58 = tpu.memref_slice %arg3[%run_scoped3A_46, %add3A_44] : memref<2x1600000xi32, #tpu.memory_space<hbm>> -> memref<1x2000xi32, #tpu.memory_space<hbm>>
        %dma_start3A_59 = tpu.memref_squeeze %dma_start3A_58 : memref<1x2000xi32, #tpu.memory_space<hbm>> -> memref<2000xi32, #tpu.memory_space<hbm>>
        %dma_start3A_60 = tpu.memref_slice %arg3[%run_scoped3A_46, %add3A_44] : memref<2x1600000xi32, #tpu.memory_space<hbm>> -> memref<1x2000xi32, #tpu.memory_space<hbm>>
        %dma_start3A_61 = tpu.memref_squeeze %dma_start3A_60 : memref<1x2000xi32, #tpu.memory_space<hbm>> -> memref<2000xi32, #tpu.memory_space<hbm>>
        tpu.enqueue_dma source(%dma_start3A_61 : memref<2000xi32, #tpu.memory_space<hbm>>) target(%arg8 : memref<2000xi32, #tpu.memory_space<vmem>>) target_semaphore(%run_scoped3A_57 : memref<!tpu.dma_semaphore, #tpu.memory_space<semaphore_mem>>)
        %dma_wait3A_62 = tpu.memref_slice %arg3[%run_scoped3A_46, %add3A_44] : memref<2x1600000xi32, #tpu.memory_space<hbm>> -> memref<1x2000xi32, #tpu.memory_space<hbm>>
        %dma_wait3A_63 = tpu.memref_squeeze %dma_wait3A_62 : memref<1x2000xi32, #tpu.memory_space<hbm>> -> memref<2000xi32, #tpu.memory_space<hbm>>
        %dma_wait3A_64 = tpu.memref_slice %arg3[%run_scoped3A_46, %add3A_44] : memref<2x1600000xi32, #tpu.memory_space<hbm>> -> memref<1x2000xi32, #tpu.memory_space<hbm>>
        %dma_wait3A_65 = tpu.memref_squeeze %dma_wait3A_64 : memref<1x2000xi32, #tpu.memory_space<hbm>> -> memref<2000xi32, #tpu.memory_space<hbm>>
        tpu.wait_dma2 semaphore(%run_scoped3A_57 : memref<!tpu.dma_semaphore, #tpu.memory_space<semaphore_mem>>) src(%dma_wait3A_65 : memref<2000xi32, #tpu.memory_space<hbm>>) dst(%arg8 : memref<2000xi32, #tpu.memory_space<vmem>>)
        tpu.yield
      }) : () -> ()
      %dma_start3A = arith.constant 0 : i32
      %dma_start3A_47 = arith.constant 0 : i32
      %dma_start3A_48 = tpu.memref_slice %arg5[%dma_start3A, %dma_start3A_47] : memref<100352x8xf32, #tpu.memory_space<vmem_shared>> -> memref<100352x8xf32, #tpu.memory_space<vmem_shared>>
      tpu.enqueue_indirect_dma source(%dma_start3A_48 : memref<100352x8xf32, #tpu.memory_space<vmem_shared>>) target(%arg9 : memref<2000x8xf32, #tpu.memory_space<vmem>>) offsets(%arg7 : memref<2000xi32, #tpu.memory_space<vmem>>) semaphore(%arg10 : memref<!tpu.dma_semaphore, #tpu.memory_space<semaphore_mem>>)
      %dma_wait3A = arith.constant 0 : i32
      %dma_wait3A_49 = arith.constant 0 : i32
      %dma_wait3A_50 = tpu.memref_slice %arg5[%dma_wait3A, %dma_wait3A_49] : memref<100352x8xf32, #tpu.memory_space<vmem_shared>> -> memref<100352x8xf32, #tpu.memory_space<vmem_shared>>
      tpu.wait_indirect_dma semaphore(%arg10 : memref<!tpu.dma_semaphore, #tpu.memory_space<semaphore_mem>>) src(%dma_wait3A_50 : memref<100352x8xf32, #tpu.memory_space<vmem_shared>>) dst(%arg9 : memref<2000x8xf32, #tpu.memory_space<vmem>>)
      %dma_start3A_51 = arith.constant 0 : i32
      %dma_start3A_52 = arith.constant 0 : i32
      %dma_start3A_53 = tpu.memref_slice %arg6[%dma_start3A_51, %dma_start3A_52] : memref<100352x8xf32, #tpu.memory_space<vmem_shared>> -> memref<100352x8xf32, #tpu.memory_space<vmem_shared>>
      tpu.enqueue_indirect_dma source(%arg9 : memref<2000x8xf32, #tpu.memory_space<vmem>>) target(%dma_start3A_53 : memref<100352x8xf32, #tpu.memory_space<vmem_shared>>) offsets(%arg8 : memref<2000xi32, #tpu.memory_space<vmem>>) semaphore(%arg11 : memref<!tpu.dma_semaphore, #tpu.memory_space<semaphore_mem>>) {add = true}
      %dma_wait3A_54 = arith.constant 0 : i32
      %dma_wait3A_55 = arith.constant 0 : i32
      %dma_wait3A_56 = tpu.memref_slice %arg6[%dma_wait3A_54, %dma_wait3A_55] : memref<100352x8xf32, #tpu.memory_space<vmem_shared>> -> memref<100352x8xf32, #tpu.memory_space<vmem_shared>>
      tpu.wait_indirect_dma semaphore(%arg11 : memref<!tpu.dma_semaphore, #tpu.memory_space<semaphore_mem>>) src(%arg9 : memref<2000x8xf32, #tpu.memory_space<vmem>>) dst(%dma_wait3A_56 : memref<100352x8xf32, #tpu.memory_space<vmem_shared>>)
    }
    %scan3A_8 = arith.constant 50 : i32
    %barrier3A_9 = arith.constant 0 : index
    tpu.barrier barrier_id(%barrier3A_9)
    "tpu.region"() ({
      %run_scoped3A_41 = tpu.sem_alloc : memref<!tpu.dma_semaphore, #tpu.memory_space<semaphore_mem>>
      %dma_start3A = arith.constant 0 : i32
      %dma_start3A_42 = tpu.memref_slice %arg4[%add3A_1, %mul3A_0, %dma_start3A] : memref<6x100352x8xf32, #tpu.memory_space<hbm>> -> memref<1x6272x8xf32, #tpu.memory_space<hbm>>
      %dma_start3A_43 = tpu.memref_squeeze %dma_start3A_42 : memref<1x6272x8xf32, #tpu.memory_space<hbm>> -> memref<6272x8xf32, #tpu.memory_space<hbm>>
      %dma_start3A_44 = arith.constant 0 : i32
      %dma_start3A_45 = tpu.memref_slice %arg6[%mul3A_0, %dma_start3A_44] : memref<100352x8xf32, #tpu.memory_space<vmem_shared>> -> memref<6272x8xf32, #tpu.memory_space<vmem_shared>>
      tpu.enqueue_dma source(%dma_start3A_45 : memref<6272x8xf32, #tpu.memory_space<vmem_shared>>) target(%dma_start3A_43 : memref<6272x8xf32, #tpu.memory_space<hbm>>) target_semaphore(%run_scoped3A_41 : memref<!tpu.dma_semaphore, #tpu.memory_space<semaphore_mem>>)
      %dma_wait3A = arith.constant 0 : i32
      %dma_wait3A_46 = tpu.memref_slice %arg4[%add3A_1, %mul3A_0, %dma_wait3A] : memref<6x100352x8xf32, #tpu.memory_space<hbm>> -> memref<1x6272x8xf32, #tpu.memory_space<hbm>>
      %dma_wait3A_47 = tpu.memref_squeeze %dma_wait3A_46 : memref<1x6272x8xf32, #tpu.memory_space<hbm>> -> memref<6272x8xf32, #tpu.memory_space<hbm>>
      %dma_wait3A_48 = arith.constant 0 : i32
      %dma_wait3A_49 = tpu.memref_slice %arg6[%mul3A_0, %dma_wait3A_48] : memref<100352x8xf32, #tpu.memory_space<vmem_shared>> -> memref<6272x8xf32, #tpu.memory_space<vmem_shared>>
      tpu.wait_dma2 semaphore(%run_scoped3A_41 : memref<!tpu.dma_semaphore, #tpu.memory_space<semaphore_mem>>) src(%dma_wait3A_49 : memref<6272x8xf32, #tpu.memory_space<vmem_shared>>) dst(%dma_wait3A_47 : memref<6272x8xf32, #tpu.memory_space<hbm>>)
      tpu.yield
    }) : () -> ()
    %barrier3A_10 = arith.constant 0 : index
    tpu.barrier barrier_id(%barrier3A_10)
    %add3A_11 = arith.constant 2 : i32
    %add3A_12 = arith.addi %add3A_11, %arg0 : i32
    %mul3A_13 = arith.constant 100000 : i32
    %mul3A_14 = arith.muli %arg1, %mul3A_13 : i32
    "tpu.region"() ({
      %run_scoped3A_41 = tpu.sem_alloc : memref<!tpu.dma_semaphore, #tpu.memory_space<semaphore_mem>>
      %dma_start3A = arith.constant 0 : i32
      %dma_start3A_42 = tpu.memref_slice %arg5[%mul3A_0, %dma_start3A] : memref<100352x8xf32, #tpu.memory_space<vmem_shared>> -> memref<6272x8xf32, #tpu.memory_space<vmem_shared>>
      %dma_start3A_43 = arith.constant 0 : i32
      %dma_start3A_44 = tpu.memref_slice %arg2[%add3A_12, %mul3A_0, %dma_start3A_43] : memref<5x100352x8xf32, #tpu.memory_space<hbm>> -> memref<1x6272x8xf32, #tpu.memory_space<hbm>>
      %dma_start3A_45 = tpu.memref_squeeze %dma_start3A_44 : memref<1x6272x8xf32, #tpu.memory_space<hbm>> -> memref<6272x8xf32, #tpu.memory_space<hbm>>
      tpu.enqueue_dma source(%dma_start3A_45 : memref<6272x8xf32, #tpu.memory_space<hbm>>) target(%dma_start3A_42 : memref<6272x8xf32, #tpu.memory_space<vmem_shared>>) target_semaphore(%run_scoped3A_41 : memref<!tpu.dma_semaphore, #tpu.memory_space<semaphore_mem>>)
      %dma_wait3A = arith.constant 0 : i32
      %dma_wait3A_46 = tpu.memref_slice %arg5[%mul3A_0, %dma_wait3A] : memref<100352x8xf32, #tpu.memory_space<vmem_shared>> -> memref<6272x8xf32, #tpu.memory_space<vmem_shared>>
      %dma_wait3A_47 = arith.constant 0 : i32
      %dma_wait3A_48 = tpu.memref_slice %arg2[%add3A_12, %mul3A_0, %dma_wait3A_47] : memref<5x100352x8xf32, #tpu.memory_space<hbm>> -> memref<1x6272x8xf32, #tpu.memory_space<hbm>>
      %dma_wait3A_49 = tpu.memref_squeeze %dma_wait3A_48 : memref<1x6272x8xf32, #tpu.memory_space<hbm>> -> memref<6272x8xf32, #tpu.memory_space<hbm>>
      tpu.wait_dma2 semaphore(%run_scoped3A_41 : memref<!tpu.dma_semaphore, #tpu.memory_space<semaphore_mem>>) src(%dma_wait3A_49 : memref<6272x8xf32, #tpu.memory_space<hbm>>) dst(%dma_wait3A_46 : memref<6272x8xf32, #tpu.memory_space<vmem_shared>>)
      tpu.yield
    }) : () -> ()
    "tpu.region"() ({
      %run_scoped3A_41 = tpu.sem_alloc : memref<!tpu.dma_semaphore, #tpu.memory_space<semaphore_mem>>
      %dma_start3A = arith.constant 0 : i32
      %dma_start3A_42 = tpu.memref_slice %arg6[%mul3A_0, %dma_start3A] : memref<100352x8xf32, #tpu.memory_space<vmem_shared>> -> memref<6272x8xf32, #tpu.memory_space<vmem_shared>>
      %dma_start3A_43 = arith.constant 0 : i32
      %dma_start3A_44 = tpu.memref_slice %arg2[%add3A_12, %mul3A_0, %dma_start3A_43] : memref<5x100352x8xf32, #tpu.memory_space<hbm>> -> memref<1x6272x8xf32, #tpu.memory_space<hbm>>
      %dma_start3A_45 = tpu.memref_squeeze %dma_start3A_44 : memref<1x6272x8xf32, #tpu.memory_space<hbm>> -> memref<6272x8xf32, #tpu.memory_space<hbm>>
      tpu.enqueue_dma source(%dma_start3A_45 : memref<6272x8xf32, #tpu.memory_space<hbm>>) target(%dma_start3A_42 : memref<6272x8xf32, #tpu.memory_space<vmem_shared>>) target_semaphore(%run_scoped3A_41 : memref<!tpu.dma_semaphore, #tpu.memory_space<semaphore_mem>>)
      %dma_wait3A = arith.constant 0 : i32
      %dma_wait3A_46 = tpu.memref_slice %arg6[%mul3A_0, %dma_wait3A] : memref<100352x8xf32, #tpu.memory_space<vmem_shared>> -> memref<6272x8xf32, #tpu.memory_space<vmem_shared>>
      %dma_wait3A_47 = arith.constant 0 : i32
      %dma_wait3A_48 = tpu.memref_slice %arg2[%add3A_12, %mul3A_0, %dma_wait3A_47] : memref<5x100352x8xf32, #tpu.memory_space<hbm>> -> memref<1x6272x8xf32, #tpu.memory_space<hbm>>
      %dma_wait3A_49 = tpu.memref_squeeze %dma_wait3A_48 : memref<1x6272x8xf32, #tpu.memory_space<hbm>> -> memref<6272x8xf32, #tpu.memory_space<hbm>>
      tpu.wait_dma2 semaphore(%run_scoped3A_41 : memref<!tpu.dma_semaphore, #tpu.memory_space<semaphore_mem>>) src(%dma_wait3A_49 : memref<6272x8xf32, #tpu.memory_space<hbm>>) dst(%dma_wait3A_46 : memref<6272x8xf32, #tpu.memory_space<vmem_shared>>)
      tpu.yield
    }) : () -> ()
    %barrier3A_15 = arith.constant 0 : index
    tpu.barrier barrier_id(%barrier3A_15)
    %scan3A_16 = arith.constant 0 : i32
    %scan3A_17 = arith.constant 0 : i32
    %scan3A_18 = arith.constant 50 : i32
    %scan3A_19 = arith.addi %scan3A_17, %scan3A_18 : i32
    %scan3A_20 = arith.constant 1 : i32
    scf.for %scan3A_41 = %scan3A_17 to %scan3A_19 step %scan3A_20  : i32 {
      %mul3A_42 = arith.constant 2000 : i32
      %mul3A_43 = arith.muli %scan3A_41, %mul3A_42 : i32
      %add3A_44 = arith.addi %mul3A_14, %mul3A_43 : i32
      %run_scoped3A_45 = arith.constant 0 : i32
      "tpu.region"() ({
        %run_scoped3A_57 = tpu.sem_alloc : memref<!tpu.dma_semaphore, #tpu.memory_space<semaphore_mem>>
        %dma_start3A_58 = tpu.memref_slice %arg3[%run_scoped3A_45, %add3A_44] : memref<2x1600000xi32, #tpu.memory_space<hbm>> -> memref<1x2000xi32, #tpu.memory_space<hbm>>
        %dma_start3A_59 = tpu.memref_squeeze %dma_start3A_58 : memref<1x2000xi32, #tpu.memory_space<hbm>> -> memref<2000xi32, #tpu.memory_space<hbm>>
        %dma_start3A_60 = tpu.memref_slice %arg3[%run_scoped3A_45, %add3A_44] : memref<2x1600000xi32, #tpu.memory_space<hbm>> -> memref<1x2000xi32, #tpu.memory_space<hbm>>
        %dma_start3A_61 = tpu.memref_squeeze %dma_start3A_60 : memref<1x2000xi32, #tpu.memory_space<hbm>> -> memref<2000xi32, #tpu.memory_space<hbm>>
        tpu.enqueue_dma source(%dma_start3A_61 : memref<2000xi32, #tpu.memory_space<hbm>>) target(%arg7 : memref<2000xi32, #tpu.memory_space<vmem>>) target_semaphore(%run_scoped3A_57 : memref<!tpu.dma_semaphore, #tpu.memory_space<semaphore_mem>>)
        %dma_wait3A_62 = tpu.memref_slice %arg3[%run_scoped3A_45, %add3A_44] : memref<2x1600000xi32, #tpu.memory_space<hbm>> -> memref<1x2000xi32, #tpu.memory_space<hbm>>
        %dma_wait3A_63 = tpu.memref_squeeze %dma_wait3A_62 : memref<1x2000xi32, #tpu.memory_space<hbm>> -> memref<2000xi32, #tpu.memory_space<hbm>>
        %dma_wait3A_64 = tpu.memref_slice %arg3[%run_scoped3A_45, %add3A_44] : memref<2x1600000xi32, #tpu.memory_space<hbm>> -> memref<1x2000xi32, #tpu.memory_space<hbm>>
        %dma_wait3A_65 = tpu.memref_squeeze %dma_wait3A_64 : memref<1x2000xi32, #tpu.memory_space<hbm>> -> memref<2000xi32, #tpu.memory_space<hbm>>
        tpu.wait_dma2 semaphore(%run_scoped3A_57 : memref<!tpu.dma_semaphore, #tpu.memory_space<semaphore_mem>>) src(%dma_wait3A_65 : memref<2000xi32, #tpu.memory_space<hbm>>) dst(%arg7 : memref<2000xi32, #tpu.memory_space<vmem>>)
        tpu.yield
      }) : () -> ()
      %run_scoped3A_46 = arith.constant 1 : i32
      "tpu.region"() ({
        %run_scoped3A_57 = tpu.sem_alloc : memref<!tpu.dma_semaphore, #tpu.memory_space<semaphore_mem>>
        %dma_start3A_58 = tpu.memref_slice %arg3[%run_scoped3A_46, %add3A_44] : memref<2x1600000xi32, #tpu.memory_space<hbm>> -> memref<1x2000xi32, #tpu.memory_space<hbm>>
        %dma_start3A_59 = tpu.memref_squeeze %dma_start3A_58 : memref<1x2000xi32, #tpu.memory_space<hbm>> -> memref<2000xi32, #tpu.memory_space<hbm>>
        %dma_start3A_60 = tpu.memref_slice %arg3[%run_scoped3A_46, %add3A_44] : memref<2x1600000xi32, #tpu.memory_space<hbm>> -> memref<1x2000xi32, #tpu.memory_space<hbm>>
        %dma_start3A_61 = tpu.memref_squeeze %dma_start3A_60 : memref<1x2000xi32, #tpu.memory_space<hbm>> -> memref<2000xi32, #tpu.memory_space<hbm>>
        tpu.enqueue_dma source(%dma_start3A_61 : memref<2000xi32, #tpu.memory_space<hbm>>) target(%arg8 : memref<2000xi32, #tpu.memory_space<vmem>>) target_semaphore(%run_scoped3A_57 : memref<!tpu.dma_semaphore, #tpu.memory_space<semaphore_mem>>)
        %dma_wait3A_62 = tpu.memref_slice %arg3[%run_scoped3A_46, %add3A_44] : memref<2x1600000xi32, #tpu.memory_space<hbm>> -> memref<1x2000xi32, #tpu.memory_space<hbm>>
        %dma_wait3A_63 = tpu.memref_squeeze %dma_wait3A_62 : memref<1x2000xi32, #tpu.memory_space<hbm>> -> memref<2000xi32, #tpu.memory_space<hbm>>
        %dma_wait3A_64 = tpu.memref_slice %arg3[%run_scoped3A_46, %add3A_44] : memref<2x1600000xi32, #tpu.memory_space<hbm>> -> memref<1x2000xi32, #tpu.memory_space<hbm>>
        %dma_wait3A_65 = tpu.memref_squeeze %dma_wait3A_64 : memref<1x2000xi32, #tpu.memory_space<hbm>> -> memref<2000xi32, #tpu.memory_space<hbm>>
        tpu.wait_dma2 semaphore(%run_scoped3A_57 : memref<!tpu.dma_semaphore, #tpu.memory_space<semaphore_mem>>) src(%dma_wait3A_65 : memref<2000xi32, #tpu.memory_space<hbm>>) dst(%arg8 : memref<2000xi32, #tpu.memory_space<vmem>>)
        tpu.yield
      }) : () -> ()
      %dma_start3A = arith.constant 0 : i32
      %dma_start3A_47 = arith.constant 0 : i32
      %dma_start3A_48 = tpu.memref_slice %arg5[%dma_start3A, %dma_start3A_47] : memref<100352x8xf32, #tpu.memory_space<vmem_shared>> -> memref<100352x8xf32, #tpu.memory_space<vmem_shared>>
      tpu.enqueue_indirect_dma source(%dma_start3A_48 : memref<100352x8xf32, #tpu.memory_space<vmem_shared>>) target(%arg9 : memref<2000x8xf32, #tpu.memory_space<vmem>>) offsets(%arg7 : memref<2000xi32, #tpu.memory_space<vmem>>) semaphore(%arg10 : memref<!tpu.dma_semaphore, #tpu.memory_space<semaphore_mem>>)
      %dma_wait3A = arith.constant 0 : i32
      %dma_wait3A_49 = arith.constant 0 : i32
      %dma_wait3A_50 = tpu.memref_slice %arg5[%dma_wait3A, %dma_wait3A_49] : memref<100352x8xf32, #tpu.memory_space<vmem_shared>> -> memref<100352x8xf32, #tpu.memory_space<vmem_shared>>
      tpu.wait_indirect_dma semaphore(%arg10 : memref<!tpu.dma_semaphore, #tpu.memory_space<semaphore_mem>>) src(%dma_wait3A_50 : memref<100352x8xf32, #tpu.memory_space<vmem_shared>>) dst(%arg9 : memref<2000x8xf32, #tpu.memory_space<vmem>>)
      %dma_start3A_51 = arith.constant 0 : i32
      %dma_start3A_52 = arith.constant 0 : i32
      %dma_start3A_53 = tpu.memref_slice %arg6[%dma_start3A_51, %dma_start3A_52] : memref<100352x8xf32, #tpu.memory_space<vmem_shared>> -> memref<100352x8xf32, #tpu.memory_space<vmem_shared>>
      tpu.enqueue_indirect_dma source(%arg9 : memref<2000x8xf32, #tpu.memory_space<vmem>>) target(%dma_start3A_53 : memref<100352x8xf32, #tpu.memory_space<vmem_shared>>) offsets(%arg8 : memref<2000xi32, #tpu.memory_space<vmem>>) semaphore(%arg11 : memref<!tpu.dma_semaphore, #tpu.memory_space<semaphore_mem>>) {add = true}
      %dma_wait3A_54 = arith.constant 0 : i32
      %dma_wait3A_55 = arith.constant 0 : i32
      %dma_wait3A_56 = tpu.memref_slice %arg6[%dma_wait3A_54, %dma_wait3A_55] : memref<100352x8xf32, #tpu.memory_space<vmem_shared>> -> memref<100352x8xf32, #tpu.memory_space<vmem_shared>>
      tpu.wait_indirect_dma semaphore(%arg11 : memref<!tpu.dma_semaphore, #tpu.memory_space<semaphore_mem>>) src(%arg9 : memref<2000x8xf32, #tpu.memory_space<vmem>>) dst(%dma_wait3A_56 : memref<100352x8xf32, #tpu.memory_space<vmem_shared>>)
    }
    %scan3A_21 = arith.constant 50 : i32
    %barrier3A_22 = arith.constant 0 : index
    tpu.barrier barrier_id(%barrier3A_22)
    "tpu.region"() ({
      %run_scoped3A_41 = tpu.sem_alloc : memref<!tpu.dma_semaphore, #tpu.memory_space<semaphore_mem>>
      %dma_start3A = arith.constant 0 : i32
      %dma_start3A_42 = tpu.memref_slice %arg4[%add3A_12, %mul3A_0, %dma_start3A] : memref<6x100352x8xf32, #tpu.memory_space<hbm>> -> memref<1x6272x8xf32, #tpu.memory_space<hbm>>
      %dma_start3A_43 = tpu.memref_squeeze %dma_start3A_42 : memref<1x6272x8xf32, #tpu.memory_space<hbm>> -> memref<6272x8xf32, #tpu.memory_space<hbm>>
      %dma_start3A_44 = arith.constant 0 : i32
      %dma_start3A_45 = tpu.memref_slice %arg6[%mul3A_0, %dma_start3A_44] : memref<100352x8xf32, #tpu.memory_space<vmem_shared>> -> memref<6272x8xf32, #tpu.memory_space<vmem_shared>>
      tpu.enqueue_dma source(%dma_start3A_45 : memref<6272x8xf32, #tpu.memory_space<vmem_shared>>) target(%dma_start3A_43 : memref<6272x8xf32, #tpu.memory_space<hbm>>) target_semaphore(%run_scoped3A_41 : memref<!tpu.dma_semaphore, #tpu.memory_space<semaphore_mem>>)
      %dma_wait3A = arith.constant 0 : i32
      %dma_wait3A_46 = tpu.memref_slice %arg4[%add3A_12, %mul3A_0, %dma_wait3A] : memref<6x100352x8xf32, #tpu.memory_space<hbm>> -> memref<1x6272x8xf32, #tpu.memory_space<hbm>>
      %dma_wait3A_47 = tpu.memref_squeeze %dma_wait3A_46 : memref<1x6272x8xf32, #tpu.memory_space<hbm>> -> memref<6272x8xf32, #tpu.memory_space<hbm>>
      %dma_wait3A_48 = arith.constant 0 : i32
      %dma_wait3A_49 = tpu.memref_slice %arg6[%mul3A_0, %dma_wait3A_48] : memref<100352x8xf32, #tpu.memory_space<vmem_shared>> -> memref<6272x8xf32, #tpu.memory_space<vmem_shared>>
      tpu.wait_dma2 semaphore(%run_scoped3A_41 : memref<!tpu.dma_semaphore, #tpu.memory_space<semaphore_mem>>) src(%dma_wait3A_49 : memref<6272x8xf32, #tpu.memory_space<vmem_shared>>) dst(%dma_wait3A_47 : memref<6272x8xf32, #tpu.memory_space<hbm>>)
      tpu.yield
    }) : () -> ()
    %barrier3A_23 = arith.constant 0 : index
    tpu.barrier barrier_id(%barrier3A_23)
    %add3A_24 = arith.constant 4 : i32
    %add3A_25 = arith.addi %add3A_24, %arg0 : i32
    %mul3A_26 = arith.constant 800000 : i32
    %mul3A_27 = arith.muli %arg0, %mul3A_26 : i32
    %mul3A_28 = arith.constant 50000 : i32
    %mul3A_29 = arith.muli %arg1, %mul3A_28 : i32
    %add3A_30 = arith.addi %mul3A_27, %mul3A_29 : i32
    %run_scoped3A = arith.constant 4 : i32
    "tpu.region"() ({
      %run_scoped3A_41 = tpu.sem_alloc : memref<!tpu.dma_semaphore, #tpu.memory_space<semaphore_mem>>
      %dma_start3A = arith.constant 0 : i32
      %dma_start3A_42 = tpu.memref_slice %arg5[%mul3A_0, %dma_start3A] : memref<100352x8xf32, #tpu.memory_space<vmem_shared>> -> memref<6272x8xf32, #tpu.memory_space<vmem_shared>>
      %dma_start3A_43 = arith.constant 0 : i32
      %dma_start3A_44 = tpu.memref_slice %arg2[%run_scoped3A, %mul3A_0, %dma_start3A_43] : memref<5x100352x8xf32, #tpu.memory_space<hbm>> -> memref<1x6272x8xf32, #tpu.memory_space<hbm>>
      %dma_start3A_45 = tpu.memref_squeeze %dma_start3A_44 : memref<1x6272x8xf32, #tpu.memory_space<hbm>> -> memref<6272x8xf32, #tpu.memory_space<hbm>>
      tpu.enqueue_dma source(%dma_start3A_45 : memref<6272x8xf32, #tpu.memory_space<hbm>>) target(%dma_start3A_42 : memref<6272x8xf32, #tpu.memory_space<vmem_shared>>) target_semaphore(%run_scoped3A_41 : memref<!tpu.dma_semaphore, #tpu.memory_space<semaphore_mem>>)
      %dma_wait3A = arith.constant 0 : i32
      %dma_wait3A_46 = tpu.memref_slice %arg5[%mul3A_0, %dma_wait3A] : memref<100352x8xf32, #tpu.memory_space<vmem_shared>> -> memref<6272x8xf32, #tpu.memory_space<vmem_shared>>
      %dma_wait3A_47 = arith.constant 0 : i32
      %dma_wait3A_48 = tpu.memref_slice %arg2[%run_scoped3A, %mul3A_0, %dma_wait3A_47] : memref<5x100352x8xf32, #tpu.memory_space<hbm>> -> memref<1x6272x8xf32, #tpu.memory_space<hbm>>
      %dma_wait3A_49 = tpu.memref_squeeze %dma_wait3A_48 : memref<1x6272x8xf32, #tpu.memory_space<hbm>> -> memref<6272x8xf32, #tpu.memory_space<hbm>>
      tpu.wait_dma2 semaphore(%run_scoped3A_41 : memref<!tpu.dma_semaphore, #tpu.memory_space<semaphore_mem>>) src(%dma_wait3A_49 : memref<6272x8xf32, #tpu.memory_space<hbm>>) dst(%dma_wait3A_46 : memref<6272x8xf32, #tpu.memory_space<vmem_shared>>)
      tpu.yield
    }) : () -> ()
    %run_scoped3A_31 = arith.constant 4 : i32
    "tpu.region"() ({
      %run_scoped3A_41 = tpu.sem_alloc : memref<!tpu.dma_semaphore, #tpu.memory_space<semaphore_mem>>
      %dma_start3A = arith.constant 0 : i32
      %dma_start3A_42 = tpu.memref_slice %arg6[%mul3A_0, %dma_start3A] : memref<100352x8xf32, #tpu.memory_space<vmem_shared>> -> memref<6272x8xf32, #tpu.memory_space<vmem_shared>>
      %dma_start3A_43 = arith.constant 0 : i32
      %dma_start3A_44 = tpu.memref_slice %arg2[%run_scoped3A_31, %mul3A_0, %dma_start3A_43] : memref<5x100352x8xf32, #tpu.memory_space<hbm>> -> memref<1x6272x8xf32, #tpu.memory_space<hbm>>
      %dma_start3A_45 = tpu.memref_squeeze %dma_start3A_44 : memref<1x6272x8xf32, #tpu.memory_space<hbm>> -> memref<6272x8xf32, #tpu.memory_space<hbm>>
      tpu.enqueue_dma source(%dma_start3A_45 : memref<6272x8xf32, #tpu.memory_space<hbm>>) target(%dma_start3A_42 : memref<6272x8xf32, #tpu.memory_space<vmem_shared>>) target_semaphore(%run_scoped3A_41 : memref<!tpu.dma_semaphore, #tpu.memory_space<semaphore_mem>>)
      %dma_wait3A = arith.constant 0 : i32
      %dma_wait3A_46 = tpu.memref_slice %arg6[%mul3A_0, %dma_wait3A] : memref<100352x8xf32, #tpu.memory_space<vmem_shared>> -> memref<6272x8xf32, #tpu.memory_space<vmem_shared>>
      %dma_wait3A_47 = arith.constant 0 : i32
      %dma_wait3A_48 = tpu.memref_slice %arg2[%run_scoped3A_31, %mul3A_0, %dma_wait3A_47] : memref<5x100352x8xf32, #tpu.memory_space<hbm>> -> memref<1x6272x8xf32, #tpu.memory_space<hbm>>
      %dma_wait3A_49 = tpu.memref_squeeze %dma_wait3A_48 : memref<1x6272x8xf32, #tpu.memory_space<hbm>> -> memref<6272x8xf32, #tpu.memory_space<hbm>>
      tpu.wait_dma2 semaphore(%run_scoped3A_41 : memref<!tpu.dma_semaphore, #tpu.memory_space<semaphore_mem>>) src(%dma_wait3A_49 : memref<6272x8xf32, #tpu.memory_space<hbm>>) dst(%dma_wait3A_46 : memref<6272x8xf32, #tpu.memory_space<vmem_shared>>)
      tpu.yield
    }) : () -> ()
    %barrier3A_32 = arith.constant 0 : index
    tpu.barrier barrier_id(%barrier3A_32)
    %scan3A_33 = arith.constant 0 : i32
    %scan3A_34 = arith.constant 0 : i32
    %scan3A_35 = arith.constant 25 : i32
    %scan3A_36 = arith.addi %scan3A_34, %scan3A_35 : i32
    %scan3A_37 = arith.constant 1 : i32
    scf.for %scan3A_41 = %scan3A_34 to %scan3A_36 step %scan3A_37  : i32 {
      %mul3A_42 = arith.constant 2000 : i32
      %mul3A_43 = arith.muli %scan3A_41, %mul3A_42 : i32
      %add3A_44 = arith.addi %add3A_30, %mul3A_43 : i32
      %run_scoped3A_45 = arith.constant 0 : i32
      "tpu.region"() ({
        %run_scoped3A_57 = tpu.sem_alloc : memref<!tpu.dma_semaphore, #tpu.memory_space<semaphore_mem>>
        %dma_start3A_58 = tpu.memref_slice %arg3[%run_scoped3A_45, %add3A_44] : memref<2x1600000xi32, #tpu.memory_space<hbm>> -> memref<1x2000xi32, #tpu.memory_space<hbm>>
        %dma_start3A_59 = tpu.memref_squeeze %dma_start3A_58 : memref<1x2000xi32, #tpu.memory_space<hbm>> -> memref<2000xi32, #tpu.memory_space<hbm>>
        %dma_start3A_60 = tpu.memref_slice %arg3[%run_scoped3A_45, %add3A_44] : memref<2x1600000xi32, #tpu.memory_space<hbm>> -> memref<1x2000xi32, #tpu.memory_space<hbm>>
        %dma_start3A_61 = tpu.memref_squeeze %dma_start3A_60 : memref<1x2000xi32, #tpu.memory_space<hbm>> -> memref<2000xi32, #tpu.memory_space<hbm>>
        tpu.enqueue_dma source(%dma_start3A_61 : memref<2000xi32, #tpu.memory_space<hbm>>) target(%arg7 : memref<2000xi32, #tpu.memory_space<vmem>>) target_semaphore(%run_scoped3A_57 : memref<!tpu.dma_semaphore, #tpu.memory_space<semaphore_mem>>)
        %dma_wait3A_62 = tpu.memref_slice %arg3[%run_scoped3A_45, %add3A_44] : memref<2x1600000xi32, #tpu.memory_space<hbm>> -> memref<1x2000xi32, #tpu.memory_space<hbm>>
        %dma_wait3A_63 = tpu.memref_squeeze %dma_wait3A_62 : memref<1x2000xi32, #tpu.memory_space<hbm>> -> memref<2000xi32, #tpu.memory_space<hbm>>
        %dma_wait3A_64 = tpu.memref_slice %arg3[%run_scoped3A_45, %add3A_44] : memref<2x1600000xi32, #tpu.memory_space<hbm>> -> memref<1x2000xi32, #tpu.memory_space<hbm>>
        %dma_wait3A_65 = tpu.memref_squeeze %dma_wait3A_64 : memref<1x2000xi32, #tpu.memory_space<hbm>> -> memref<2000xi32, #tpu.memory_space<hbm>>
        tpu.wait_dma2 semaphore(%run_scoped3A_57 : memref<!tpu.dma_semaphore, #tpu.memory_space<semaphore_mem>>) src(%dma_wait3A_65 : memref<2000xi32, #tpu.memory_space<hbm>>) dst(%arg7 : memref<2000xi32, #tpu.memory_space<vmem>>)
        tpu.yield
      }) : () -> ()
      %run_scoped3A_46 = arith.constant 1 : i32
      "tpu.region"() ({
        %run_scoped3A_57 = tpu.sem_alloc : memref<!tpu.dma_semaphore, #tpu.memory_space<semaphore_mem>>
        %dma_start3A_58 = tpu.memref_slice %arg3[%run_scoped3A_46, %add3A_44] : memref<2x1600000xi32, #tpu.memory_space<hbm>> -> memref<1x2000xi32, #tpu.memory_space<hbm>>
        %dma_start3A_59 = tpu.memref_squeeze %dma_start3A_58 : memref<1x2000xi32, #tpu.memory_space<hbm>> -> memref<2000xi32, #tpu.memory_space<hbm>>
        %dma_start3A_60 = tpu.memref_slice %arg3[%run_scoped3A_46, %add3A_44] : memref<2x1600000xi32, #tpu.memory_space<hbm>> -> memref<1x2000xi32, #tpu.memory_space<hbm>>
        %dma_start3A_61 = tpu.memref_squeeze %dma_start3A_60 : memref<1x2000xi32, #tpu.memory_space<hbm>> -> memref<2000xi32, #tpu.memory_space<hbm>>
        tpu.enqueue_dma source(%dma_start3A_61 : memref<2000xi32, #tpu.memory_space<hbm>>) target(%arg8 : memref<2000xi32, #tpu.memory_space<vmem>>) target_semaphore(%run_scoped3A_57 : memref<!tpu.dma_semaphore, #tpu.memory_space<semaphore_mem>>)
        %dma_wait3A_62 = tpu.memref_slice %arg3[%run_scoped3A_46, %add3A_44] : memref<2x1600000xi32, #tpu.memory_space<hbm>> -> memref<1x2000xi32, #tpu.memory_space<hbm>>
        %dma_wait3A_63 = tpu.memref_squeeze %dma_wait3A_62 : memref<1x2000xi32, #tpu.memory_space<hbm>> -> memref<2000xi32, #tpu.memory_space<hbm>>
        %dma_wait3A_64 = tpu.memref_slice %arg3[%run_scoped3A_46, %add3A_44] : memref<2x1600000xi32, #tpu.memory_space<hbm>> -> memref<1x2000xi32, #tpu.memory_space<hbm>>
        %dma_wait3A_65 = tpu.memref_squeeze %dma_wait3A_64 : memref<1x2000xi32, #tpu.memory_space<hbm>> -> memref<2000xi32, #tpu.memory_space<hbm>>
        tpu.wait_dma2 semaphore(%run_scoped3A_57 : memref<!tpu.dma_semaphore, #tpu.memory_space<semaphore_mem>>) src(%dma_wait3A_65 : memref<2000xi32, #tpu.memory_space<hbm>>) dst(%arg8 : memref<2000xi32, #tpu.memory_space<vmem>>)
        tpu.yield
      }) : () -> ()
      %dma_start3A = arith.constant 0 : i32
      %dma_start3A_47 = arith.constant 0 : i32
      %dma_start3A_48 = tpu.memref_slice %arg5[%dma_start3A, %dma_start3A_47] : memref<100352x8xf32, #tpu.memory_space<vmem_shared>> -> memref<100352x8xf32, #tpu.memory_space<vmem_shared>>
      tpu.enqueue_indirect_dma source(%dma_start3A_48 : memref<100352x8xf32, #tpu.memory_space<vmem_shared>>) target(%arg9 : memref<2000x8xf32, #tpu.memory_space<vmem>>) offsets(%arg7 : memref<2000xi32, #tpu.memory_space<vmem>>) semaphore(%arg10 : memref<!tpu.dma_semaphore, #tpu.memory_space<semaphore_mem>>)
      %dma_wait3A = arith.constant 0 : i32
      %dma_wait3A_49 = arith.constant 0 : i32
      %dma_wait3A_50 = tpu.memref_slice %arg5[%dma_wait3A, %dma_wait3A_49] : memref<100352x8xf32, #tpu.memory_space<vmem_shared>> -> memref<100352x8xf32, #tpu.memory_space<vmem_shared>>
      tpu.wait_indirect_dma semaphore(%arg10 : memref<!tpu.dma_semaphore, #tpu.memory_space<semaphore_mem>>) src(%dma_wait3A_50 : memref<100352x8xf32, #tpu.memory_space<vmem_shared>>) dst(%arg9 : memref<2000x8xf32, #tpu.memory_space<vmem>>)
      %dma_start3A_51 = arith.constant 0 : i32
      %dma_start3A_52 = arith.constant 0 : i32
      %dma_start3A_53 = tpu.memref_slice %arg6[%dma_start3A_51, %dma_start3A_52] : memref<100352x8xf32, #tpu.memory_space<vmem_shared>> -> memref<100352x8xf32, #tpu.memory_space<vmem_shared>>
      tpu.enqueue_indirect_dma source(%arg9 : memref<2000x8xf32, #tpu.memory_space<vmem>>) target(%dma_start3A_53 : memref<100352x8xf32, #tpu.memory_space<vmem_shared>>) offsets(%arg8 : memref<2000xi32, #tpu.memory_space<vmem>>) semaphore(%arg11 : memref<!tpu.dma_semaphore, #tpu.memory_space<semaphore_mem>>) {add = true}
      %dma_wait3A_54 = arith.constant 0 : i32
      %dma_wait3A_55 = arith.constant 0 : i32
      %dma_wait3A_56 = tpu.memref_slice %arg6[%dma_wait3A_54, %dma_wait3A_55] : memref<100352x8xf32, #tpu.memory_space<vmem_shared>> -> memref<100352x8xf32, #tpu.memory_space<vmem_shared>>
      tpu.wait_indirect_dma semaphore(%arg11 : memref<!tpu.dma_semaphore, #tpu.memory_space<semaphore_mem>>) src(%arg9 : memref<2000x8xf32, #tpu.memory_space<vmem>>) dst(%dma_wait3A_56 : memref<100352x8xf32, #tpu.memory_space<vmem_shared>>)
    }
    %scan3A_38 = arith.constant 25 : i32
    %barrier3A_39 = arith.constant 0 : index
    tpu.barrier barrier_id(%barrier3A_39)
    "tpu.region"() ({
      %run_scoped3A_41 = tpu.sem_alloc : memref<!tpu.dma_semaphore, #tpu.memory_space<semaphore_mem>>
      %dma_start3A = arith.constant 0 : i32
      %dma_start3A_42 = tpu.memref_slice %arg4[%add3A_25, %mul3A_0, %dma_start3A] : memref<6x100352x8xf32, #tpu.memory_space<hbm>> -> memref<1x6272x8xf32, #tpu.memory_space<hbm>>
      %dma_start3A_43 = tpu.memref_squeeze %dma_start3A_42 : memref<1x6272x8xf32, #tpu.memory_space<hbm>> -> memref<6272x8xf32, #tpu.memory_space<hbm>>
      %dma_start3A_44 = arith.constant 0 : i32
      %dma_start3A_45 = tpu.memref_slice %arg6[%mul3A_0, %dma_start3A_44] : memref<100352x8xf32, #tpu.memory_space<vmem_shared>> -> memref<6272x8xf32, #tpu.memory_space<vmem_shared>>
      tpu.enqueue_dma source(%dma_start3A_45 : memref<6272x8xf32, #tpu.memory_space<vmem_shared>>) target(%dma_start3A_43 : memref<6272x8xf32, #tpu.memory_space<hbm>>) target_semaphore(%run_scoped3A_41 : memref<!tpu.dma_semaphore, #tpu.memory_space<semaphore_mem>>)
      %dma_wait3A = arith.constant 0 : i32
      %dma_wait3A_46 = tpu.memref_slice %arg4[%add3A_25, %mul3A_0, %dma_wait3A] : memref<6x100352x8xf32, #tpu.memory_space<hbm>> -> memref<1x6272x8xf32, #tpu.memory_space<hbm>>
      %dma_wait3A_47 = tpu.memref_squeeze %dma_wait3A_46 : memref<1x6272x8xf32, #tpu.memory_space<hbm>> -> memref<6272x8xf32, #tpu.memory_space<hbm>>
      %dma_wait3A_48 = arith.constant 0 : i32
      %dma_wait3A_49 = tpu.memref_slice %arg6[%mul3A_0, %dma_wait3A_48] : memref<100352x8xf32, #tpu.memory_space<vmem_shared>> -> memref<6272x8xf32, #tpu.memory_space<vmem_shared>>
      tpu.wait_dma2 semaphore(%run_scoped3A_41 : memref<!tpu.dma_semaphore, #tpu.memory_space<semaphore_mem>>) src(%dma_wait3A_49 : memref<6272x8xf32, #tpu.memory_space<vmem_shared>>) dst(%dma_wait3A_47 : memref<6272x8xf32, #tpu.memory_space<hbm>>)
      tpu.yield
    }) : () -> ()
    %barrier3A_40 = arith.constant 0 : index
    tpu.barrier barrier_id(%barrier3A_40)
    return
  }
}

#map = affine_map<(d0, d1) -> (0, 0)>
module attributes {stable_mosaic.version = 14 : i64} {
  func.func @_deg_kernel(%arg0: i32, %arg1: i32, %arg2: memref<2x1600000xi32, #tpu.memory_space<hbm>>, %arg3: memref<2x100352xf32, #tpu.memory_space<hbm>>, %arg4: memref<100352xf32, #tpu.memory_space<vmem_shared>>, %arg5: memref<2000xi32, #tpu.memory_space<vmem>>, %arg6: memref<2000xf32, #tpu.memory_space<vmem>>, %arg7: memref<6272xf32, #tpu.memory_space<vmem>>, %arg8: memref<!tpu.dma_semaphore, #tpu.memory_space<semaphore_mem>>) attributes {dimension_semantics = [#tpu.dimension_semantics<core_parallel>, #tpu.dimension_semantics<subcore_parallel>], iteration_bounds = array<i64: 2, 16>, scalar_prefetch = 0 : i64, scratch_operands = 5 : i64, tpu.core_type = #tpu.core_type<sc_vector_subcore>, window_params = [{transform_indices = #map}, {transform_indices = #map}]} {
    %mul3A = arith.constant 6272 : i32
    %mul3A_0 = arith.muli %arg1, %mul3A : i32
    %scan3A = arith.constant 0 : i32
    %scan3A_1 = arith.constant 0 : i32
    %scan3A_2 = arith.constant 392 : i32
    %scan3A_3 = arith.addi %scan3A_1, %scan3A_2 : i32
    %scan3A_4 = arith.constant 1 : i32
    scf.for %scan3A_23 = %scan3A_1 to %scan3A_3 step %scan3A_4  : i32 {
      %broadcast_in_dim3A = arith.constant 0.000000e+00 : f32
      %broadcast_in_dim3A_24 = vector.broadcast %broadcast_in_dim3A : f32 to vector<16xf32>
      %mul3A_25 = arith.constant 16 : i32
      %mul3A_26 = arith.muli %scan3A_23, %mul3A_25 : i32
      %swap3A = arith.index_cast %mul3A_26 : i32 to index
      %swap3A_27 = tpu.vector_load %arg7[%swap3A] {strides = array<i32>} : memref<6272xf32, #tpu.memory_space<vmem>>, vector<16xf32>,
      %swap3A_28 = vector.shape_cast %swap3A_27 : vector<16xf32> to vector<16xf32>
      %swap3A_29 = vector.shape_cast %broadcast_in_dim3A_24 : vector<16xf32> to vector<16xf32>
      tpu.vector_store %arg7[%swap3A], %swap3A_29 {strides = array<i32>} : memref<6272xf32, #tpu.memory_space<vmem>>, vector<16xf32>,
    }
    %scan3A_5 = arith.constant 392 : i32
    %scan3A_6 = arith.constant 0 : i32
    %scan3A_7 = arith.constant 0 : i32
    %scan3A_8 = arith.constant 125 : i32
    %scan3A_9 = arith.addi %scan3A_7, %scan3A_8 : i32
    %scan3A_10 = arith.constant 1 : i32
    scf.for %scan3A_23 = %scan3A_7 to %scan3A_9 step %scan3A_10  : i32 {
      %broadcast_in_dim3A = arith.constant 1.000000e+00 : f32
      %broadcast_in_dim3A_24 = vector.broadcast %broadcast_in_dim3A : f32 to vector<16xf32>
      %mul3A_25 = arith.constant 16 : i32
      %mul3A_26 = arith.muli %scan3A_23, %mul3A_25 : i32
      %swap3A = arith.index_cast %mul3A_26 : i32 to index
      %swap3A_27 = tpu.vector_load %arg6[%swap3A] {strides = array<i32>} : memref<2000xf32, #tpu.memory_space<vmem>>, vector<16xf32>,
      %swap3A_28 = vector.shape_cast %swap3A_27 : vector<16xf32> to vector<16xf32>
      %swap3A_29 = vector.shape_cast %broadcast_in_dim3A_24 : vector<16xf32> to vector<16xf32>
      tpu.vector_store %arg6[%swap3A], %swap3A_29 {strides = array<i32>} : memref<2000xf32, #tpu.memory_space<vmem>>, vector<16xf32>,
    }
    %scan3A_11 = arith.constant 125 : i32
    "tpu.region"() ({
      %run_scoped3A = tpu.sem_alloc : memref<!tpu.dma_semaphore, #tpu.memory_space<semaphore_mem>>
      %dma_start3A = tpu.memref_slice %arg4[%mul3A_0] : memref<100352xf32, #tpu.memory_space<vmem_shared>> -> memref<6272xf32, #tpu.memory_space<vmem_shared>>
      %dma_start3A_23 = tpu.memref_slice %arg4[%mul3A_0] : memref<100352xf32, #tpu.memory_space<vmem_shared>> -> memref<6272xf32, #tpu.memory_space<vmem_shared>>
      tpu.enqueue_dma source(%arg7 : memref<6272xf32, #tpu.memory_space<vmem>>) target(%dma_start3A_23 : memref<6272xf32, #tpu.memory_space<vmem_shared>>) target_semaphore(%run_scoped3A : memref<!tpu.dma_semaphore, #tpu.memory_space<semaphore_mem>>)
      %dma_wait3A = tpu.memref_slice %arg4[%mul3A_0] : memref<100352xf32, #tpu.memory_space<vmem_shared>> -> memref<6272xf32, #tpu.memory_space<vmem_shared>>
      %dma_wait3A_24 = tpu.memref_slice %arg4[%mul3A_0] : memref<100352xf32, #tpu.memory_space<vmem_shared>> -> memref<6272xf32, #tpu.memory_space<vmem_shared>>
      tpu.wait_dma2 semaphore(%run_scoped3A : memref<!tpu.dma_semaphore, #tpu.memory_space<semaphore_mem>>) src(%arg7 : memref<6272xf32, #tpu.memory_space<vmem>>) dst(%dma_wait3A_24 : memref<6272xf32, #tpu.memory_space<vmem_shared>>)
      tpu.yield
    }) : () -> ()
    %barrier3A = arith.constant 0 : index
    tpu.barrier barrier_id(%barrier3A)
    %mul3A_12 = arith.constant 16 : i32
    %mul3A_13 = arith.muli %arg0, %mul3A_12 : i32
    %add3A = arith.addi %mul3A_13, %arg1 : i32
    %mul3A_14 = arith.constant 50000 : i32
    %mul3A_15 = arith.muli %add3A, %mul3A_14 : i32
    %scan3A_16 = arith.constant 0 : i32
    %scan3A_17 = arith.constant 0 : i32
    %scan3A_18 = arith.constant 25 : i32
    %scan3A_19 = arith.addi %scan3A_17, %scan3A_18 : i32
    %scan3A_20 = arith.constant 1 : i32
    scf.for %scan3A_23 = %scan3A_17 to %scan3A_19 step %scan3A_20  : i32 {
      %mul3A_24 = arith.constant 2000 : i32
      %mul3A_25 = arith.muli %scan3A_23, %mul3A_24 : i32
      %add3A_26 = arith.addi %mul3A_15, %mul3A_25 : i32
      %run_scoped3A = arith.constant 1 : i32
      "tpu.region"() ({
        %run_scoped3A_29 = tpu.sem_alloc : memref<!tpu.dma_semaphore, #tpu.memory_space<semaphore_mem>>
        %dma_start3A_30 = tpu.memref_slice %arg2[%run_scoped3A, %add3A_26] : memref<2x1600000xi32, #tpu.memory_space<hbm>> -> memref<1x2000xi32, #tpu.memory_space<hbm>>
        %dma_start3A_31 = tpu.memref_squeeze %dma_start3A_30 : memref<1x2000xi32, #tpu.memory_space<hbm>> -> memref<2000xi32, #tpu.memory_space<hbm>>
        %dma_start3A_32 = tpu.memref_slice %arg2[%run_scoped3A, %add3A_26] : memref<2x1600000xi32, #tpu.memory_space<hbm>> -> memref<1x2000xi32, #tpu.memory_space<hbm>>
        %dma_start3A_33 = tpu.memref_squeeze %dma_start3A_32 : memref<1x2000xi32, #tpu.memory_space<hbm>> -> memref<2000xi32, #tpu.memory_space<hbm>>
        tpu.enqueue_dma source(%dma_start3A_33 : memref<2000xi32, #tpu.memory_space<hbm>>) target(%arg5 : memref<2000xi32, #tpu.memory_space<vmem>>) target_semaphore(%run_scoped3A_29 : memref<!tpu.dma_semaphore, #tpu.memory_space<semaphore_mem>>)
        %dma_wait3A_34 = tpu.memref_slice %arg2[%run_scoped3A, %add3A_26] : memref<2x1600000xi32, #tpu.memory_space<hbm>> -> memref<1x2000xi32, #tpu.memory_space<hbm>>
        %dma_wait3A_35 = tpu.memref_squeeze %dma_wait3A_34 : memref<1x2000xi32, #tpu.memory_space<hbm>> -> memref<2000xi32, #tpu.memory_space<hbm>>
        %dma_wait3A_36 = tpu.memref_slice %arg2[%run_scoped3A, %add3A_26] : memref<2x1600000xi32, #tpu.memory_space<hbm>> -> memref<1x2000xi32, #tpu.memory_space<hbm>>
        %dma_wait3A_37 = tpu.memref_squeeze %dma_wait3A_36 : memref<1x2000xi32, #tpu.memory_space<hbm>> -> memref<2000xi32, #tpu.memory_space<hbm>>
        tpu.wait_dma2 semaphore(%run_scoped3A_29 : memref<!tpu.dma_semaphore, #tpu.memory_space<semaphore_mem>>) src(%dma_wait3A_37 : memref<2000xi32, #tpu.memory_space<hbm>>) dst(%arg5 : memref<2000xi32, #tpu.memory_space<vmem>>)
        tpu.yield
      }) : () -> ()
      %dma_start3A = arith.constant 0 : i32
      %dma_start3A_27 = tpu.memref_slice %arg4[%dma_start3A] : memref<100352xf32, #tpu.memory_space<vmem_shared>> -> memref<100352xf32, #tpu.memory_space<vmem_shared>>
      tpu.enqueue_indirect_dma source(%arg6 : memref<2000xf32, #tpu.memory_space<vmem>>) target(%dma_start3A_27 : memref<100352xf32, #tpu.memory_space<vmem_shared>>) offsets(%arg5 : memref<2000xi32, #tpu.memory_space<vmem>>) semaphore(%arg8 : memref<!tpu.dma_semaphore, #tpu.memory_space<semaphore_mem>>) {add = true}
      %dma_wait3A = arith.constant 0 : i32
      %dma_wait3A_28 = tpu.memref_slice %arg4[%dma_wait3A] : memref<100352xf32, #tpu.memory_space<vmem_shared>> -> memref<100352xf32, #tpu.memory_space<vmem_shared>>
      tpu.wait_indirect_dma semaphore(%arg8 : memref<!tpu.dma_semaphore, #tpu.memory_space<semaphore_mem>>) src(%arg6 : memref<2000xf32, #tpu.memory_space<vmem>>) dst(%dma_wait3A_28 : memref<100352xf32, #tpu.memory_space<vmem_shared>>)
    }
    %scan3A_21 = arith.constant 25 : i32
    %barrier3A_22 = arith.constant 0 : index
    tpu.barrier barrier_id(%barrier3A_22)
    "tpu.region"() ({
      %run_scoped3A = tpu.sem_alloc : memref<!tpu.dma_semaphore, #tpu.memory_space<semaphore_mem>>
      %dma_start3A = tpu.memref_slice %arg3[%arg0, %mul3A_0] : memref<2x100352xf32, #tpu.memory_space<hbm>> -> memref<1x6272xf32, #tpu.memory_space<hbm>>
      %dma_start3A_23 = tpu.memref_squeeze %dma_start3A : memref<1x6272xf32, #tpu.memory_space<hbm>> -> memref<6272xf32, #tpu.memory_space<hbm>>
      %dma_start3A_24 = tpu.memref_slice %arg4[%mul3A_0] : memref<100352xf32, #tpu.memory_space<vmem_shared>> -> memref<6272xf32, #tpu.memory_space<vmem_shared>>
      tpu.enqueue_dma source(%dma_start3A_24 : memref<6272xf32, #tpu.memory_space<vmem_shared>>) target(%dma_start3A_23 : memref<6272xf32, #tpu.memory_space<hbm>>) target_semaphore(%run_scoped3A : memref<!tpu.dma_semaphore, #tpu.memory_space<semaphore_mem>>)
      %dma_wait3A = tpu.memref_slice %arg3[%arg0, %mul3A_0] : memref<2x100352xf32, #tpu.memory_space<hbm>> -> memref<1x6272xf32, #tpu.memory_space<hbm>>
      %dma_wait3A_25 = tpu.memref_squeeze %dma_wait3A : memref<1x6272xf32, #tpu.memory_space<hbm>> -> memref<6272xf32, #tpu.memory_space<hbm>>
      %dma_wait3A_26 = tpu.memref_slice %arg4[%mul3A_0] : memref<100352xf32, #tpu.memory_space<vmem_shared>> -> memref<6272xf32, #tpu.memory_space<vmem_shared>>
      tpu.wait_dma2 semaphore(%run_scoped3A : memref<!tpu.dma_semaphore, #tpu.memory_space<semaphore_mem>>) src(%dma_wait3A_26 : memref<6272xf32, #tpu.memory_space<vmem_shared>>) dst(%dma_wait3A_25 : memref<6272xf32, #tpu.memory_space<hbm>>)
      tpu.yield
    }) : () -> ()
    return
  }
}

module attributes {stable_mosaic.version = 14 : i64} {
  func.func @_prep_body(%arg0: i32, %arg1: memref<224x480xf32, #tpu.memory_space<vmem>>, %arg2: memref<480x640xf32, #tpu.memory_space<vmem>>, %arg3: memref<2x224x16xf32, #tpu.memory_space<vmem>>, %arg4: memref<5x224x128xf32, #tpu.memory_space<vmem>>) attributes {dimension_semantics = [#tpu.dimension_semantics<arbitrary>], iteration_bounds = array<i64: 28>, scalar_prefetch = 0 : i64, scratch_operands = 0 : i64, tpu.core_type = #tpu.core_type<tc>, window_params = [{transform_indices = @transform_0, window_bounds = array<i64: 224, 480>}, {pipeline_mode = #tpu.pipeline_mode<synchronous>, transform_indices = @transform_1, window_bounds = array<i64: 480, 640>}, {transform_indices = @transform_2, window_bounds = array<i64: 2, 224, 16>}, {transform_indices = @transform_3, window_bounds = array<i64: 5, 224, 128>}]} {
    %get3A = arith.constant 0 : index
    %get3A_0 = arith.constant 0 : index
    %get3A_1 = vector.load %arg1[%get3A, %get3A_0] : memref<224x480xf32, #tpu.memory_space<vmem>>, vector<224x480xf32>
    %get3A_2 = arith.constant 0 : index
    %get3A_3 = arith.constant 0 : index
    %get3A_4 = vector.load %arg2[%get3A_2, %get3A_3] : memref<480x640xf32, #tpu.memory_space<vmem>>, vector<480x640xf32>
    %dot_general3A = arith.constant dense<0.000000e+00> : vector<224x640xf32>
    %dot_general3A_5 = tpu.matmul %get3A_1, %get3A_4, %dot_general3A {dimension_numbers = #tpu.dot_dimension_numbers<[1], [0], [0], [1], [0, 0, 1, 1], [], []>, transpose_lhs_hint = false} : vector<224x480xf32>, vector<480x640xf32>, vector<224x640xf32> -> vector<224x640xf32>
    %get3A_6 = arith.constant 0 : index
    %get3A_7 = arith.constant 0 : index
    %get3A_8 = arith.constant 0 : index
    %get3A_9 = vector.load %arg3[%get3A_6, %get3A_7, %get3A_8] : memref<2x224x16xf32, #tpu.memory_space<vmem>>, vector<1x224x16xf32>
    %get3A_10 = vector.shape_cast %get3A_9 : vector<1x224x16xf32> to vector<224x16xf32>
    %add3A = arith.constant 1.000000e+00 : f32
    %add3A_11 = vector.broadcast %add3A : f32 to vector<224x16xf32>
    %add3A_12 = arith.addf %add3A_11, %get3A_10 : vector<224x16xf32>
    %get3A_13 = arith.constant 1 : index
    %get3A_14 = arith.constant 0 : index
    %get3A_15 = arith.constant 0 : index
    %get3A_16 = vector.load %arg3[%get3A_13, %get3A_14, %get3A_15] : memref<2x224x16xf32, #tpu.memory_space<vmem>>, vector<1x224x16xf32>
    %get3A_17 = vector.shape_cast %get3A_16 : vector<1x224x16xf32> to vector<224x16xf32>
    %add3A_18 = arith.addf %add3A_12, %get3A_17 : vector<224x16xf32>
    %rsqrt3A = math.rsqrt %add3A_18 : vector<224x16xf32>
    %iota3A = tpu.iota {dimensions = array<i32: 0>} : vector<16x128xi32>
    %iota3A_19 = tpu.iota {dimensions = array<i32: 1>} : vector<16x128xi32>
    %jit3A = arith.constant 8 : i32
    %div3A = vector.broadcast %jit3A : i32 to vector<16x128xi32>
    %div3A_20 = arith.divsi %iota3A_19, %div3A : vector<16x128xi32>
    %sign3A = arith.constant 0 : i32
    %sign3A_21 = vector.broadcast %sign3A : i32 to vector<16x128xi32>
    %sign3A_22 = arith.cmpi sgt, %iota3A_19, %sign3A_21 : vector<16x128xi32>
    %sign3A_23 = arith.extui %sign3A_22 : vector<16x128xi1> to vector<16x128xi32>
    %sign3A_24 = arith.constant 0 : i32
    %sign3A_25 = vector.broadcast %sign3A_24 : i32 to vector<16x128xi32>
    %sign3A_26 = arith.cmpi slt, %iota3A_19, %sign3A_25 : vector<16x128xi32>
    %sign3A_27 = arith.extui %sign3A_26 : vector<16x128xi1> to vector<16x128xi32>
    %sign3A_28 = arith.subi %sign3A_23, %sign3A_27 : vector<16x128xi32>
    %sign3A_29 = arith.constant 0 : i32
    %sign3A_30 = arith.cmpi sgt, %jit3A, %sign3A_29 : i32
    %sign3A_31 = arith.extui %sign3A_30 : i1 to i32
    %sign3A_32 = arith.constant 0 : i32
    %sign3A_33 = arith.cmpi slt, %jit3A, %sign3A_32 : i32
    %sign3A_34 = arith.extui %sign3A_33 : i1 to i32
    %sign3A_35 = arith.subi %sign3A_31, %sign3A_34 : i32
    %ne3A = vector.broadcast %sign3A_35 : i32 to vector<16x128xi32>
    %ne3A_36 = arith.cmpi ne, %sign3A_28, %ne3A : vector<16x128xi32>
    %rem3A = vector.broadcast %jit3A : i32 to vector<16x128xi32>
    %rem3A_37 = arith.remsi %iota3A_19, %rem3A : vector<16x128xi32>
    %ne3A_38 = arith.constant 0 : i32
    %ne3A_39 = vector.broadcast %ne3A_38 : i32 to vector<16x128xi32>
    %ne3A_40 = arith.cmpi ne, %rem3A_37, %ne3A_39 : vector<16x128xi32>
    %and3A = arith.andi %ne3A_36, %ne3A_40 : vector<16x128xi1>
    %sub3A = arith.constant 1 : i32
    %sub3A_41 = vector.broadcast %sub3A : i32 to vector<16x128xi32>
    %sub3A_42 = arith.subi %div3A_20, %sub3A_41 : vector<16x128xi32>
    %select_n3A = arith.select %and3A, %sub3A_42, %div3A_20 : vector<16x128xi1>, vector<16x128xi32>
    %eq3A = arith.cmpi eq, %iota3A, %select_n3A : vector<16x128xi32>
    %convert_element_type3A = arith.extui %eq3A : vector<16x128xi1> to vector<16x128xi32>
    %convert_element_type3A_43 = arith.sitofp %convert_element_type3A : vector<16x128xi32> to vector<16x128xf32>
    %dot_general3A_44 = arith.constant dense<0.000000e+00> : vector<224x128xf32>
    %dot_general3A_45 = tpu.matmul %rsqrt3A, %convert_element_type3A_43, %dot_general3A_44 {dimension_numbers = #tpu.dot_dimension_numbers<[1], [0], [0], [1], [0, 0, 1, 1], [], []>, transpose_lhs_hint = false} : vector<224x16xf32>, vector<16x128xf32>, vector<224x128xf32> -> vector<224x128xf32>
    %concatenate3A = tpu.concatenate %dot_general3A_45, %dot_general3A_45, %dot_general3A_45, %dot_general3A_45, %dot_general3A_45 in 1 : vector<224x128xf32>, vector<224x128xf32>, vector<224x128xf32>, vector<224x128xf32>, vector<224x128xf32> -> vector<224x640xf32>
    %mul3A = arith.mulf %dot_general3A_5, %concatenate3A : vector<224x640xf32>
    %slice3A = vector.extract_strided_slice %mul3A {offsets = [0, 0], sizes = [224, 128], strides = [1, 1]} : vector<224x640xf32> to vector<224x128xf32>
    %swap3A = arith.constant 0 : index
    %swap3A_46 = arith.constant 0 : index
    %swap3A_47 = arith.constant 0 : index
    %swap3A_48 = vector.load %arg4[%swap3A, %swap3A_46, %swap3A_47] : memref<5x224x128xf32, #tpu.memory_space<vmem>>, vector<1x224x128xf32>
    %swap3A_49 = vector.shape_cast %swap3A_48 : vector<1x224x128xf32> to vector<224x128xf32>
    %swap3A_50 = vector.shape_cast %slice3A : vector<224x128xf32> to vector<1x224x128xf32>
    tpu.vector_store %arg4[%swap3A, %swap3A_46, %swap3A_47], %swap3A_50 {strides = array<i32>} : memref<5x224x128xf32, #tpu.memory_space<vmem>>, vector<1x224x128xf32>,
    %slice3A_51 = vector.extract_strided_slice %mul3A {offsets = [0, 128], sizes = [224, 128], strides = [1, 1]} : vector<224x640xf32> to vector<224x128xf32>
    %swap3A_52 = arith.constant 1 : index
    %swap3A_53 = arith.constant 0 : index
    %swap3A_54 = arith.constant 0 : index
    %swap3A_55 = vector.load %arg4[%swap3A_52, %swap3A_53, %swap3A_54] : memref<5x224x128xf32, #tpu.memory_space<vmem>>, vector<1x224x128xf32>
    %swap3A_56 = vector.shape_cast %swap3A_55 : vector<1x224x128xf32> to vector<224x128xf32>
    %swap3A_57 = vector.shape_cast %slice3A_51 : vector<224x128xf32> to vector<1x224x128xf32>
    tpu.vector_store %arg4[%swap3A_52, %swap3A_53, %swap3A_54], %swap3A_57 {strides = array<i32>} : memref<5x224x128xf32, #tpu.memory_space<vmem>>, vector<1x224x128xf32>,
    %slice3A_58 = vector.extract_strided_slice %mul3A {offsets = [0, 256], sizes = [224, 128], strides = [1, 1]} : vector<224x640xf32> to vector<224x128xf32>
    %swap3A_59 = arith.constant 2 : index
    %swap3A_60 = arith.constant 0 : index
    %swap3A_61 = arith.constant 0 : index
    %swap3A_62 = vector.load %arg4[%swap3A_59, %swap3A_60, %swap3A_61] : memref<5x224x128xf32, #tpu.memory_space<vmem>>, vector<1x224x128xf32>
    %swap3A_63 = vector.shape_cast %swap3A_62 : vector<1x224x128xf32> to vector<224x128xf32>
    %swap3A_64 = vector.shape_cast %slice3A_58 : vector<224x128xf32> to vector<1x224x128xf32>
    tpu.vector_store %arg4[%swap3A_59, %swap3A_60, %swap3A_61], %swap3A_64 {strides = array<i32>} : memref<5x224x128xf32, #tpu.memory_space<vmem>>, vector<1x224x128xf32>,
    %slice3A_65 = vector.extract_strided_slice %mul3A {offsets = [0, 384], sizes = [224, 128], strides = [1, 1]} : vector<224x640xf32> to vector<224x128xf32>
    %swap3A_66 = arith.constant 3 : index
    %swap3A_67 = arith.constant 0 : index
    %swap3A_68 = arith.constant 0 : index
    %swap3A_69 = vector.load %arg4[%swap3A_66, %swap3A_67, %swap3A_68] : memref<5x224x128xf32, #tpu.memory_space<vmem>>, vector<1x224x128xf32>
    %swap3A_70 = vector.shape_cast %swap3A_69 : vector<1x224x128xf32> to vector<224x128xf32>
    %swap3A_71 = vector.shape_cast %slice3A_65 : vector<224x128xf32> to vector<1x224x128xf32>
    tpu.vector_store %arg4[%swap3A_66, %swap3A_67, %swap3A_68], %swap3A_71 {strides = array<i32>} : memref<5x224x128xf32, #tpu.memory_space<vmem>>, vector<1x224x128xf32>,
    %slice3A_72 = vector.extract_strided_slice %mul3A {offsets = [0, 512], sizes = [224, 128], strides = [1, 1]} : vector<224x640xf32> to vector<224x128xf32>
    %swap3A_73 = arith.constant 4 : index
    %swap3A_74 = arith.constant 0 : index
    %swap3A_75 = arith.constant 0 : index
    %swap3A_76 = vector.load %arg4[%swap3A_73, %swap3A_74, %swap3A_75] : memref<5x224x128xf32, #tpu.memory_space<vmem>>, vector<1x224x128xf32>
    %swap3A_77 = vector.shape_cast %swap3A_76 : vector<1x224x128xf32> to vector<224x128xf32>
    %swap3A_78 = vector.shape_cast %slice3A_72 : vector<224x128xf32> to vector<1x224x128xf32>
    tpu.vector_store %arg4[%swap3A_73, %swap3A_74, %swap3A_75], %swap3A_78 {strides = array<i32>} : memref<5x224x128xf32, #tpu.memory_space<vmem>>, vector<1x224x128xf32>,
    return
  }
  func.func @transform_0(%arg0: i32) -> (i32, i32) {
    %c0_i32 = arith.constant 0 : i32
    %c0_i32_0 = arith.constant 0 : i32
    return %arg0, %c0_i32 : i32, i32
  }
  func.func @transform_1(%arg0: i32) -> (i32, i32) {
    %c0_i32 = arith.constant 0 : i32
    %c0_i32_0 = arith.constant 0 : i32
    %c0_i32_1 = arith.constant 0 : i32
    return %c0_i32, %c0_i32_0 : i32, i32
  }
  func.func @transform_2(%arg0: i32) -> (i32, i32, i32) {
    %c0_i32 = arith.constant 0 : i32
    %c0_i32_0 = arith.constant 0 : i32
    %c0_i32_1 = arith.constant 0 : i32
    return %c0_i32, %arg0, %c0_i32_0 : i32, i32, i32
  }
  func.func @transform_3(%arg0: i32) -> (i32, i32, i32) {
    %c0_i32 = arith.constant 0 : i32
    %c0_i32_0 = arith.constant 0 : i32
    %c0_i32_1 = arith.constant 0 : i32
    return %c0_i32, %arg0, %c0_i32_0 : i32, i32, i32
  }
}

module attributes {stable_mosaic.version = 14 : i64} {
  func.func @_mid_body(%arg0: i32, %arg1: memref<6x224x128xf32, #tpu.memory_space<vmem>>, %arg2: memref<1x224x128xf32, #tpu.memory_space<vmem>>, %arg3: memref<2x224x16xf32, #tpu.memory_space<vmem>>, %arg4: memref<1x40xf32, #tpu.memory_space<vmem>>, %arg5: memref<640x640xf32, #tpu.memory_space<vmem>>, %arg6: memref<5x224x128xf32, #tpu.memory_space<vmem>>) attributes {dimension_semantics = [#tpu.dimension_semantics<arbitrary>], iteration_bounds = array<i64: 28>, scalar_prefetch = 0 : i64, scratch_operands = 0 : i64, tpu.core_type = #tpu.core_type<tc>, window_params = [{transform_indices = @transform_0, window_bounds = array<i64: 6, 224, 128>}, {transform_indices = @transform_1, window_bounds = array<i64: 1, 224, 128>}, {transform_indices = @transform_2, window_bounds = array<i64: 2, 224, 16>}, {pipeline_mode = #tpu.pipeline_mode<synchronous>, transform_indices = @transform_3, window_bounds = array<i64: 1, 40>}, {pipeline_mode = #tpu.pipeline_mode<synchronous>, transform_indices = @transform_4, window_bounds = array<i64: 640, 640>}, {transform_indices = @transform_5, window_bounds = array<i64: 5, 224, 128>}]} {
    %get3A = arith.constant 4 : index
    %get3A_0 = arith.constant 0 : index
    %get3A_1 = arith.constant 0 : index
    %get3A_2 = vector.load %arg1[%get3A, %get3A_0, %get3A_1] : memref<6x224x128xf32, #tpu.memory_space<vmem>>, vector<1x224x128xf32>
    %get3A_3 = vector.shape_cast %get3A_2 : vector<1x224x128xf32> to vector<224x128xf32>
    %get3A_4 = arith.constant 5 : index
    %get3A_5 = arith.constant 0 : index
    %get3A_6 = arith.constant 0 : index
    %get3A_7 = vector.load %arg1[%get3A_4, %get3A_5, %get3A_6] : memref<6x224x128xf32, #tpu.memory_space<vmem>>, vector<1x224x128xf32>
    %get3A_8 = vector.shape_cast %get3A_7 : vector<1x224x128xf32> to vector<224x128xf32>
    %add3A = arith.addf %get3A_3, %get3A_8 : vector<224x128xf32>
    %get3A_9 = arith.constant 0 : index
    %get3A_10 = arith.constant 0 : index
    %get3A_11 = arith.constant 0 : index
    %get3A_12 = vector.load %arg2[%get3A_9, %get3A_10, %get3A_11] : memref<1x224x128xf32, #tpu.memory_space<vmem>>, vector<1x224x128xf32>
    %get3A_13 = vector.shape_cast %get3A_12 : vector<1x224x128xf32> to vector<224x128xf32>
    %sub3A = arith.subf %add3A, %get3A_13 : vector<224x128xf32>
    %get3A_14 = arith.constant 0 : index
    %get3A_15 = arith.constant 0 : index
    %get3A_16 = arith.constant 0 : index
    %get3A_17 = vector.load %arg1[%get3A_14, %get3A_15, %get3A_16] : memref<6x224x128xf32, #tpu.memory_space<vmem>>, vector<1x224x128xf32>
    %get3A_18 = vector.shape_cast %get3A_17 : vector<1x224x128xf32> to vector<224x128xf32>
    %get3A_19 = arith.constant 1 : index
    %get3A_20 = arith.constant 0 : index
    %get3A_21 = arith.constant 0 : index
    %get3A_22 = vector.load %arg1[%get3A_19, %get3A_20, %get3A_21] : memref<6x224x128xf32, #tpu.memory_space<vmem>>, vector<1x224x128xf32>
    %get3A_23 = vector.shape_cast %get3A_22 : vector<1x224x128xf32> to vector<224x128xf32>
    %get3A_24 = arith.constant 2 : index
    %get3A_25 = arith.constant 0 : index
    %get3A_26 = arith.constant 0 : index
    %get3A_27 = vector.load %arg1[%get3A_24, %get3A_25, %get3A_26] : memref<6x224x128xf32, #tpu.memory_space<vmem>>, vector<1x224x128xf32>
    %get3A_28 = vector.shape_cast %get3A_27 : vector<1x224x128xf32> to vector<224x128xf32>
    %get3A_29 = arith.constant 3 : index
    %get3A_30 = arith.constant 0 : index
    %get3A_31 = arith.constant 0 : index
    %get3A_32 = vector.load %arg1[%get3A_29, %get3A_30, %get3A_31] : memref<6x224x128xf32, #tpu.memory_space<vmem>>, vector<1x224x128xf32>
    %get3A_33 = vector.shape_cast %get3A_32 : vector<1x224x128xf32> to vector<224x128xf32>
    %concatenate3A = tpu.concatenate %get3A_18, %get3A_23, %get3A_28, %get3A_33, %sub3A in 1 : vector<224x128xf32>, vector<224x128xf32>, vector<224x128xf32>, vector<224x128xf32>, vector<224x128xf32> -> vector<224x640xf32>
    %get3A_34 = arith.constant 0 : index
    %get3A_35 = arith.constant 0 : index
    %get3A_36 = arith.constant 0 : index
    %get3A_37 = vector.load %arg3[%get3A_34, %get3A_35, %get3A_36] : memref<2x224x16xf32, #tpu.memory_space<vmem>>, vector<1x224x16xf32>
    %get3A_38 = vector.shape_cast %get3A_37 : vector<1x224x16xf32> to vector<224x16xf32>
    %add3A_39 = arith.constant 1.000000e+00 : f32
    %add3A_40 = vector.broadcast %add3A_39 : f32 to vector<224x16xf32>
    %add3A_41 = arith.addf %add3A_40, %get3A_38 : vector<224x16xf32>
    %get3A_42 = arith.constant 1 : index
    %get3A_43 = arith.constant 0 : index
    %get3A_44 = arith.constant 0 : index
    %get3A_45 = vector.load %arg3[%get3A_42, %get3A_43, %get3A_44] : memref<2x224x16xf32, #tpu.memory_space<vmem>>, vector<1x224x16xf32>
    %get3A_46 = vector.shape_cast %get3A_45 : vector<1x224x16xf32> to vector<224x16xf32>
    %add3A_47 = arith.addf %add3A_41, %get3A_46 : vector<224x16xf32>
    %rsqrt3A = math.rsqrt %add3A_47 : vector<224x16xf32>
    %iota3A = tpu.iota {dimensions = array<i32: 0>} : vector<16x128xi32>
    %iota3A_48 = tpu.iota {dimensions = array<i32: 1>} : vector<16x128xi32>
    %jit3A = arith.constant 8 : i32
    %div3A = vector.broadcast %jit3A : i32 to vector<16x128xi32>
    %div3A_49 = arith.divsi %iota3A_48, %div3A : vector<16x128xi32>
    %sign3A = arith.constant 0 : i32
    %sign3A_50 = vector.broadcast %sign3A : i32 to vector<16x128xi32>
    %sign3A_51 = arith.cmpi sgt, %iota3A_48, %sign3A_50 : vector<16x128xi32>
    %sign3A_52 = arith.extui %sign3A_51 : vector<16x128xi1> to vector<16x128xi32>
    %sign3A_53 = arith.constant 0 : i32
    %sign3A_54 = vector.broadcast %sign3A_53 : i32 to vector<16x128xi32>
    %sign3A_55 = arith.cmpi slt, %iota3A_48, %sign3A_54 : vector<16x128xi32>
    %sign3A_56 = arith.extui %sign3A_55 : vector<16x128xi1> to vector<16x128xi32>
    %sign3A_57 = arith.subi %sign3A_52, %sign3A_56 : vector<16x128xi32>
    %sign3A_58 = arith.constant 0 : i32
    %sign3A_59 = arith.cmpi sgt, %jit3A, %sign3A_58 : i32
    %sign3A_60 = arith.extui %sign3A_59 : i1 to i32
    %sign3A_61 = arith.constant 0 : i32
    %sign3A_62 = arith.cmpi slt, %jit3A, %sign3A_61 : i32
    %sign3A_63 = arith.extui %sign3A_62 : i1 to i32
    %sign3A_64 = arith.subi %sign3A_60, %sign3A_63 : i32
    %ne3A = vector.broadcast %sign3A_64 : i32 to vector<16x128xi32>
    %ne3A_65 = arith.cmpi ne, %sign3A_57, %ne3A : vector<16x128xi32>
    %rem3A = vector.broadcast %jit3A : i32 to vector<16x128xi32>
    %rem3A_66 = arith.remsi %iota3A_48, %rem3A : vector<16x128xi32>
    %ne3A_67 = arith.constant 0 : i32
    %ne3A_68 = vector.broadcast %ne3A_67 : i32 to vector<16x128xi32>
    %ne3A_69 = arith.cmpi ne, %rem3A_66, %ne3A_68 : vector<16x128xi32>
    %and3A = arith.andi %ne3A_65, %ne3A_69 : vector<16x128xi1>
    %sub3A_70 = arith.constant 1 : i32
    %sub3A_71 = vector.broadcast %sub3A_70 : i32 to vector<16x128xi32>
    %sub3A_72 = arith.subi %div3A_49, %sub3A_71 : vector<16x128xi32>
    %select_n3A = arith.select %and3A, %sub3A_72, %div3A_49 : vector<16x128xi1>, vector<16x128xi32>
    %eq3A = arith.cmpi eq, %iota3A, %select_n3A : vector<16x128xi32>
    %convert_element_type3A = arith.extui %eq3A : vector<16x128xi1> to vector<16x128xi32>
    %convert_element_type3A_73 = arith.sitofp %convert_element_type3A : vector<16x128xi32> to vector<16x128xf32>
    %dot_general3A = arith.constant dense<0.000000e+00> : vector<224x128xf32>
    %dot_general3A_74 = tpu.matmul %rsqrt3A, %convert_element_type3A_73, %dot_general3A {dimension_numbers = #tpu.dot_dimension_numbers<[1], [0], [0], [1], [0, 0, 1, 1], [], []>, transpose_lhs_hint = false} : vector<224x16xf32>, vector<16x128xf32>, vector<224x128xf32> -> vector<224x128xf32>
    %concatenate3A_75 = tpu.concatenate %dot_general3A_74, %dot_general3A_74, %dot_general3A_74, %dot_general3A_74, %dot_general3A_74 in 1 : vector<224x128xf32>, vector<224x128xf32>, vector<224x128xf32>, vector<224x128xf32>, vector<224x128xf32> -> vector<224x640xf32>
    %mul3A = arith.mulf %concatenate3A, %concatenate3A_75 : vector<224x640xf32>
    %get3A_76 = arith.constant 0 : index
    %get3A_77 = arith.constant 0 : index
    %get3A_78 = vector.load %arg4[%get3A_76, %get3A_77] : memref<1x40xf32, #tpu.memory_space<vmem>>, vector<1x40xf32>
    %slice3A = vector.extract_strided_slice %get3A_78 {offsets = [0, 0], sizes = [1, 8], strides = [1, 1]} : vector<1x40xf32> to vector<1x8xf32>
    %concatenate3A_79 = tpu.concatenate %slice3A, %slice3A, %slice3A, %slice3A, %slice3A, %slice3A, %slice3A, %slice3A, %slice3A, %slice3A, %slice3A, %slice3A, %slice3A, %slice3A, %slice3A, %slice3A in 1 : vector<1x8xf32>, vector<1x8xf32>, vector<1x8xf32>, vector<1x8xf32>, vector<1x8xf32>, vector<1x8xf32>, vector<1x8xf32>, vector<1x8xf32>, vector<1x8xf32>, vector<1x8xf32>, vector<1x8xf32>, vector<1x8xf32>, vector<1x8xf32>, vector<1x8xf32>, vector<1x8xf32>, vector<1x8xf32> -> vector<1x128xf32>
    %get3A_80 = arith.constant 0 : index
    %get3A_81 = arith.constant 0 : index
    %get3A_82 = vector.load %arg4[%get3A_80, %get3A_81] : memref<1x40xf32, #tpu.memory_space<vmem>>, vector<1x40xf32>
    %slice3A_83 = vector.extract_strided_slice %get3A_82 {offsets = [0, 8], sizes = [1, 8], strides = [1, 1]} : vector<1x40xf32> to vector<1x8xf32>
    %concatenate3A_84 = tpu.concatenate %slice3A_83, %slice3A_83, %slice3A_83, %slice3A_83, %slice3A_83, %slice3A_83, %slice3A_83, %slice3A_83, %slice3A_83, %slice3A_83, %slice3A_83, %slice3A_83, %slice3A_83, %slice3A_83, %slice3A_83, %slice3A_83 in 1 : vector<1x8xf32>, vector<1x8xf32>, vector<1x8xf32>, vector<1x8xf32>, vector<1x8xf32>, vector<1x8xf32>, vector<1x8xf32>, vector<1x8xf32>, vector<1x8xf32>, vector<1x8xf32>, vector<1x8xf32>, vector<1x8xf32>, vector<1x8xf32>, vector<1x8xf32>, vector<1x8xf32>, vector<1x8xf32> -> vector<1x128xf32>
    %get3A_85 = arith.constant 0 : index
    %get3A_86 = arith.constant 0 : index
    %get3A_87 = vector.load %arg4[%get3A_85, %get3A_86] : memref<1x40xf32, #tpu.memory_space<vmem>>, vector<1x40xf32>
    %slice3A_88 = vector.extract_strided_slice %get3A_87 {offsets = [0, 16], sizes = [1, 8], strides = [1, 1]} : vector<1x40xf32> to vector<1x8xf32>
    %concatenate3A_89 = tpu.concatenate %slice3A_88, %slice3A_88, %slice3A_88, %slice3A_88, %slice3A_88, %slice3A_88, %slice3A_88, %slice3A_88, %slice3A_88, %slice3A_88, %slice3A_88, %slice3A_88, %slice3A_88, %slice3A_88, %slice3A_88, %slice3A_88 in 1 : vector<1x8xf32>, vector<1x8xf32>, vector<1x8xf32>, vector<1x8xf32>, vector<1x8xf32>, vector<1x8xf32>, vector<1x8xf32>, vector<1x8xf32>, vector<1x8xf32>, vector<1x8xf32>, vector<1x8xf32>, vector<1x8xf32>, vector<1x8xf32>, vector<1x8xf32>, vector<1x8xf32>, vector<1x8xf32> -> vector<1x128xf32>
    %get3A_90 = arith.constant 0 : index
    %get3A_91 = arith.constant 0 : index
    %get3A_92 = vector.load %arg4[%get3A_90, %get3A_91] : memref<1x40xf32, #tpu.memory_space<vmem>>, vector<1x40xf32>
    %slice3A_93 = vector.extract_strided_slice %get3A_92 {offsets = [0, 24], sizes = [1, 8], strides = [1, 1]} : vector<1x40xf32> to vector<1x8xf32>
    %concatenate3A_94 = tpu.concatenate %slice3A_93, %slice3A_93, %slice3A_93, %slice3A_93, %slice3A_93, %slice3A_93, %slice3A_93, %slice3A_93, %slice3A_93, %slice3A_93, %slice3A_93, %slice3A_93, %slice3A_93, %slice3A_93, %slice3A_93, %slice3A_93 in 1 : vector<1x8xf32>, vector<1x8xf32>, vector<1x8xf32>, vector<1x8xf32>, vector<1x8xf32>, vector<1x8xf32>, vector<1x8xf32>, vector<1x8xf32>, vector<1x8xf32>, vector<1x8xf32>, vector<1x8xf32>, vector<1x8xf32>, vector<1x8xf32>, vector<1x8xf32>, vector<1x8xf32>, vector<1x8xf32> -> vector<1x128xf32>
    %get3A_95 = arith.constant 0 : index
    %get3A_96 = arith.constant 0 : index
    %get3A_97 = vector.load %arg4[%get3A_95, %get3A_96] : memref<1x40xf32, #tpu.memory_space<vmem>>, vector<1x40xf32>
    %slice3A_98 = vector.extract_strided_slice %get3A_97 {offsets = [0, 32], sizes = [1, 8], strides = [1, 1]} : vector<1x40xf32> to vector<1x8xf32>
    %concatenate3A_99 = tpu.concatenate %slice3A_98, %slice3A_98, %slice3A_98, %slice3A_98, %slice3A_98, %slice3A_98, %slice3A_98, %slice3A_98, %slice3A_98, %slice3A_98, %slice3A_98, %slice3A_98, %slice3A_98, %slice3A_98, %slice3A_98, %slice3A_98 in 1 : vector<1x8xf32>, vector<1x8xf32>, vector<1x8xf32>, vector<1x8xf32>, vector<1x8xf32>, vector<1x8xf32>, vector<1x8xf32>, vector<1x8xf32>, vector<1x8xf32>, vector<1x8xf32>, vector<1x8xf32>, vector<1x8xf32>, vector<1x8xf32>, vector<1x8xf32>, vector<1x8xf32>, vector<1x8xf32> -> vector<1x128xf32>
    %concatenate3A_100 = tpu.concatenate %concatenate3A_79, %concatenate3A_84, %concatenate3A_89, %concatenate3A_94, %concatenate3A_99 in 1 : vector<1x128xf32>, vector<1x128xf32>, vector<1x128xf32>, vector<1x128xf32>, vector<1x128xf32> -> vector<1x640xf32>
    %add3A_101 = vector.broadcast %concatenate3A_100 : vector<1x640xf32> to vector<224x640xf32>
    %add3A_102 = arith.addf %mul3A, %add3A_101 : vector<224x640xf32>
    %max3A = arith.constant 0.000000e+00 : f32
    %max3A_103 = vector.broadcast %max3A : f32 to vector<224x640xf32>
    %max3A_104 = arith.maximumf %add3A_102, %max3A_103 : vector<224x640xf32>
    %get3A_105 = arith.constant 0 : index
    %get3A_106 = arith.constant 0 : index
    %get3A_107 = vector.load %arg5[%get3A_105, %get3A_106] : memref<640x640xf32, #tpu.memory_space<vmem>>, vector<640x640xf32>
    %dot_general3A_108 = arith.constant dense<0.000000e+00> : vector<224x640xf32>
    %dot_general3A_109 = tpu.matmul %max3A_104, %get3A_107, %dot_general3A_108 {dimension_numbers = #tpu.dot_dimension_numbers<[1], [0], [0], [1], [0, 0, 1, 1], [], []>, transpose_lhs_hint = false} : vector<224x640xf32>, vector<640x640xf32>, vector<224x640xf32> -> vector<224x640xf32>
    %mul3A_110 = arith.mulf %dot_general3A_109, %concatenate3A_75 : vector<224x640xf32>
    %slice3A_111 = vector.extract_strided_slice %mul3A_110 {offsets = [0, 0], sizes = [224, 128], strides = [1, 1]} : vector<224x640xf32> to vector<224x128xf32>
    %swap3A = arith.constant 0 : index
    %swap3A_112 = arith.constant 0 : index
    %swap3A_113 = arith.constant 0 : index
    %swap3A_114 = vector.load %arg6[%swap3A, %swap3A_112, %swap3A_113] : memref<5x224x128xf32, #tpu.memory_space<vmem>>, vector<1x224x128xf32>
    %swap3A_115 = vector.shape_cast %swap3A_114 : vector<1x224x128xf32> to vector<224x128xf32>
    %swap3A_116 = vector.shape_cast %slice3A_111 : vector<224x128xf32> to vector<1x224x128xf32>
    tpu.vector_store %arg6[%swap3A, %swap3A_112, %swap3A_113], %swap3A_116 {strides = array<i32>} : memref<5x224x128xf32, #tpu.memory_space<vmem>>, vector<1x224x128xf32>,
    %slice3A_117 = vector.extract_strided_slice %mul3A_110 {offsets = [0, 128], sizes = [224, 128], strides = [1, 1]} : vector<224x640xf32> to vector<224x128xf32>
    %swap3A_118 = arith.constant 1 : index
    %swap3A_119 = arith.constant 0 : index
    %swap3A_120 = arith.constant 0 : index
    %swap3A_121 = vector.load %arg6[%swap3A_118, %swap3A_119, %swap3A_120] : memref<5x224x128xf32, #tpu.memory_space<vmem>>, vector<1x224x128xf32>
    %swap3A_122 = vector.shape_cast %swap3A_121 : vector<1x224x128xf32> to vector<224x128xf32>
    %swap3A_123 = vector.shape_cast %slice3A_117 : vector<224x128xf32> to vector<1x224x128xf32>
    tpu.vector_store %arg6[%swap3A_118, %swap3A_119, %swap3A_120], %swap3A_123 {strides = array<i32>} : memref<5x224x128xf32, #tpu.memory_space<vmem>>, vector<1x224x128xf32>,
    %slice3A_124 = vector.extract_strided_slice %mul3A_110 {offsets = [0, 256], sizes = [224, 128], strides = [1, 1]} : vector<224x640xf32> to vector<224x128xf32>
    %swap3A_125 = arith.constant 2 : index
    %swap3A_126 = arith.constant 0 : index
    %swap3A_127 = arith.constant 0 : index
    %swap3A_128 = vector.load %arg6[%swap3A_125, %swap3A_126, %swap3A_127] : memref<5x224x128xf32, #tpu.memory_space<vmem>>, vector<1x224x128xf32>
    %swap3A_129 = vector.shape_cast %swap3A_128 : vector<1x224x128xf32> to vector<224x128xf32>
    %swap3A_130 = vector.shape_cast %slice3A_124 : vector<224x128xf32> to vector<1x224x128xf32>
    tpu.vector_store %arg6[%swap3A_125, %swap3A_126, %swap3A_127], %swap3A_130 {strides = array<i32>} : memref<5x224x128xf32, #tpu.memory_space<vmem>>, vector<1x224x128xf32>,
    %slice3A_131 = vector.extract_strided_slice %mul3A_110 {offsets = [0, 384], sizes = [224, 128], strides = [1, 1]} : vector<224x640xf32> to vector<224x128xf32>
    %swap3A_132 = arith.constant 3 : index
    %swap3A_133 = arith.constant 0 : index
    %swap3A_134 = arith.constant 0 : index
    %swap3A_135 = vector.load %arg6[%swap3A_132, %swap3A_133, %swap3A_134] : memref<5x224x128xf32, #tpu.memory_space<vmem>>, vector<1x224x128xf32>
    %swap3A_136 = vector.shape_cast %swap3A_135 : vector<1x224x128xf32> to vector<224x128xf32>
    %swap3A_137 = vector.shape_cast %slice3A_131 : vector<224x128xf32> to vector<1x224x128xf32>
    tpu.vector_store %arg6[%swap3A_132, %swap3A_133, %swap3A_134], %swap3A_137 {strides = array<i32>} : memref<5x224x128xf32, #tpu.memory_space<vmem>>, vector<1x224x128xf32>,
    %slice3A_138 = vector.extract_strided_slice %mul3A_110 {offsets = [0, 512], sizes = [224, 128], strides = [1, 1]} : vector<224x640xf32> to vector<224x128xf32>
    %swap3A_139 = arith.constant 4 : index
    %swap3A_140 = arith.constant 0 : index
    %swap3A_141 = arith.constant 0 : index
    %swap3A_142 = vector.load %arg6[%swap3A_139, %swap3A_140, %swap3A_141] : memref<5x224x128xf32, #tpu.memory_space<vmem>>, vector<1x224x128xf32>
    %swap3A_143 = vector.shape_cast %swap3A_142 : vector<1x224x128xf32> to vector<224x128xf32>
    %swap3A_144 = vector.shape_cast %slice3A_138 : vector<224x128xf32> to vector<1x224x128xf32>
    tpu.vector_store %arg6[%swap3A_139, %swap3A_140, %swap3A_141], %swap3A_144 {strides = array<i32>} : memref<5x224x128xf32, #tpu.memory_space<vmem>>, vector<1x224x128xf32>,
    return
  }
  func.func @transform_0(%arg0: i32) -> (i32, i32, i32) {
    %c0_i32 = arith.constant 0 : i32
    %c0_i32_0 = arith.constant 0 : i32
    %c0_i32_1 = arith.constant 0 : i32
    return %c0_i32, %arg0, %c0_i32_0 : i32, i32, i32
  }
  func.func @transform_1(%arg0: i32) -> (i32, i32, i32) {
    %c4_i32 = arith.constant 4 : i32
    %c0_i32 = arith.constant 0 : i32
    %c0_i32_0 = arith.constant 0 : i32
    return %c4_i32, %arg0, %c0_i32 : i32, i32, i32
  }
  func.func @transform_2(%arg0: i32) -> (i32, i32, i32) {
    %c0_i32 = arith.constant 0 : i32
    %c0_i32_0 = arith.constant 0 : i32
    %c0_i32_1 = arith.constant 0 : i32
    return %c0_i32, %arg0, %c0_i32_0 : i32, i32, i32
  }
  func.func @transform_3(%arg0: i32) -> (i32, i32) {
    %c0_i32 = arith.constant 0 : i32
    %c0_i32_0 = arith.constant 0 : i32
    %c0_i32_1 = arith.constant 0 : i32
    return %c0_i32, %c0_i32_0 : i32, i32
  }
  func.func @transform_4(%arg0: i32) -> (i32, i32) {
    %c0_i32 = arith.constant 0 : i32
    %c0_i32_0 = arith.constant 0 : i32
    %c0_i32_1 = arith.constant 0 : i32
    return %c0_i32, %c0_i32_0 : i32, i32
  }
  func.func @transform_5(%arg0: i32) -> (i32, i32, i32) {
    %c0_i32 = arith.constant 0 : i32
    %c0_i32_0 = arith.constant 0 : i32
    %c0_i32_1 = arith.constant 0 : i32
    return %c0_i32, %arg0, %c0_i32_0 : i32, i32, i32
  }
}

module attributes {stable_mosaic.version = 14 : i64} {
  func.func @_fin_body(%arg0: i32, %arg1: memref<6x224x128xf32, #tpu.memory_space<vmem>>, %arg2: memref<1x224x128xf32, #tpu.memory_space<vmem>>, %arg3: memref<2x224x16xf32, #tpu.memory_space<vmem>>, %arg4: memref<1x40xf32, #tpu.memory_space<vmem>>, %arg5: memref<224x16xi32, #tpu.memory_space<vmem>>, %arg6: memref<64x1024xf32, #tpu.memory_space<vmem>>, %arg7: memref<768x48xf32, #tpu.memory_space<vmem>>, %arg8: memref<40x2xf32, #tpu.memory_space<vmem>>, %arg9: memref<1x2xf32, #tpu.memory_space<vmem>>, %arg10: memref<64x2xf32, #tpu.memory_space<vmem>>, %arg11: memref<1024x768xf32, #tpu.memory_space<vmem>>) attributes {dimension_semantics = [#tpu.dimension_semantics<arbitrary>], iteration_bounds = array<i64: 28>, scalar_prefetch = 0 : i64, scratch_operands = 1 : i64, tpu.core_type = #tpu.core_type<tc>, window_params = [{transform_indices = @transform_0, window_bounds = array<i64: 6, 224, 128>}, {transform_indices = @transform_1, window_bounds = array<i64: 1, 224, 128>}, {transform_indices = @transform_2, window_bounds = array<i64: 2, 224, 16>}, {pipeline_mode = #tpu.pipeline_mode<synchronous>, transform_indices = @transform_3, window_bounds = array<i64: 1, 40>}, {transform_indices = @transform_4, window_bounds = array<i64: 224, 16>}, {pipeline_mode = #tpu.pipeline_mode<synchronous>, transform_indices = @transform_5, window_bounds = array<i64: 64, 1024>}, {pipeline_mode = #tpu.pipeline_mode<synchronous>, transform_indices = @transform_6, window_bounds = array<i64: 768, 48>}, {pipeline_mode = #tpu.pipeline_mode<synchronous>, transform_indices = @transform_7, window_bounds = array<i64: 40, 2>}, {pipeline_mode = #tpu.pipeline_mode<synchronous>, transform_indices = @transform_8, window_bounds = array<i64: 1, 2>}, {pipeline_mode = #tpu.pipeline_mode<synchronous>, transform_indices = @transform_9, window_bounds = array<i64: 64, 2>}]} {
    %eq3A = arith.constant 0 : i32
    %eq3A_0 = arith.cmpi eq, %arg0, %eq3A : i32
    %convert_element_type3A = arith.extui %eq3A_0 : i1 to i32
    %cond3A = arith.constant 0 : i32
    %cond3A_1 = arith.cmpi ne, %convert_element_type3A, %cond3A : i32
    scf.if %cond3A_1 {
      %broadcast_in_dim3A_163 = arith.constant 0.000000e+00 : f32
      %broadcast_in_dim3A_164 = vector.broadcast %broadcast_in_dim3A_163 : f32 to vector<1024x768xf32>
      %swap3A_165 = arith.constant 0 : index
      %swap3A_166 = arith.constant 0 : index
      %swap3A_167 = vector.load %arg11[%swap3A_165, %swap3A_166] : memref<1024x768xf32, #tpu.memory_space<vmem>>, vector<1024x768xf32>
      tpu.vector_store %arg11[%swap3A_165, %swap3A_166], %broadcast_in_dim3A_164 {strides = array<i32>} : memref<1024x768xf32, #tpu.memory_space<vmem>>, vector<1024x768xf32>,
    } else {
    }
    %get3A = arith.constant 4 : index
    %get3A_2 = arith.constant 0 : index
    %get3A_3 = arith.constant 0 : index
    %get3A_4 = vector.load %arg1[%get3A, %get3A_2, %get3A_3] : memref<6x224x128xf32, #tpu.memory_space<vmem>>, vector<1x224x128xf32>
    %get3A_5 = vector.shape_cast %get3A_4 : vector<1x224x128xf32> to vector<224x128xf32>
    %get3A_6 = arith.constant 5 : index
    %get3A_7 = arith.constant 0 : index
    %get3A_8 = arith.constant 0 : index
    %get3A_9 = vector.load %arg1[%get3A_6, %get3A_7, %get3A_8] : memref<6x224x128xf32, #tpu.memory_space<vmem>>, vector<1x224x128xf32>
    %get3A_10 = vector.shape_cast %get3A_9 : vector<1x224x128xf32> to vector<224x128xf32>
    %add3A = arith.addf %get3A_5, %get3A_10 : vector<224x128xf32>
    %get3A_11 = arith.constant 0 : index
    %get3A_12 = arith.constant 0 : index
    %get3A_13 = arith.constant 0 : index
    %get3A_14 = vector.load %arg2[%get3A_11, %get3A_12, %get3A_13] : memref<1x224x128xf32, #tpu.memory_space<vmem>>, vector<1x224x128xf32>
    %get3A_15 = vector.shape_cast %get3A_14 : vector<1x224x128xf32> to vector<224x128xf32>
    %sub3A = arith.subf %add3A, %get3A_15 : vector<224x128xf32>
    %get3A_16 = arith.constant 0 : index
    %get3A_17 = arith.constant 0 : index
    %get3A_18 = arith.constant 0 : index
    %get3A_19 = vector.load %arg1[%get3A_16, %get3A_17, %get3A_18] : memref<6x224x128xf32, #tpu.memory_space<vmem>>, vector<1x224x128xf32>
    %get3A_20 = vector.shape_cast %get3A_19 : vector<1x224x128xf32> to vector<224x128xf32>
    %get3A_21 = arith.constant 1 : index
    %get3A_22 = arith.constant 0 : index
    %get3A_23 = arith.constant 0 : index
    %get3A_24 = vector.load %arg1[%get3A_21, %get3A_22, %get3A_23] : memref<6x224x128xf32, #tpu.memory_space<vmem>>, vector<1x224x128xf32>
    %get3A_25 = vector.shape_cast %get3A_24 : vector<1x224x128xf32> to vector<224x128xf32>
    %get3A_26 = arith.constant 2 : index
    %get3A_27 = arith.constant 0 : index
    %get3A_28 = arith.constant 0 : index
    %get3A_29 = vector.load %arg1[%get3A_26, %get3A_27, %get3A_28] : memref<6x224x128xf32, #tpu.memory_space<vmem>>, vector<1x224x128xf32>
    %get3A_30 = vector.shape_cast %get3A_29 : vector<1x224x128xf32> to vector<224x128xf32>
    %get3A_31 = arith.constant 3 : index
    %get3A_32 = arith.constant 0 : index
    %get3A_33 = arith.constant 0 : index
    %get3A_34 = vector.load %arg1[%get3A_31, %get3A_32, %get3A_33] : memref<6x224x128xf32, #tpu.memory_space<vmem>>, vector<1x224x128xf32>
    %get3A_35 = vector.shape_cast %get3A_34 : vector<1x224x128xf32> to vector<224x128xf32>
    %concatenate3A = tpu.concatenate %get3A_20, %get3A_25, %get3A_30, %get3A_35, %sub3A in 1 : vector<224x128xf32>, vector<224x128xf32>, vector<224x128xf32>, vector<224x128xf32>, vector<224x128xf32> -> vector<224x640xf32>
    %get3A_36 = arith.constant 0 : index
    %get3A_37 = arith.constant 0 : index
    %get3A_38 = arith.constant 0 : index
    %get3A_39 = vector.load %arg3[%get3A_36, %get3A_37, %get3A_38] : memref<2x224x16xf32, #tpu.memory_space<vmem>>, vector<1x224x16xf32>
    %get3A_40 = vector.shape_cast %get3A_39 : vector<1x224x16xf32> to vector<224x16xf32>
    %add3A_41 = arith.constant 1.000000e+00 : f32
    %add3A_42 = vector.broadcast %add3A_41 : f32 to vector<224x16xf32>
    %add3A_43 = arith.addf %add3A_42, %get3A_40 : vector<224x16xf32>
    %get3A_44 = arith.constant 1 : index
    %get3A_45 = arith.constant 0 : index
    %get3A_46 = arith.constant 0 : index
    %get3A_47 = vector.load %arg3[%get3A_44, %get3A_45, %get3A_46] : memref<2x224x16xf32, #tpu.memory_space<vmem>>, vector<1x224x16xf32>
    %get3A_48 = vector.shape_cast %get3A_47 : vector<1x224x16xf32> to vector<224x16xf32>
    %add3A_49 = arith.addf %add3A_43, %get3A_48 : vector<224x16xf32>
    %rsqrt3A = math.rsqrt %add3A_49 : vector<224x16xf32>
    %iota3A = tpu.iota {dimensions = array<i32: 0>} : vector<16x128xi32>
    %iota3A_50 = tpu.iota {dimensions = array<i32: 1>} : vector<16x128xi32>
    %jit3A = arith.constant 8 : i32
    %div3A = vector.broadcast %jit3A : i32 to vector<16x128xi32>
    %div3A_51 = arith.divsi %iota3A_50, %div3A : vector<16x128xi32>
    %sign3A = arith.constant 0 : i32
    %sign3A_52 = vector.broadcast %sign3A : i32 to vector<16x128xi32>
    %sign3A_53 = arith.cmpi sgt, %iota3A_50, %sign3A_52 : vector<16x128xi32>
    %sign3A_54 = arith.extui %sign3A_53 : vector<16x128xi1> to vector<16x128xi32>
    %sign3A_55 = arith.constant 0 : i32
    %sign3A_56 = vector.broadcast %sign3A_55 : i32 to vector<16x128xi32>
    %sign3A_57 = arith.cmpi slt, %iota3A_50, %sign3A_56 : vector<16x128xi32>
    %sign3A_58 = arith.extui %sign3A_57 : vector<16x128xi1> to vector<16x128xi32>
    %sign3A_59 = arith.subi %sign3A_54, %sign3A_58 : vector<16x128xi32>
    %sign3A_60 = arith.constant 0 : i32
    %sign3A_61 = arith.cmpi sgt, %jit3A, %sign3A_60 : i32
    %sign3A_62 = arith.extui %sign3A_61 : i1 to i32
    %sign3A_63 = arith.constant 0 : i32
    %sign3A_64 = arith.cmpi slt, %jit3A, %sign3A_63 : i32
    %sign3A_65 = arith.extui %sign3A_64 : i1 to i32
    %sign3A_66 = arith.subi %sign3A_62, %sign3A_65 : i32
    %ne3A = vector.broadcast %sign3A_66 : i32 to vector<16x128xi32>
    %ne3A_67 = arith.cmpi ne, %sign3A_59, %ne3A : vector<16x128xi32>
    %rem3A = vector.broadcast %jit3A : i32 to vector<16x128xi32>
    %rem3A_68 = arith.remsi %iota3A_50, %rem3A : vector<16x128xi32>
    %ne3A_69 = arith.constant 0 : i32
    %ne3A_70 = vector.broadcast %ne3A_69 : i32 to vector<16x128xi32>
    %ne3A_71 = arith.cmpi ne, %rem3A_68, %ne3A_70 : vector<16x128xi32>
    %and3A = arith.andi %ne3A_67, %ne3A_71 : vector<16x128xi1>
    %sub3A_72 = arith.constant 1 : i32
    %sub3A_73 = vector.broadcast %sub3A_72 : i32 to vector<16x128xi32>
    %sub3A_74 = arith.subi %div3A_51, %sub3A_73 : vector<16x128xi32>
    %select_n3A = arith.select %and3A, %sub3A_74, %div3A_51 : vector<16x128xi1>, vector<16x128xi32>
    %eq3A_75 = arith.cmpi eq, %iota3A, %select_n3A : vector<16x128xi32>
    %convert_element_type3A_76 = arith.extui %eq3A_75 : vector<16x128xi1> to vector<16x128xi32>
    %convert_element_type3A_77 = arith.sitofp %convert_element_type3A_76 : vector<16x128xi32> to vector<16x128xf32>
    %dot_general3A = arith.constant dense<0.000000e+00> : vector<224x128xf32>
    %dot_general3A_78 = tpu.matmul %rsqrt3A, %convert_element_type3A_77, %dot_general3A {dimension_numbers = #tpu.dot_dimension_numbers<[1], [0], [0], [1], [0, 0, 1, 1], [], []>, transpose_lhs_hint = false} : vector<224x16xf32>, vector<16x128xf32>, vector<224x128xf32> -> vector<224x128xf32>
    %concatenate3A_79 = tpu.concatenate %dot_general3A_78, %dot_general3A_78, %dot_general3A_78, %dot_general3A_78, %dot_general3A_78 in 1 : vector<224x128xf32>, vector<224x128xf32>, vector<224x128xf32>, vector<224x128xf32>, vector<224x128xf32> -> vector<224x640xf32>
    %mul3A = arith.mulf %concatenate3A, %concatenate3A_79 : vector<224x640xf32>
    %get3A_80 = arith.constant 0 : index
    %get3A_81 = arith.constant 0 : index
    %get3A_82 = vector.load %arg4[%get3A_80, %get3A_81] : memref<1x40xf32, #tpu.memory_space<vmem>>, vector<1x40xf32>
    %slice3A = vector.extract_strided_slice %get3A_82 {offsets = [0, 0], sizes = [1, 8], strides = [1, 1]} : vector<1x40xf32> to vector<1x8xf32>
    %concatenate3A_83 = tpu.concatenate %slice3A, %slice3A, %slice3A, %slice3A, %slice3A, %slice3A, %slice3A, %slice3A, %slice3A, %slice3A, %slice3A, %slice3A, %slice3A, %slice3A, %slice3A, %slice3A in 1 : vector<1x8xf32>, vector<1x8xf32>, vector<1x8xf32>, vector<1x8xf32>, vector<1x8xf32>, vector<1x8xf32>, vector<1x8xf32>, vector<1x8xf32>, vector<1x8xf32>, vector<1x8xf32>, vector<1x8xf32>, vector<1x8xf32>, vector<1x8xf32>, vector<1x8xf32>, vector<1x8xf32>, vector<1x8xf32> -> vector<1x128xf32>
    %get3A_84 = arith.constant 0 : index
    %get3A_85 = arith.constant 0 : index
    %get3A_86 = vector.load %arg4[%get3A_84, %get3A_85] : memref<1x40xf32, #tpu.memory_space<vmem>>, vector<1x40xf32>
    %slice3A_87 = vector.extract_strided_slice %get3A_86 {offsets = [0, 8], sizes = [1, 8], strides = [1, 1]} : vector<1x40xf32> to vector<1x8xf32>
    %concatenate3A_88 = tpu.concatenate %slice3A_87, %slice3A_87, %slice3A_87, %slice3A_87, %slice3A_87, %slice3A_87, %slice3A_87, %slice3A_87, %slice3A_87, %slice3A_87, %slice3A_87, %slice3A_87, %slice3A_87, %slice3A_87, %slice3A_87, %slice3A_87 in 1 : vector<1x8xf32>, vector<1x8xf32>, vector<1x8xf32>, vector<1x8xf32>, vector<1x8xf32>, vector<1x8xf32>, vector<1x8xf32>, vector<1x8xf32>, vector<1x8xf32>, vector<1x8xf32>, vector<1x8xf32>, vector<1x8xf32>, vector<1x8xf32>, vector<1x8xf32>, vector<1x8xf32>, vector<1x8xf32> -> vector<1x128xf32>
    %get3A_89 = arith.constant 0 : index
    %get3A_90 = arith.constant 0 : index
    %get3A_91 = vector.load %arg4[%get3A_89, %get3A_90] : memref<1x40xf32, #tpu.memory_space<vmem>>, vector<1x40xf32>
    %slice3A_92 = vector.extract_strided_slice %get3A_91 {offsets = [0, 16], sizes = [1, 8], strides = [1, 1]} : vector<1x40xf32> to vector<1x8xf32>
    %concatenate3A_93 = tpu.concatenate %slice3A_92, %slice3A_92, %slice3A_92, %slice3A_92, %slice3A_92, %slice3A_92, %slice3A_92, %slice3A_92, %slice3A_92, %slice3A_92, %slice3A_92, %slice3A_92, %slice3A_92, %slice3A_92, %slice3A_92, %slice3A_92 in 1 : vector<1x8xf32>, vector<1x8xf32>, vector<1x8xf32>, vector<1x8xf32>, vector<1x8xf32>, vector<1x8xf32>, vector<1x8xf32>, vector<1x8xf32>, vector<1x8xf32>, vector<1x8xf32>, vector<1x8xf32>, vector<1x8xf32>, vector<1x8xf32>, vector<1x8xf32>, vector<1x8xf32>, vector<1x8xf32> -> vector<1x128xf32>
    %get3A_94 = arith.constant 0 : index
    %get3A_95 = arith.constant 0 : index
    %get3A_96 = vector.load %arg4[%get3A_94, %get3A_95] : memref<1x40xf32, #tpu.memory_space<vmem>>, vector<1x40xf32>
    %slice3A_97 = vector.extract_strided_slice %get3A_96 {offsets = [0, 24], sizes = [1, 8], strides = [1, 1]} : vector<1x40xf32> to vector<1x8xf32>
    %concatenate3A_98 = tpu.concatenate %slice3A_97, %slice3A_97, %slice3A_97, %slice3A_97, %slice3A_97, %slice3A_97, %slice3A_97, %slice3A_97, %slice3A_97, %slice3A_97, %slice3A_97, %slice3A_97, %slice3A_97, %slice3A_97, %slice3A_97, %slice3A_97 in 1 : vector<1x8xf32>, vector<1x8xf32>, vector<1x8xf32>, vector<1x8xf32>, vector<1x8xf32>, vector<1x8xf32>, vector<1x8xf32>, vector<1x8xf32>, vector<1x8xf32>, vector<1x8xf32>, vector<1x8xf32>, vector<1x8xf32>, vector<1x8xf32>, vector<1x8xf32>, vector<1x8xf32>, vector<1x8xf32> -> vector<1x128xf32>
    %get3A_99 = arith.constant 0 : index
    %get3A_100 = arith.constant 0 : index
    %get3A_101 = vector.load %arg4[%get3A_99, %get3A_100] : memref<1x40xf32, #tpu.memory_space<vmem>>, vector<1x40xf32>
    %slice3A_102 = vector.extract_strided_slice %get3A_101 {offsets = [0, 32], sizes = [1, 8], strides = [1, 1]} : vector<1x40xf32> to vector<1x8xf32>
    %concatenate3A_103 = tpu.concatenate %slice3A_102, %slice3A_102, %slice3A_102, %slice3A_102, %slice3A_102, %slice3A_102, %slice3A_102, %slice3A_102, %slice3A_102, %slice3A_102, %slice3A_102, %slice3A_102, %slice3A_102, %slice3A_102, %slice3A_102, %slice3A_102 in 1 : vector<1x8xf32>, vector<1x8xf32>, vector<1x8xf32>, vector<1x8xf32>, vector<1x8xf32>, vector<1x8xf32>, vector<1x8xf32>, vector<1x8xf32>, vector<1x8xf32>, vector<1x8xf32>, vector<1x8xf32>, vector<1x8xf32>, vector<1x8xf32>, vector<1x8xf32>, vector<1x8xf32>, vector<1x8xf32> -> vector<1x128xf32>
    %concatenate3A_104 = tpu.concatenate %concatenate3A_83, %concatenate3A_88, %concatenate3A_93, %concatenate3A_98, %concatenate3A_103 in 1 : vector<1x128xf32>, vector<1x128xf32>, vector<1x128xf32>, vector<1x128xf32>, vector<1x128xf32> -> vector<1x640xf32>
    %add3A_105 = vector.broadcast %concatenate3A_104 : vector<1x640xf32> to vector<224x640xf32>
    %add3A_106 = arith.addf %mul3A, %add3A_105 : vector<224x640xf32>
    %max3A = arith.constant 0.000000e+00 : f32
    %max3A_107 = vector.broadcast %max3A : f32 to vector<224x640xf32>
    %max3A_108 = arith.maximumf %add3A_106, %max3A_107 : vector<224x640xf32>
    %broadcast_in_dim3A = arith.constant 1.000000e+00 : f32
    %broadcast_in_dim3A_109 = vector.broadcast %broadcast_in_dim3A : f32 to vector<224x128xf32>
    %concatenate3A_110 = tpu.concatenate %max3A_108, %broadcast_in_dim3A_109 in 1 : vector<224x640xf32>, vector<224x128xf32> -> vector<224x768xf32>
    %get3A_111 = arith.constant 0 : index
    %get3A_112 = arith.constant 0 : index
    %get3A_113 = vector.load %arg5[%get3A_111, %get3A_112] : memref<224x16xi32, #tpu.memory_space<vmem>>, vector<224x16xi32>
    %concatenate3A_114 = tpu.concatenate %get3A_113, %get3A_113, %get3A_113, %get3A_113, %get3A_113, %get3A_113, %get3A_113, %get3A_113, %get3A_113, %get3A_113, %get3A_113, %get3A_113, %get3A_113, %get3A_113, %get3A_113, %get3A_113, %get3A_113, %get3A_113, %get3A_113, %get3A_113, %get3A_113, %get3A_113, %get3A_113, %get3A_113, %get3A_113, %get3A_113, %get3A_113, %get3A_113, %get3A_113, %get3A_113, %get3A_113, %get3A_113, %get3A_113, %get3A_113, %get3A_113, %get3A_113, %get3A_113, %get3A_113, %get3A_113, %get3A_113, %get3A_113, %get3A_113, %get3A_113, %get3A_113, %get3A_113, %get3A_113, %get3A_113, %get3A_113, %get3A_113, %get3A_113, %get3A_113, %get3A_113, %get3A_113, %get3A_113, %get3A_113, %get3A_113, %get3A_113, %get3A_113, %get3A_113, %get3A_113, %get3A_113, %get3A_113, %get3A_113, %get3A_113 in 1 : vector<224x16xi32>, vector<224x16xi32>, vector<224x16xi32>, vector<224x16xi32>, vector<224x16xi32>, vector<224x16xi32>, vector<224x16xi32>, vector<224x16xi32>, vector<224x16xi32>, vector<224x16xi32>, vector<224x16xi32>, vector<224x16xi32>, vector<224x16xi32>, vector<224x16xi32>, vector<224x16xi32>, vector<224x16xi32>, vector<224x16xi32>, vector<224x16xi32>, vector<224x16xi32>, vector<224x16xi32>, vector<224x16xi32>, vector<224x16xi32>, vector<224x16xi32>, vector<224x16xi32>, vector<224x16xi32>, vector<224x16xi32>, vector<224x16xi32>, vector<224x16xi32>, vector<224x16xi32>, vector<224x16xi32>, vector<224x16xi32>, vector<224x16xi32>, vector<224x16xi32>, vector<224x16xi32>, vector<224x16xi32>, vector<224x16xi32>, vector<224x16xi32>, vector<224x16xi32>, vector<224x16xi32>, vector<224x16xi32>, vector<224x16xi32>, vector<224x16xi32>, vector<224x16xi32>, vector<224x16xi32>, vector<224x16xi32>, vector<224x16xi32>, vector<224x16xi32>, vector<224x16xi32>, vector<224x16xi32>, vector<224x16xi32>, vector<224x16xi32>, vector<224x16xi32>, vector<224x16xi32>, vector<224x16xi32>, vector<224x16xi32>, vector<224x16xi32>, vector<224x16xi32>, vector<224x16xi32>, vector<224x16xi32>, vector<224x16xi32>, vector<224x16xi32>, vector<224x16xi32>, vector<224x16xi32>, vector<224x16xi32> -> vector<224x1024xi32>
    %iota3A_115 = tpu.iota {dimensions = array<i32: 1>} : vector<224x1024xi32>
    %jit3A_116 = arith.constant 16 : i32
    %div3A_117 = vector.broadcast %jit3A_116 : i32 to vector<224x1024xi32>
    %div3A_118 = arith.divsi %iota3A_115, %div3A_117 : vector<224x1024xi32>
    %sign3A_119 = arith.constant 0 : i32
    %sign3A_120 = vector.broadcast %sign3A_119 : i32 to vector<224x1024xi32>
    %sign3A_121 = arith.cmpi sgt, %iota3A_115, %sign3A_120 : vector<224x1024xi32>
    %sign3A_122 = arith.extui %sign3A_121 : vector<224x1024xi1> to vector<224x1024xi32>
    %sign3A_123 = arith.constant 0 : i32
    %sign3A_124 = vector.broadcast %sign3A_123 : i32 to vector<224x1024xi32>
    %sign3A_125 = arith.cmpi slt, %iota3A_115, %sign3A_124 : vector<224x1024xi32>
    %sign3A_126 = arith.extui %sign3A_125 : vector<224x1024xi1> to vector<224x1024xi32>
    %sign3A_127 = arith.subi %sign3A_122, %sign3A_126 : vector<224x1024xi32>
    %sign3A_128 = arith.constant 0 : i32
    %sign3A_129 = arith.cmpi sgt, %jit3A_116, %sign3A_128 : i32
    %sign3A_130 = arith.extui %sign3A_129 : i1 to i32
    %sign3A_131 = arith.constant 0 : i32
    %sign3A_132 = arith.cmpi slt, %jit3A_116, %sign3A_131 : i32
    %sign3A_133 = arith.extui %sign3A_132 : i1 to i32
    %sign3A_134 = arith.subi %sign3A_130, %sign3A_133 : i32
    %ne3A_135 = vector.broadcast %sign3A_134 : i32 to vector<224x1024xi32>
    %ne3A_136 = arith.cmpi ne, %sign3A_127, %ne3A_135 : vector<224x1024xi32>
    %rem3A_137 = vector.broadcast %jit3A_116 : i32 to vector<224x1024xi32>
    %rem3A_138 = arith.remsi %iota3A_115, %rem3A_137 : vector<224x1024xi32>
    %ne3A_139 = arith.constant 0 : i32
    %ne3A_140 = vector.broadcast %ne3A_139 : i32 to vector<224x1024xi32>
    %ne3A_141 = arith.cmpi ne, %rem3A_138, %ne3A_140 : vector<224x1024xi32>
    %and3A_142 = arith.andi %ne3A_136, %ne3A_141 : vector<224x1024xi1>
    %sub3A_143 = arith.constant 1 : i32
    %sub3A_144 = vector.broadcast %sub3A_143 : i32 to vector<224x1024xi32>
    %sub3A_145 = arith.subi %div3A_118, %sub3A_144 : vector<224x1024xi32>
    %select_n3A_146 = arith.select %and3A_142, %sub3A_145, %div3A_118 : vector<224x1024xi1>, vector<224x1024xi32>
    %eq3A_147 = arith.cmpi eq, %concatenate3A_114, %select_n3A_146 : vector<224x1024xi32>
    %convert_element_type3A_148 = arith.extui %eq3A_147 : vector<224x1024xi1> to vector<224x1024xi32>
    %convert_element_type3A_149 = arith.sitofp %convert_element_type3A_148 : vector<224x1024xi32> to vector<224x1024xf32>
    %get3A_150 = arith.constant 0 : index
    %get3A_151 = arith.constant 0 : index
    %get3A_152 = vector.load %arg11[%get3A_150, %get3A_151] : memref<1024x768xf32, #tpu.memory_space<vmem>>, vector<1024x768xf32>
    %dot_general3A_153 = arith.constant dense<0.000000e+00> : vector<1024x768xf32>
    %dot_general3A_154 = tpu.matmul %convert_element_type3A_149, %concatenate3A_110, %dot_general3A_153 {dimension_numbers = #tpu.dot_dimension_numbers<[0], [0], [1], [1], [0, 1, 1, 1], [], []>, transpose_lhs_hint = false} : vector<224x1024xf32>, vector<224x768xf32>, vector<1024x768xf32> -> vector<1024x768xf32>
    %add3A_155 = arith.addf %get3A_152, %dot_general3A_154 : vector<1024x768xf32>
    %swap3A = arith.constant 0 : index
    %swap3A_156 = arith.constant 0 : index
    %swap3A_157 = vector.load %arg11[%swap3A, %swap3A_156] : memref<1024x768xf32, #tpu.memory_space<vmem>>, vector<1024x768xf32>
    tpu.vector_store %arg11[%swap3A, %swap3A_156], %add3A_155 {strides = array<i32>} : memref<1024x768xf32, #tpu.memory_space<vmem>>, vector<1024x768xf32>,
    %eq3A_158 = arith.constant 27 : i32
    %eq3A_159 = arith.cmpi eq, %arg0, %eq3A_158 : i32
    %convert_element_type3A_160 = arith.extui %eq3A_159 : i1 to i32
    %cond3A_161 = arith.constant 0 : i32
    %cond3A_162 = arith.cmpi ne, %convert_element_type3A_160, %cond3A_161 : i32
    scf.if %cond3A_162 {
      %get3A_163 = arith.constant 0 : index
      %get3A_164 = arith.constant 0 : index
      %get3A_165 = vector.load %arg11[%get3A_163, %get3A_164] : memref<1024x768xf32, #tpu.memory_space<vmem>>, vector<1024x768xf32>
      %iota3A_166 = tpu.iota {dimensions = array<i32: 0>} : vector<1024x768xi32>
      %jit3A_167 = arith.constant 16 : i32
      %eq3A_168 = arith.constant 0 : i32
      %eq3A_169 = arith.cmpi eq, %jit3A_167, %eq3A_168 : i32
      %jit3A_170 = arith.constant 1 : i32
      %select_n3A_171 = arith.select %eq3A_169, %jit3A_170, %jit3A_167 : i32
      %rem3A_172 = vector.broadcast %select_n3A_171 : i32 to vector<1024x768xi32>
      %rem3A_173 = arith.remsi %iota3A_166, %rem3A_172 : vector<1024x768xi32>
      %ne3A_174 = arith.constant 0 : i32
      %ne3A_175 = vector.broadcast %ne3A_174 : i32 to vector<1024x768xi32>
      %ne3A_176 = arith.cmpi ne, %rem3A_173, %ne3A_175 : vector<1024x768xi32>
      %lt3A = arith.constant 0 : i32
      %lt3A_177 = vector.broadcast %lt3A : i32 to vector<1024x768xi32>
      %lt3A_178 = arith.cmpi slt, %rem3A_173, %lt3A_177 : vector<1024x768xi32>
      %lt3A_179 = arith.constant 0 : i32
      %lt3A_180 = arith.cmpi slt, %select_n3A_171, %lt3A_179 : i32
      %ne3A_181 = vector.broadcast %lt3A_180 : i1 to vector<1024x768xi1>
      %ne3A_182 = vector.broadcast %ne3A_181 : vector<1024x768xi1> to vector<1024x768xi1>
      %ne3A_183 = arith.xori %lt3A_178, %ne3A_182 : vector<1024x768xi1>
      %and3A_184 = arith.andi %ne3A_183, %ne3A_176 : vector<1024x768xi1>
      %add3A_185 = vector.broadcast %select_n3A_171 : i32 to vector<1024x768xi32>
      %add3A_186 = arith.addi %rem3A_173, %add3A_185 : vector<1024x768xi32>
      %select_n3A_187 = arith.select %and3A_184, %add3A_186, %rem3A_173 : vector<1024x768xi1>, vector<1024x768xi32>
      %iota3A_188 = tpu.iota {dimensions = array<i32: 1>} : vector<1024x768xi32>
      %jit3A_189 = arith.constant 128 : i32
      %eq3A_190 = arith.constant 0 : i32
      %eq3A_191 = arith.cmpi eq, %jit3A_189, %eq3A_190 : i32
      %jit3A_192 = arith.constant 1 : i32
      %select_n3A_193 = arith.select %eq3A_191, %jit3A_192, %jit3A_189 : i32
      %rem3A_194 = vector.broadcast %select_n3A_193 : i32 to vector<1024x768xi32>
      %rem3A_195 = arith.remsi %iota3A_188, %rem3A_194 : vector<1024x768xi32>
      %ne3A_196 = arith.constant 0 : i32
      %ne3A_197 = vector.broadcast %ne3A_196 : i32 to vector<1024x768xi32>
      %ne3A_198 = arith.cmpi ne, %rem3A_195, %ne3A_197 : vector<1024x768xi32>
      %lt3A_199 = arith.constant 0 : i32
      %lt3A_200 = vector.broadcast %lt3A_199 : i32 to vector<1024x768xi32>
      %lt3A_201 = arith.cmpi slt, %rem3A_195, %lt3A_200 : vector<1024x768xi32>
      %lt3A_202 = arith.constant 0 : i32
      %lt3A_203 = arith.cmpi slt, %select_n3A_193, %lt3A_202 : i32
      %ne3A_204 = vector.broadcast %lt3A_203 : i1 to vector<1024x768xi1>
      %ne3A_205 = vector.broadcast %ne3A_204 : vector<1024x768xi1> to vector<1024x768xi1>
      %ne3A_206 = arith.xori %lt3A_201, %ne3A_205 : vector<1024x768xi1>
      %and3A_207 = arith.andi %ne3A_206, %ne3A_198 : vector<1024x768xi1>
      %add3A_208 = vector.broadcast %select_n3A_193 : i32 to vector<1024x768xi32>
      %add3A_209 = arith.addi %rem3A_195, %add3A_208 : vector<1024x768xi32>
      %select_n3A_210 = arith.select %and3A_207, %add3A_209, %rem3A_195 : vector<1024x768xi1>, vector<1024x768xi32>
      %jit3A_211 = arith.constant 8 : i32
      %div3A_212 = vector.broadcast %jit3A_211 : i32 to vector<1024x768xi32>
      %div3A_213 = arith.divsi %select_n3A_210, %div3A_212 : vector<1024x768xi32>
      %sign3A_214 = arith.constant 0 : i32
      %sign3A_215 = vector.broadcast %sign3A_214 : i32 to vector<1024x768xi32>
      %sign3A_216 = arith.cmpi sgt, %select_n3A_210, %sign3A_215 : vector<1024x768xi32>
      %sign3A_217 = arith.extui %sign3A_216 : vector<1024x768xi1> to vector<1024x768xi32>
      %sign3A_218 = arith.constant 0 : i32
      %sign3A_219 = vector.broadcast %sign3A_218 : i32 to vector<1024x768xi32>
      %sign3A_220 = arith.cmpi slt, %select_n3A_210, %sign3A_219 : vector<1024x768xi32>
      %sign3A_221 = arith.extui %sign3A_220 : vector<1024x768xi1> to vector<1024x768xi32>
      %sign3A_222 = arith.subi %sign3A_217, %sign3A_221 : vector<1024x768xi32>
      %sign3A_223 = arith.constant 0 : i32
      %sign3A_224 = arith.cmpi sgt, %jit3A_211, %sign3A_223 : i32
      %sign3A_225 = arith.extui %sign3A_224 : i1 to i32
      %sign3A_226 = arith.constant 0 : i32
      %sign3A_227 = arith.cmpi slt, %jit3A_211, %sign3A_226 : i32
      %sign3A_228 = arith.extui %sign3A_227 : i1 to i32
      %sign3A_229 = arith.subi %sign3A_225, %sign3A_228 : i32
      %ne3A_230 = vector.broadcast %sign3A_229 : i32 to vector<1024x768xi32>
      %ne3A_231 = arith.cmpi ne, %sign3A_222, %ne3A_230 : vector<1024x768xi32>
      %rem3A_232 = vector.broadcast %jit3A_211 : i32 to vector<1024x768xi32>
      %rem3A_233 = arith.remsi %select_n3A_210, %rem3A_232 : vector<1024x768xi32>
      %ne3A_234 = arith.constant 0 : i32
      %ne3A_235 = vector.broadcast %ne3A_234 : i32 to vector<1024x768xi32>
      %ne3A_236 = arith.cmpi ne, %rem3A_233, %ne3A_235 : vector<1024x768xi32>
      %and3A_237 = arith.andi %ne3A_231, %ne3A_236 : vector<1024x768xi1>
      %sub3A_238 = arith.constant 1 : i32
      %sub3A_239 = vector.broadcast %sub3A_238 : i32 to vector<1024x768xi32>
      %sub3A_240 = arith.subi %div3A_213, %sub3A_239 : vector<1024x768xi32>
      %select_n3A_241 = arith.select %and3A_237, %sub3A_240, %div3A_213 : vector<1024x768xi1>, vector<1024x768xi32>
      %eq3A_242 = arith.cmpi eq, %select_n3A_187, %select_n3A_241 : vector<1024x768xi32>
      %convert_element_type3A_243 = arith.extui %eq3A_242 : vector<1024x768xi1> to vector<1024x768xi32>
      %convert_element_type3A_244 = arith.sitofp %convert_element_type3A_243 : vector<1024x768xi32> to vector<1024x768xf32>
      %mul3A_245 = arith.mulf %get3A_165, %convert_element_type3A_244 : vector<1024x768xf32>
      %get3A_246 = arith.constant 0 : index
      %get3A_247 = arith.constant 0 : index
      %get3A_248 = vector.load %arg6[%get3A_246, %get3A_247] : memref<64x1024xf32, #tpu.memory_space<vmem>>, vector<64x1024xf32>
      %dot_general3A_249 = arith.constant dense<0.000000e+00> : vector<64x768xf32>
      %dot_general3A_250 = tpu.matmul %get3A_248, %mul3A_245, %dot_general3A_249 {dimension_numbers = #tpu.dot_dimension_numbers<[1], [0], [0], [1], [0, 0, 1, 1], [], []>, transpose_lhs_hint = false} : vector<64x1024xf32>, vector<1024x768xf32>, vector<64x768xf32> -> vector<64x768xf32>
      %get3A_251 = arith.constant 0 : index
      %get3A_252 = arith.constant 0 : index
      %get3A_253 = vector.load %arg7[%get3A_251, %get3A_252] : memref<768x48xf32, #tpu.memory_space<vmem>>, vector<768x48xf32>
      %dot_general3A_254 = arith.constant dense<0.000000e+00> : vector<64x48xf32>
      %dot_general3A_255 = tpu.matmul %dot_general3A_250, %get3A_253, %dot_general3A_254 {dimension_numbers = #tpu.dot_dimension_numbers<[1], [0], [0], [1], [0, 0, 1, 1], [], []>, transpose_lhs_hint = false} : vector<64x768xf32>, vector<768x48xf32>, vector<64x48xf32> -> vector<64x48xf32>
      %slice3A_256 = vector.extract_strided_slice %dot_general3A_255 {offsets = [0, 0], sizes = [64, 40], strides = [1, 1]} : vector<64x48xf32> to vector<64x40xf32>
      %slice3A_257 = vector.extract_strided_slice %dot_general3A_255 {offsets = [0, 40], sizes = [64, 1], strides = [1, 1]} : vector<64x48xf32> to vector<64x1xf32>
      %max3A_258 = arith.constant 1.000000e+00 : f32
      %max3A_259 = vector.broadcast %max3A_258 : f32 to vector<64x1xf32>
      %max3A_260 = arith.maximumf %slice3A_257, %max3A_259 : vector<64x1xf32>
      %div3A_261 = vector.broadcast %max3A_260 : vector<64x1xf32> to vector<64x40xf32>
      %div3A_262 = arith.divf %slice3A_256, %div3A_261 : vector<64x40xf32>
      %get3A_263 = arith.constant 0 : index
      %get3A_264 = arith.constant 0 : index
      %get3A_265 = vector.load %arg8[%get3A_263, %get3A_264] : memref<40x2xf32, #tpu.memory_space<vmem>>, vector<40x2xf32>
      %dot_general3A_266 = arith.constant dense<0.000000e+00> : vector<64x2xf32>
      %dot_general3A_267 = tpu.matmul %div3A_262, %get3A_265, %dot_general3A_266 {dimension_numbers = #tpu.dot_dimension_numbers<[1], [0], [0], [1], [0, 0, 1, 1], [], []>, transpose_lhs_hint = false} : vector<64x40xf32>, vector<40x2xf32>, vector<64x2xf32> -> vector<64x2xf32>
      %get3A_268 = arith.constant 0 : index
      %get3A_269 = arith.constant 0 : index
      %get3A_270 = vector.load %arg9[%get3A_268, %get3A_269] : memref<1x2xf32, #tpu.memory_space<vmem>>, vector<1x2xf32>
      %add3A_271 = vector.broadcast %get3A_270 : vector<1x2xf32> to vector<64x2xf32>
      %add3A_272 = arith.addf %dot_general3A_267, %add3A_271 : vector<64x2xf32>
      %swap3A_273 = arith.constant 0 : index
      %swap3A_274 = arith.constant 0 : index
      %swap3A_275 = vector.load %arg10[%swap3A_273, %swap3A_274] : memref<64x2xf32, #tpu.memory_space<vmem>>, vector<64x2xf32>
      tpu.vector_store %arg10[%swap3A_273, %swap3A_274], %add3A_272 {strides = array<i32>} : memref<64x2xf32, #tpu.memory_space<vmem>>, vector<64x2xf32>,
    } else {
    }
    return
  }
  func.func @transform_0(%arg0: i32) -> (i32, i32, i32) {
    %c0_i32 = arith.constant 0 : i32
    %c0_i32_0 = arith.constant 0 : i32
    %c0_i32_1 = arith.constant 0 : i32
    return %c0_i32, %arg0, %c0_i32_0 : i32, i32, i32
  }
  func.func @transform_1(%arg0: i32) -> (i32, i32, i32) {
    %c4_i32 = arith.constant 4 : i32
    %c0_i32 = arith.constant 0 : i32
    %c0_i32_0 = arith.constant 0 : i32
    return %c4_i32, %arg0, %c0_i32 : i32, i32, i32
  }
  func.func @transform_2(%arg0: i32) -> (i32, i32, i32) {
    %c0_i32 = arith.constant 0 : i32
    %c0_i32_0 = arith.constant 0 : i32
    %c0_i32_1 = arith.constant 0 : i32
    return %c0_i32, %arg0, %c0_i32_0 : i32, i32, i32
  }
  func.func @transform_3(%arg0: i32) -> (i32, i32) {
    %c0_i32 = arith.constant 0 : i32
    %c0_i32_0 = arith.constant 0 : i32
    %c0_i32_1 = arith.constant 0 : i32
    return %c0_i32, %c0_i32_0 : i32, i32
  }
  func.func @transform_4(%arg0: i32) -> (i32, i32) {
    %c0_i32 = arith.constant 0 : i32
    %c0_i32_0 = arith.constant 0 : i32
    return %arg0, %c0_i32 : i32, i32
  }
  func.func @transform_5(%arg0: i32) -> (i32, i32) {
    %c0_i32 = arith.constant 0 : i32
    %c0_i32_0 = arith.constant 0 : i32
    %c0_i32_1 = arith.constant 0 : i32
    return %c0_i32, %c0_i32_0 : i32, i32
  }
  func.func @transform_6(%arg0: i32) -> (i32, i32) {
    %c0_i32 = arith.constant 0 : i32
    %c0_i32_0 = arith.constant 0 : i32
    %c0_i32_1 = arith.constant 0 : i32
    return %c0_i32, %c0_i32_0 : i32, i32
  }
  func.func @transform_7(%arg0: i32) -> (i32, i32) {
    %c0_i32 = arith.constant 0 : i32
    %c0_i32_0 = arith.constant 0 : i32
    %c0_i32_1 = arith.constant 0 : i32
    return %c0_i32, %c0_i32_0 : i32, i32
  }
  func.func @transform_8(%arg0: i32) -> (i32, i32) {
    %c0_i32 = arith.constant 0 : i32
    %c0_i32_0 = arith.constant 0 : i32
    %c0_i32_1 = arith.constant 0 : i32
    return %c0_i32, %c0_i32_0 : i32, i32
  }
  func.func @transform_9(%arg0: i32) -> (i32, i32) {
    %c0_i32 = arith.constant 0 : i32
    %c0_i32_0 = arith.constant 0 : i32
    %c0_i32_1 = arith.constant 0 : i32
    return %c0_i32, %c0_i32_0 : i32, i32
  }
}

</mosaic_0001>

<sc_bundles>
// kernel: kernel.10.cloned.1.call-start
scs
__scs_entry_jumppad:
0x0: {  	(pc) =	sbr.rel $0x88, $3  }
0x1: {  	(tag) =	ssettag $0x0;
	lr =	simm.s32 $0x1  }
0x2: {  	[smem:$0x3F96] =	sst lr;
	_ =	strace $0xD0000000  }
0x3: {  	_ = 	snop  }
0x4: {  	_ = 	snop  }
0x5: {  	_ = 	snop  }
0x6: {  	_ = 	snop  }
0x7: {  	_ = 	snop  }
__scs_overlays_trampoline_lowered:
0x8: {  	[smem:$0x3FA5] =	sst s0  }
0x9: {  	[smem:$0x3FA6] =	sst s1  }
0xa: {  	[smem:$0x3FA7] =	sst s2  }
0xb: {  	[smem:$0x3FA8] =	sst s3  }
0xc: {  	[smem:$0x3FA9] =	sst s4  }
0xd: {  	[smem:$0x3FAA] =	sst s5  }
0xe: {  	[smem:$0x3FAB] =	sst s6  }
0xf: {  	[smem:$0x3FAC] =	sst s7  }
0x10: {  	[smem:$0x3FAD] =	sst s8  }
0x11: {  	[smem:$0x3FAE] =	sst s9;
	s0 =	simm.s32 @!p0 $0x0  }
0x12: {  	s1 =	sld [smem:$0x3F94];
	s0 =	simm.s32 @p0 $0x1  }
0x13: {  	[smem:$0x3FAF] =	sst s0;
	s0 =	simm.s32 @!p1 $0x0  }
0x14: {  	s2 =	sld [smem:$0x3F93];
	s0 =	simm.s32 @p1 $0x1  }
0x15: {  	[smem:$0x3FB0] =	sst s0;
	s0 =	simm.s32 @!p2 $0x0  }
0x16: {  	s3 =	sld [smem:$0x3FDB];
	s0 =	simm.s32 @p2 $0x1  }
0x17: {  	s4 =	simm.s32 $0x1BF5;
	[smem:$0x3FB2] =	sst s0  }
0x18: {  	s0 =	sld [smem:$0x3F95];
	_ =	swait.ge [sflag:s4], $0x0  }
0x19: {  	s7 =	sld [smem:$0x3F96]  }
0x1a: {  	s8 =	sadd.s32 $0xFFFFE003, lr  }
0x1b: {  	s9 =	sadd.s32 $0xFFFFFEF7, lr;
	s5 =	simm.s32 $0xFFFFFFFF;
	p2 =	slt.u32 s8, $0xFFFFF086  }
0x1c: {  	p1 =	slt.u32 s9, $0xF7A;
	s5 =	simm.s32 @!p2 $0x0  }
0x1d: {  	s5 =	simm.s32 @p1 $0x1;
	p0 =	seq.s32 s7, s2  }
0x1e: {  	s7 =	smul.u32 @!p0 $0xF7A, s2;
	p2 =	seq.s32 @!p0 s5, $0x0  }
0x1f: {  	s9 =	smul.u32 $0xF7A, s1;
	s8 =	simm.s32 @!p0 $0x1BF5;
	p2 =	por !p2, p0  }
0x20: {  	[sflag:s8] =	ssyncset.s32 @!p0 $0xFFFFF086;
	s6 =	sadd.s32 @!p0 s3, s7;
	s7 =	simm.s32 @!p0 $0x108  }
0x21: {  	s3 =	sadd.s32 s3, s9;
	s6 =	sadd.s32 @!p0 $0x88, s6;
	s7 =	simm.s32 @p2 $0x1082  }
0x22: {  	[simem:s7], [sflag:s8] =	dma.local @!p0 [hbm:s6], $0xF7A  }
0x23: {  	s9 =	sor.u32 $0xD0000000, s2;
	s6 =	simm.s32 $0x108;
	_ =	swait.ge @!p0 [sflag:s8], $0x0  }
0x24: {  	s3 =	sadd.s32 $0x88, s3;
	s6 =	simm.s32 @!p1 $0x1082;
	[sflag:s4] =	ssyncset.s32 $0xFFFFF086  }
0x25: {  	[simem:s6], [sflag:s4] =	dma.local [hbm:s3], $0xF7A  }
0x26: {  	[smem:$0x3F96] =	sst s1;
	(tag) =	ssettag s2;
	_ =	strace s9  }
0x27: {  	s1 =	sld [smem:$0x3FA6]  }
0x28: {  	s2 =	sld [smem:$0x3FA7]  }
0x29: {  	s4 =	sld [smem:$0x3FA9]  }
0x2a: {  	p0 =	seq.s32 s5, $0x0;
	s5 =	sld [smem:$0x3FAA]  }
0x2b: {  	s6 =	sld [smem:$0x3FAB]  }
0x2c: {  	s7 =	sld [smem:$0x3FAC]  }
0x2d: {  	s3 =	simm.s32 $0x108;
	s8 =	sld [smem:$0x3FAD]  }
0x2e: {  	s3 =	simm.s32 @!p0 $0x1082;
	s9 =	sld [smem:$0x3FAE]  }
0x2f: {  	lr =	sadd.s32 s0, s3;
	s0 =	sld [smem:$0x3FA5]  }
0x30: {  	s3 =	sld [smem:$0x3FA8]  }
0x31: {  	[smem:$0x3FB1] =	sst s10  }
0x32: {  	s10 =	sld [smem:$0x3FAF];
	_ =	sdelay $0x3  }
0x33: {  	p0 =	seq.s32 s10, $0x1;
	s10 =	sld [smem:$0x3FB1];
	_ =	sdelay $0x3  }
0x34: {  	[smem:$0x3FB1] =	sst s10  }
0x35: {  	s10 =	sld [smem:$0x3FB0];
	_ =	sdelay $0x3  }
0x36: {  	p1 =	seq.s32 s10, $0x1;
	s10 =	sld [smem:$0x3FB1];
	_ =	sdelay $0x3  }
0x37: {  	[smem:$0x3FB1] =	sst s10  }
0x38: {  	s10 =	sld [smem:$0x3FB2]  }
0x39: {  	_ = 	snop;
	(pc) =	sbr.ind lr, $3  }
0x3a: {  	_ = 	snop  }
0x3b: {  	_ = 	snop  }
0x3c: {  	p2 =	seq.s32 s10, $0x1;
	s10 =	sld [smem:$0x3FB1]  }
0x3d: {  	_ =	shalt  }
0x3e: {  	_ =	shalt  }
0x3f: {  	_ =	shalt  }
0x40: {  	_ =	shalt  }
0x41: {  	_ =	shalt  }
0x42: {  	_ =	shalt  }
0x43: {  	_ =	shalt  }
0x44: {  	_ =	shalt  }
0x45: {  	_ =	shalt  }
0x46: {  	_ =	shalt  }
0x47: {  	_ =	shalt  }
0x48: {  	_ =	shalt  }
0x49: {  	_ =	shalt  }
0x4a: {  	_ =	shalt  }
0x4b: {  	_ =	shalt  }
0x4c: {  	_ =	shalt  }
0x4d: {  	_ =	shalt  }
0x4e: {  	_ =	shalt  }
0x4f: {  	_ =	shalt  }
0x50: {  	_ =	shalt  }
0x51: {  	_ =	shalt  }
0x52: {  	_ =	shalt  }
0x53: {  	_ =	shalt  }
0x54: {  	_ =	shalt  }
0x55: {  	_ =	shalt  }
0x56: {  	_ =	shalt  }
0x57: {  	_ =	shalt  }
0x58: {  	_ =	shalt  }
0x59: {  	_ =	shalt  }
0x5a: {  	_ =	shalt  }
0x5b: {  	_ =	shalt  }
0x5c: {  	_ =	shalt  }
0x5d: {  	_ =	shalt  }
0x5e: {  	_ =	shalt  }
0x5f: {  	_ =	shalt  }
0x60: {  	_ =	shalt  }
0x61: {  	_ =	shalt  }
0x62: {  	_ =	shalt  }
0x63: {  	_ =	shalt  }
0x64: {  	_ =	shalt  }
0x65: {  	_ =	shalt  }
0x66: {  	_ =	shalt  }
0x67: {  	_ =	shalt  }
0x68: {  	_ =	shalt  }
0x69: {  	_ =	shalt  }
0x6a: {  	_ =	shalt  }
0x6b: {  	_ =	shalt  }
0x6c: {  	_ =	shalt  }
0x6d: {  	_ =	shalt  }
0x6e: {  	_ =	shalt  }
0x6f: {  	_ =	shalt  }
0x70: {  	_ =	shalt  }
0x71: {  	_ =	shalt  }
0x72: {  	_ =	shalt  }
0x73: {  	_ =	shalt  }
0x74: {  	_ =	shalt  }
0x75: {  	_ =	shalt  }
0x76: {  	_ =	shalt  }
0x77: {  	_ =	shalt  }
0x78: {  	_ =	shalt  }
0x79: {  	_ =	shalt  }
0x7a: {  	_ =	shalt  }
0x7b: {  	_ =	shalt  }
0x7c: {  	_ =	shalt  }
0x7d: {  	_ =	shalt  }
0x7e: {  	_ =	shalt  }
0x7f: {  	_ =	shalt  }
0x80: {  	_ =	shalt  }
0x81: {  	_ =	shalt  }
0x82: {  	_ =	shalt  }
0x83: {  	_ =	shalt  }
0x84: {  	_ =	shalt  }
0x85: {  	_ =	shalt  }
0x86: {  	_ =	shalt  }
0x87: {  	_ =	shalt  }
.Lfunc_end0:
.L_simem_size_0:
called_computation_lowered:
.L_overlay_start_0:
0x88: {  	s2 =	sld [smem:$0x3FD9]  }
0x89: {  	s3 =	sld [smem:$0x3FFE];
	_ =	sdelay $0x1  }
0x8a: {  	s1 =	srdreg.scid  }
0x8b: {  	s0 =	sand.u32 $0x1, s1  }
0x8c: {  	s16 =	sshll.u32 s0, $0xA;
	s2 =	sadd.s32 s3, s2  }
0x8d: {  	s2 =	sadd.s32 s2, s16  }
0x8e: {  	[smem:$0x3FBD] =	sst s2  }
0x8f: {  	_ = 	snop  }
0x90: {  	(tm) =	ssettm $0x1  }
0x91: {  	s17 =	sld [smem:$0x3FFB];
	_ =	sdelay $0x3  }
0x92: {  	_ =	strace s17  }
0x93: {  	s2 =	sld [smem:$0x3FFC];
	_ =	sdelay $0x3  }
0x94: {  	_ =	strace s2  }
0x95: {  	s2 =	sld [smem:$0x3FFD];
	_ =	sdelay $0x3  }
0x96: {  	_ =	strace s2  }
0x97: {  	_ =	strace $0x8FFFFFFF  }
0x98: {  	s18 =	sld [smem:$0x3FDB];
	_ =	sdelay $0x1  }
0x99: {  	s19 =	simm.s32 $_scs_section_size  }
0x9a: {  	s4 =	simm.s32 $_size__tile_overlayer_lowered;
	s5 =	simm.s32 $_tile_overlayer_lowered  }
0x9b: {  	s22 =	simm.s32 $0x1BFF;
	s21 =	sshll.u32 s5, $0x1;
	s2 =	sadd.s32 s19, s18  }
0x9c: {  	s6 =	simm.s32 $0x0;
	s20 =	sshll.u32 s4, $0x1;
	s4 =	sadd.s32 s21, s2  }
0x9d: {  	[timem:s6], [sflag:s22] =	dma.local [hbm:s4], s20  }
0x9e: {  	_ =	swait.ge [sflag:s22], s20  }
0x9f: {  	s3 =	ssub.s32 $0x0, s20;
	[sflag:s22] =	ssyncset.done $0x0  }
0xa0: {  	[sflag:s22] =	ssyncadd.s32 s3;
	_ =	sdelay $0x1  }
0xa1: {  	s23 =	simm.s32 $0x1B8B  }
0xa2: {  	_ =	swait.ge [sflag:s23], $0x1  }
0xa3: {  	[sflag:s23] =	ssyncset.done $0x0  }
0xa4: {  	s25 =	simm.s32 $0x1B8E;
	s24 =	sld [smem:$0x3FFE];
	[sflag:s23] =	ssyncadd.s32 $0xFFFFFFFF  }
0xa5: {  	s26 =	simm.s32 $execute0_lowered;
	[smem:$0x3FD2] =	sst s25  }
0xa6: {  	s4 =	sshll.u32 s26, $0x1;
	_ =	strace $0x80000046;
	[dreg:$0x1] =	wrdreg $0xFFFFFFFF  }
0xa7: {  	s28 =	simm.s32 $_size_execute0_lowered;
	s2 =	sadd.s32 s2, s4;
	[dreg:$0x0] =	wrdreg $0x0  }
0xa8: {  	s4 =	sshll.u32 s28, $0x1;
	[dreg:$0x2] =	wrdreg s2  }
0xa9: {  	[dreg:$0x3] =	wrdreg s4  }
0xaa: {  	[dreg:$0x4] =	wrdreg $0xC0  }
0xab: {  	_ =	task [dreg:s6], $0x5FFFF  }
0xac: {  	[dreg:$0x1] =	wrdreg $0xFFFFFFFF  }
0xad: {  	[dreg:$0x0] =	wrdreg $0x60  }
0xae: {  	[dreg:$0x2] =	wrdreg s24  }
0xaf: {  	[dreg:$0x3] =	wrdreg $0x0  }
0xb0: {  	[dreg:$0x4] =	wrdreg $0x9  }
0xb1: {  	_ =	task.clear_ibuf [dreg:s6], $0x5FFFF;
	_ =	strace $0x90000046  }
0xb2: {  	s29 =	simm.s32 $0x9;
	_ =	strace $0x80000048  }
0xb3: {  	_ =	swait.ge [sflag:s29], $0x1  }
0xb4: {  	[sflag:s29] =	ssyncadd.s32 $0xFFFFFFFF  }
0xb5: {  	_ =	strace $0x90000048  }
0xb6: {  	_ =	sfence  }
0xb7: {  	s30 =	sld [smem:$0x0];
	_ =	sdelay $0x2  }
0xb8: {  	s31 =	sshll.u32 s1, $0xD;
	s1 =	sshrl.u32 s1, $0x2  }
0xb9: {  	s3 =	sand.u32 $0x4000, s31;
	s1 =	sadd.s32 s1, s30  }
0xba: {  	s0 =	sor.u32 s3, s0;
	s1 =	sshll.u32 s1, $0x11  }
0xbb: {  	s0 =	sor.u32 s1, s0  }
0xbc: {  	s0 =	sadd.s32 $0x8F2B, s0  }
0xbd: {  	[sflag:s0] =	ssyncadd.remote.s32 $0x1  }
0xbe: {  	_ =	sfence.sel $0xFFFF  }
0xbf: {  	[dreg:$0x0] =	wrdreg $0xFFFFFFFF;
	(pc) =	sbr.abs _section_cstart, $3  }
0xc0: {  	[dreg:$0x1] =	wrdreg $0xFFFFFFFF  }
0xc1: {  	_ =	task.clear_ibuf [dreg:s6], $0x2FFFF;
	_ =	strace $0x9FFFFFFF  }
0xc2: {  	(tm) =	ssettm $0x7FFFFFFF  }
0xc3: {  	_ =	shalt  }
tec
execute0_lowered:
.L_overlay_start_1:
0x0: {  	(tag) =	ssettag $0x1  }
0x1: {  	s6 =	rddreg [dreg:$0x0]  }
0x2: {  	s2 =	rddreg [dreg:$0x1]  }
0x3: {  	s0 =	srdreg.scid;
	s1 =	rddreg [dreg:$0x2]  }
0x4: {  	s3 =	simm.s32 $0x0;
	s10 =	simm.s32 $0x1880;
	s4 =	sand.u32 $0x1, s0  }
0x5: {  	s11 =	simm.s32 $0x7D0;
	s0 =	stileid.u32;
	s5 =	smul.u32 $0xC3500, s4  }
0x6: {  	s12 =	simm.s32 $0x2050;
	s13 =	simm.s32 $0x1;
	s7 =	smul.u32 $0xC350, s0  }
0x7: {  	s16 =	simm.s32 $0x0;
	[smem:$0x7FF] =	sst s3;
	s8 =	smul.u32 $0x1880, s0  }
0x8: {  	s9 =	smul.u32 $0x18800, s4;
	_ =	strace $0x80000047;
	s4 =	ssub.s32 $0x2, s4  }
0x9: {  	s14 =	sshll.u32 s0, $0x6;
	s31 =	sshrl.u32 s4, $0x1;
	s5 =	sadd.s32 s7, s5  }
0xa: {  	s14 =	sor.u32 $0x1C02, s14;
	s28 =	sadd.s32 s8, s9;
	s5 =	sadd.s32 $0x186A00, s5  }
0xb: {  	s9 =	simm.s32 $0x2;
	s7 =	sshrl.u32 s28, $0x3;
	s5 =	sshrl.u32 s5, $0x3  }
0xc: {  	s30 =	sadd.s32 s7, s6;
	s29 =	sadd.s32 s5, s6;
	s6 =	ssub.s32 s4, s31  }
0xd: {  	s4 =	sadd.s32 s8, s2;
	s5 =	sadd.s32 $0x65000, s30;
	s8 =	simm.s32 $0x2820  }
0xe: {  	v0 =	vimm.f32 $0.0e+00;
	v1 =	vimm.f32 $1.000000000e+00;
	s6 =	smax.u32 s6, $0x1;
	s7 =	sadd.s32 $0x3400, s29;
	s15 =	sshrl.u32 s4, $0x3  }
.LBB2_1:
0xf: {  	s17 =	simm.s32 $0x0  }
.LBB2_2:
0x10: {  	p0 =	sne.s32 s17, $0x61C0  }
.Ltmp0:
0x11: {  	_ = 	snop;
	(pc) =	sbr.rel @p0 .LBB2_2-.Ltmp0, $3  }
0x12: {  	_ =	sdelay $0x1  }
0x13: {  	s18 =	sshra.s32 s17, $0x2  }
0x14: {  	s17 =	sadd.s32 $0x40, s17;
	[tilespmem:s18+$0x2820] =	vst v0  }
0x15: {  	s17 =	simm.s32 $0x40;
	s18 =	simm.s32 $0x0  }
.LBB2_4:
0x16: {  	p0 =	sne.s32 s17, $0x1F00;
	[tilespmem:s18+$0x2050] =	vst v1;
	s18 =	smov.u32 s17;
	s17 =	sadd.s32 $0x40, s17  }
.Ltmp1:
0x17: {  	(pc) =	sbr.rel @p0 .LBB2_4-.Ltmp1, $2  }
0x18: {  	_ =	sdelay $0x2  }
0x19: {  	s18 =	sshra.s32 s18, $0x2  }
0x1a: {  	[tilespmem:s18+$0x2050] =	vst v1  }
0x1b: {  	[spmem:s4] =	stream.linear.scatter [tilespmem:s8], [sflag:$0x2], $0x1880, $0x38;
	[tilespmem:$0x40A0] =	vst v63  }
0x1c: {  	_ =	swait.ge [sflag:s9], $0x1880  }
0x1d: {  	[sflag:s9] =	ssyncset.done $0x0  }
0x1e: {  	[sflag:s9] =	ssyncadd.s32 $0xFFFFE780  }
0x1f: {  	s17 =	sadd.s32 $0x0, s7;
	[bflag:$0x0] =	sbarrier.arrive $0xFFFF  }
0x20: {  	[tilespmem:s10], [sflag:$0x2] =	stream.linear.gather [hbm4b:s17+s3], $0x7D0, $0x38;
	[tilespmem:$0x40A0] =	vst v63  }
0x21: {  	_ =	swait.ge [sflag:s9], $0x7D0  }
0x22: {  	[sflag:s9] =	ssyncset.done $0x0  }
0x23: {  	[sflag:s9] =	ssyncadd.s32 $0xFFFFF830  }
0x24: {  	[spmem:s2] =	stream.indirect.scatter.add.f32 [tilespmem:s12], [sflag:$0x1], $0x1, s10, s11, $0xb8;
	[tilespmem:$0x40A0] =	vst v63  }
0x25: {  	_ =	swait.ge [sflag:s13], $0x7D0  }
0x26: {  	s18 =	simm.s32 $0x1F4;
	s17 =	simm.s32 $0xFA;
	[sflag:s13] =	ssyncset.done $0x0  }
.LBB2_6:
0x27: {  	s19 =	sadd.s32 s17, s7  }
0x28: {  	[sflag:s13] =	ssyncadd.s32 $0xFFFFF830;
	s17 =	smov.u32 s18;
	s20 =	sadd.s32 $0xFA, s18  }
0x29: {  	[tilespmem:s10], [sflag:$0x2] =	stream.linear.gather [hbm4b:s19+s3], $0x7D0, $0x38;
	[tilespmem:$0x40A0] =	vst v63  }
0x2a: {  	p0 =	sne.s32 s18, $0x1770;
	_ =	swait.ge [sflag:s9], $0x7D0  }
.Ltmp2:
0x2b: {  	[sflag:s9] =	ssyncset.done $0x0;
	(pc) =	sbr.rel @p0 .LBB2_6-.Ltmp2, $4  }
0x2c: {  	[sflag:s9] =	ssyncadd.s32 $0xFFFFF830  }
0x2d: {  	[spmem:s2] =	stream.indirect.scatter.add.f32 [tilespmem:s12], [sflag:$0x1], $0x1, s10, s11, $0xb8;
	[tilespmem:$0x40A0] =	vst v63  }
0x2e: {  	_ =	swait.ge [sflag:s13], $0x7D0  }
0x2f: {  	s18 =	smov.u32 s20;
	[sflag:s13] =	ssyncset.done $0x0  }
0x30: {  	s17 =	sadd.s32 s17, s7;
	[sflag:s13] =	ssyncadd.s32 $0xFFFFF830  }
0x31: {  	[tilespmem:s10], [sflag:$0x2] =	stream.linear.gather [hbm4b:s17+s3], $0x7D0, $0x38;
	[tilespmem:$0x40A0] =	vst v63  }
0x32: {  	_ =	swait.ge [sflag:s9], $0x7D0  }
0x33: {  	[sflag:s9] =	ssyncset.done $0x0  }
0x34: {  	[sflag:s9] =	ssyncadd.s32 $0xFFFFF830  }
0x35: {  	[spmem:s2] =	stream.indirect.scatter.add.f32 [tilespmem:s12], [sflag:$0x1], $0x1, s10, s11, $0xb8;
	[tilespmem:$0x40A0] =	vst v63  }
0x36: {  	_ =	swait.ge [sflag:s13], $0x7D0  }
0x37: {  	s16 =	sadd.s32 $0x1, s16;
	[sflag:s13] =	ssyncset.done $0x0  }
0x38: {  	p0 =	sne.s32 s16, s6;
	[sflag:s13] =	ssyncadd.s32 $0xFFFFF830  }
.Ltmp3:
0x39: {  	[bflag:$0x0] =	sbarrier.arrive $0xFFFF;
	(pc) =	sbr.rel @p0 .LBB2_1-.Ltmp3, $4  }
0x3a: {  	[hbm:s5], [sflag:s14] =	dma.local [spmem:s15], $0x310  }
0x3b: {  	_ =	swait.ge [sflag:s9], $0x310  }
0x3c: {  	[sflag:s9] =	ssyncset.done $0x0  }
0x3d: {  	[sflag:s9] =	ssyncadd.s32 $0xFFFFFCF0  }
0x3e: {  	_ =	sfence.sel $0x180000  }
0x3f: {  	[bflag:$0x0] =	sbarrier.arrive $0xFFFF  }
0x40: {  	p0 =	sne.s32 s0, $0x0;
	_ =	strace $0x90000047  }
0x41: {  	s0 =	sadd.s32 @!p0 $0x100000, s1;
	[bflag:$0x2] =	sbarrier.arrive $0xFFFF  }
0x42: {  	[sflag:s0] =	ssyncadd.tile.s32 @!p0 $0x1;
	_ =	shalt  }
.Lfunc_end2:
_tile_overlayer_lowered:
.L_overlay_start_2:
0x43: {  	(tag) =	ssettag $0x2  }
0x44: {  	s0 =	rddreg [dreg:$0x0];
	s2 =	stileid.u32  }
0x45: {  	s1 =	rddreg [dreg:$0x1];
	p0 =	sne.s32 s2, $0x0  }
0x46: {  	s3 =	rddreg [dreg:$0x2];
	[bflag:$0x3] =	sbarrier.arrive $0xFFFF;
	s2 =	simm.s32 @!p0 $0x1C02  }
0x47: {  	[timem:s3], [sflag:s2] =	dma.local @!p0 [hbm:s0], s1  }
0x48: {  	s0 =	simm.s32 @!p0 $0x2  }
0x49: {  	_ =	swait.ge @!p0 [sflag:s0], s1  }
0x4a: {  	s1 =	ssub.s32 @!p0 $0x0, s1;
	[sflag:s0] =	ssyncset.done @!p0 $0x0  }
0x4b: {  	[sflag:s0] =	ssyncadd.s32 @!p0 s1  }
0x4c: {  	[bflag:$0x3] =	sbarrier.arrive $0xFFFF  }
0x4d: {  	_ =	shalt  }

// kernel: kernel.13.cloned.1.call-start
scs
__scs_entry_jumppad:
0x0: {  	(pc) =	sbr.rel $0x88, $3  }
0x1: {  	(tag) =	ssettag $0x0;
	lr =	simm.s32 $0x1  }
0x2: {  	[smem:$0x3F96] =	sst lr;
	_ =	strace $0xD0000000  }
0x3: {  	_ = 	snop  }
0x4: {  	_ = 	snop  }
0x5: {  	_ = 	snop  }
0x6: {  	_ = 	snop  }
0x7: {  	_ = 	snop  }
__scs_overlays_trampoline_lowered:
0x8: {  	[smem:$0x3FA5] =	sst s0  }
0x9: {  	[smem:$0x3FA6] =	sst s1  }
0xa: {  	[smem:$0x3FA7] =	sst s2  }
0xb: {  	[smem:$0x3FA8] =	sst s3  }
0xc: {  	[smem:$0x3FA9] =	sst s4  }
0xd: {  	[smem:$0x3FAA] =	sst s5  }
0xe: {  	[smem:$0x3FAB] =	sst s6  }
0xf: {  	[smem:$0x3FAC] =	sst s7  }
0x10: {  	[smem:$0x3FAD] =	sst s8  }
0x11: {  	[smem:$0x3FAE] =	sst s9;
	s0 =	simm.s32 @!p0 $0x0  }
0x12: {  	s1 =	sld [smem:$0x3F94];
	s0 =	simm.s32 @p0 $0x1  }
0x13: {  	[smem:$0x3FAF] =	sst s0;
	s0 =	simm.s32 @!p1 $0x0  }
0x14: {  	s2 =	sld [smem:$0x3F93];
	s0 =	simm.s32 @p1 $0x1  }
0x15: {  	[smem:$0x3FB0] =	sst s0;
	s0 =	simm.s32 @!p2 $0x0  }
0x16: {  	s3 =	sld [smem:$0x3FDB];
	s0 =	simm.s32 @p2 $0x1  }
0x17: {  	s4 =	simm.s32 $0x1BF5;
	[smem:$0x3FB2] =	sst s0  }
0x18: {  	s0 =	sld [smem:$0x3F95];
	_ =	swait.ge [sflag:s4], $0x0  }
0x19: {  	s7 =	sld [smem:$0x3F96]  }
0x1a: {  	s8 =	sadd.s32 $0xFFFFE003, lr  }
0x1b: {  	s9 =	sadd.s32 $0xFFFFFEF7, lr;
	s5 =	simm.s32 $0xFFFFFFFF;
	p2 =	slt.u32 s8, $0xFFFFF086  }
0x1c: {  	p1 =	slt.u32 s9, $0xF7A;
	s5 =	simm.s32 @!p2 $0x0  }
0x1d: {  	s5 =	simm.s32 @p1 $0x1;
	p0 =	seq.s32 s7, s2  }
0x1e: {  	s7 =	smul.u32 @!p0 $0xF7A, s2;
	p2 =	seq.s32 @!p0 s5, $0x0  }
0x1f: {  	s9 =	smul.u32 $0xF7A, s1;
	s8 =	simm.s32 @!p0 $0x1BF5;
	p2 =	por !p2, p0  }
0x20: {  	[sflag:s8] =	ssyncset.s32 @!p0 $0xFFFFF086;
	s6 =	sadd.s32 @!p0 s3, s7;
	s7 =	simm.s32 @!p0 $0x108  }
0x21: {  	s3 =	sadd.s32 s3, s9;
	s6 =	sadd.s32 @!p0 $0x88, s6;
	s7 =	simm.s32 @p2 $0x1082  }
0x22: {  	[simem:s7], [sflag:s8] =	dma.local @!p0 [hbm:s6], $0xF7A  }
0x23: {  	s9 =	sor.u32 $0xD0000000, s2;
	s6 =	simm.s32 $0x108;
	_ =	swait.ge @!p0 [sflag:s8], $0x0  }
0x24: {  	s3 =	sadd.s32 $0x88, s3;
	s6 =	simm.s32 @!p1 $0x1082;
	[sflag:s4] =	ssyncset.s32 $0xFFFFF086  }
0x25: {  	[simem:s6], [sflag:s4] =	dma.local [hbm:s3], $0xF7A  }
0x26: {  	[smem:$0x3F96] =	sst s1;
	(tag) =	ssettag s2;
	_ =	strace s9  }
0x27: {  	s1 =	sld [smem:$0x3FA6]  }
0x28: {  	s2 =	sld [smem:$0x3FA7]  }
0x29: {  	s4 =	sld [smem:$0x3FA9]  }
0x2a: {  	p0 =	seq.s32 s5, $0x0;
	s5 =	sld [smem:$0x3FAA]  }
0x2b: {  	s6 =	sld [smem:$0x3FAB]  }
0x2c: {  	s7 =	sld [smem:$0x3FAC]  }
0x2d: {  	s3 =	simm.s32 $0x108;
	s8 =	sld [smem:$0x3FAD]  }
0x2e: {  	s3 =	simm.s32 @!p0 $0x1082;
	s9 =	sld [smem:$0x3FAE]  }
0x2f: {  	lr =	sadd.s32 s0, s3;
	s0 =	sld [smem:$0x3FA5]  }
0x30: {  	s3 =	sld [smem:$0x3FA8]  }
0x31: {  	[smem:$0x3FB1] =	sst s10  }
0x32: {  	s10 =	sld [smem:$0x3FAF];
	_ =	sdelay $0x3  }
0x33: {  	p0 =	seq.s32 s10, $0x1;
	s10 =	sld [smem:$0x3FB1];
	_ =	sdelay $0x3  }
0x34: {  	[smem:$0x3FB1] =	sst s10  }
0x35: {  	s10 =	sld [smem:$0x3FB0];
	_ =	sdelay $0x3  }
0x36: {  	p1 =	seq.s32 s10, $0x1;
	s10 =	sld [smem:$0x3FB1];
	_ =	sdelay $0x3  }
0x37: {  	[smem:$0x3FB1] =	sst s10  }
0x38: {  	s10 =	sld [smem:$0x3FB2]  }
0x39: {  	_ = 	snop;
	(pc) =	sbr.ind lr, $3  }
0x3a: {  	_ = 	snop  }
0x3b: {  	_ = 	snop  }
0x3c: {  	p2 =	seq.s32 s10, $0x1;
	s10 =	sld [smem:$0x3FB1]  }
0x3d: {  	_ =	shalt  }
0x3e: {  	_ =	shalt  }
0x3f: {  	_ =	shalt  }
0x40: {  	_ =	shalt  }
0x41: {  	_ =	shalt  }
0x42: {  	_ =	shalt  }
0x43: {  	_ =	shalt  }
0x44: {  	_ =	shalt  }
0x45: {  	_ =	shalt  }
0x46: {  	_ =	shalt  }
0x47: {  	_ =	shalt  }
0x48: {  	_ =	shalt  }
0x49: {  	_ =	shalt  }
0x4a: {  	_ =	shalt  }
0x4b: {  	_ =	shalt  }
0x4c: {  	_ =	shalt  }
0x4d: {  	_ =	shalt  }
0x4e: {  	_ =	shalt  }
0x4f: {  	_ =	shalt  }
0x50: {  	_ =	shalt  }
0x51: {  	_ =	shalt  }
0x52: {  	_ =	shalt  }
0x53: {  	_ =	shalt  }
0x54: {  	_ =	shalt  }
0x55: {  	_ =	shalt  }
0x56: {  	_ =	shalt  }
0x57: {  	_ =	shalt  }
0x58: {  	_ =	shalt  }
0x59: {  	_ =	shalt  }
0x5a: {  	_ =	shalt  }
0x5b: {  	_ =	shalt  }
0x5c: {  	_ =	shalt  }
0x5d: {  	_ =	shalt  }
0x5e: {  	_ =	shalt  }
0x5f: {  	_ =	shalt  }
0x60: {  	_ =	shalt  }
0x61: {  	_ =	shalt  }
0x62: {  	_ =	shalt  }
0x63: {  	_ =	shalt  }
0x64: {  	_ =	shalt  }
0x65: {  	_ =	shalt  }
0x66: {  	_ =	shalt  }
0x67: {  	_ =	shalt  }
0x68: {  	_ =	shalt  }
0x69: {  	_ =	shalt  }
0x6a: {  	_ =	shalt  }
0x6b: {  	_ =	shalt  }
0x6c: {  	_ =	shalt  }
0x6d: {  	_ =	shalt  }
0x6e: {  	_ =	shalt  }
0x6f: {  	_ =	shalt  }
0x70: {  	_ =	shalt  }
0x71: {  	_ =	shalt  }
0x72: {  	_ =	shalt  }
0x73: {  	_ =	shalt  }
0x74: {  	_ =	shalt  }
0x75: {  	_ =	shalt  }
0x76: {  	_ =	shalt  }
0x77: {  	_ =	shalt  }
0x78: {  	_ =	shalt  }
0x79: {  	_ =	shalt  }
0x7a: {  	_ =	shalt  }
0x7b: {  	_ =	shalt  }
0x7c: {  	_ =	shalt  }
0x7d: {  	_ =	shalt  }
0x7e: {  	_ =	shalt  }
0x7f: {  	_ =	shalt  }
0x80: {  	_ =	shalt  }
0x81: {  	_ =	shalt  }
0x82: {  	_ =	shalt  }
0x83: {  	_ =	shalt  }
0x84: {  	_ =	shalt  }
0x85: {  	_ =	shalt  }
0x86: {  	_ =	shalt  }
0x87: {  	_ =	shalt  }
.Lfunc_end0:
.L_simem_size_0:
called_computation.1_lowered:
.L_overlay_start_0:
0x88: {  	s2 =	sld [smem:$0x3FD9]  }
0x89: {  	s3 =	sld [smem:$0x3FFE];
	_ =	sdelay $0x1  }
0x8a: {  	s1 =	srdreg.scid  }
0x8b: {  	s0 =	sand.u32 $0x1, s1  }
0x8c: {  	s16 =	sshll.u32 s0, $0xA;
	s2 =	sadd.s32 s3, s2  }
0x8d: {  	s2 =	sadd.s32 s2, s16  }
0x8e: {  	[smem:$0x3FBD] =	sst s2  }
0x8f: {  	_ = 	snop  }
0x90: {  	(tm) =	ssettm $0x1  }
0x91: {  	s17 =	sld [smem:$0x3FFB];
	_ =	sdelay $0x3  }
0x92: {  	_ =	strace s17  }
0x93: {  	s2 =	sld [smem:$0x3FFC];
	_ =	sdelay $0x3  }
0x94: {  	_ =	strace s2  }
0x95: {  	s2 =	sld [smem:$0x3FFD];
	_ =	sdelay $0x3  }
0x96: {  	_ =	strace s2  }
0x97: {  	_ =	strace $0x8FFFFFFF  }
0x98: {  	s18 =	sld [smem:$0x3FDB];
	_ =	sdelay $0x1  }
0x99: {  	s19 =	simm.s32 $_scs_section_size  }
0x9a: {  	s4 =	simm.s32 $_size__tile_overlayer_lowered;
	s5 =	simm.s32 $_tile_overlayer_lowered  }
0x9b: {  	s22 =	simm.s32 $0x1BFF;
	s21 =	sshll.u32 s5, $0x1;
	s2 =	sadd.s32 s19, s18  }
0x9c: {  	s6 =	simm.s32 $0x0;
	s20 =	sshll.u32 s4, $0x1;
	s4 =	sadd.s32 s21, s2  }
0x9d: {  	[timem:s6], [sflag:s22] =	dma.local [hbm:s4], s20  }
0x9e: {  	_ =	swait.ge [sflag:s22], s20  }
0x9f: {  	s3 =	ssub.s32 $0x0, s20;
	[sflag:s22] =	ssyncset.done $0x0  }
0xa0: {  	[sflag:s22] =	ssyncadd.s32 s3;
	_ =	sdelay $0x1  }
0xa1: {  	s23 =	simm.s32 $0x1B8B  }
0xa2: {  	_ =	swait.ge [sflag:s23], $0x1  }
0xa3: {  	[sflag:s23] =	ssyncset.done $0x0  }
0xa4: {  	s25 =	simm.s32 $0x1B8E;
	s24 =	sld [smem:$0x3FFE];
	[sflag:s23] =	ssyncadd.s32 $0xFFFFFFFF  }
0xa5: {  	s26 =	simm.s32 $execute0_lowered;
	[smem:$0x3FD2] =	sst s25  }
0xa6: {  	s4 =	sshll.u32 s26, $0x1;
	_ =	strace $0x80000049;
	[dreg:$0x1] =	wrdreg $0xFFFFFFFF  }
0xa7: {  	s28 =	simm.s32 $_size_execute0_lowered;
	s2 =	sadd.s32 s2, s4;
	[dreg:$0x0] =	wrdreg $0x0  }
0xa8: {  	s4 =	sshll.u32 s28, $0x1;
	[dreg:$0x2] =	wrdreg s2  }
0xa9: {  	[dreg:$0x3] =	wrdreg s4  }
0xaa: {  	[dreg:$0x4] =	wrdreg $0xC0  }
0xab: {  	_ =	task [dreg:s6], $0x5FFFF  }
0xac: {  	[dreg:$0x1] =	wrdreg $0xFFFFFFFF  }
0xad: {  	[dreg:$0x0] =	wrdreg $0x60  }
0xae: {  	[dreg:$0x2] =	wrdreg s24  }
0xaf: {  	[dreg:$0x3] =	wrdreg $0x0  }
0xb0: {  	[dreg:$0x4] =	wrdreg $0xC4000  }
0xb1: {  	[dreg:$0x5] =	wrdreg $0x9  }
0xb2: {  	_ =	task.clear_ibuf [dreg:s6], $0x6FFFF;
	_ =	strace $0x90000049  }
0xb3: {  	s29 =	simm.s32 $0x9;
	_ =	strace $0x8000004B  }
0xb4: {  	_ =	swait.ge [sflag:s29], $0x1  }
0xb5: {  	[sflag:s29] =	ssyncadd.s32 $0xFFFFFFFF  }
0xb6: {  	_ =	strace $0x9000004B  }
0xb7: {  	_ =	sfence  }
0xb8: {  	s30 =	sld [smem:$0x0];
	_ =	sdelay $0x2  }
0xb9: {  	s31 =	sshll.u32 s1, $0xD;
	s1 =	sshrl.u32 s1, $0x2  }
0xba: {  	s3 =	sand.u32 $0x4000, s31;
	s1 =	sadd.s32 s1, s30  }
0xbb: {  	s0 =	sor.u32 s3, s0;
	s1 =	sshll.u32 s1, $0x11  }
0xbc: {  	s0 =	sor.u32 s1, s0  }
0xbd: {  	s0 =	sadd.s32 $0x8F2B, s0  }
0xbe: {  	[sflag:s0] =	ssyncadd.remote.s32 $0x1  }
0xbf: {  	_ =	sfence.sel $0xFFFF  }
0xc0: {  	[dreg:$0x0] =	wrdreg $0xFFFFFFFF;
	(pc) =	sbr.abs _section_cstart, $3  }
0xc1: {  	[dreg:$0x1] =	wrdreg $0xFFFFFFFF  }
0xc2: {  	_ =	task.clear_ibuf [dreg:s6], $0x2FFFF;
	_ =	strace $0x9FFFFFFF  }
0xc3: {  	(tm) =	ssettm $0x7FFFFFFF  }
tec
execute0_lowered:
.L_overlay_start_1:
0x0: {  	(tag) =	ssettag $0x1  }
0x1: {  	s5 =	rddreg [dreg:$0x0]  }
0x2: {  	s1 =	rddreg [dreg:$0x1]  }
0x3: {  	s3 =	rddreg [dreg:$0x2]  }
0x4: {  	s0 =	rddreg [dreg:$0x3];
	s4 =	simm.s32 $0x0;
	s6 =	srdreg.scid  }
0x5: {  	s2 =	stileid.u32;
	s20 =	simm.s32 $0x18FD0;
	s21 =	simm.s32 $0x7D0  }
0x6: {  	s22 =	simm.s32 $0x197A0;
	s23 =	simm.s32 $0x1;
	s24 =	simm.s32 $0x2  }
0x7: {  	s25 =	simm.s32 $0x0;
	[smem:$0x7FF] =	sst s4;
	s9 =	smul.u32 $0xC400, s2  }
0x8: {  	s8 =	sand.u32 $0x1, s6;
	s10 =	sadd.s32 $0x65000, s5;
	s17 =	smul.u32 $0xC350, s2  }
0x9: {  	s15 =	sadd.s32 $0x3400, s5;
	s11 =	sadd.s32 $0xDF800, s5;
	s31 =	smul.u32 $0x30D4, s2  }
0xa: {  	s30 =	sshll.u32 s2, $0x6;
	s6 =	smul.u32 $0xC4000, s8;
	s7 =	ssub.s32 $0x2, s8  }
0xb: {  	_ =	strace $0x8000004A;
	s14 =	smul.u32 $0xC3500, s8;
	s29 =	sshrl.u32 s7, $0x1  }
0xc: {  	s16 =	sadd.s32 s9, s1;
	s18 =	sadd.s32 s9, s3;
	s19 =	sshrl.u32 s9, $0x3  }
0xd: {  	s6 =	sadd.s32 s9, s6;
	s12 =	ssub.s32 s7, s29;
	s14 =	sadd.s32 s17, s14  }
0xe: {  	s16 =	sshrl.u32 s16, $0x3;
	s18 =	sshrl.u32 s18, $0x3;
	s13 =	sshrl.u32 s6, $0x3  }
0xf: {  	s6 =	sor.u32 $0x1C03, s30;
	s12 =	smax.u32 s12, $0x1;
	s17 =	sadd.s32 $0x186A00, s14  }
0x10: {  	s14 =	sshrl.u32 s14, $0x3;
	s5 =	sadd.s32 s10, s13;
	s7 =	sadd.s32 s11, s13  }
0x11: {  	s13 =	sadd.s32 $0x31000, s13;
	s17 =	sshrl.u32 s17, $0x3;
	s14 =	sadd.s32 s14, s15  }
0x12: {  	s8 =	sadd.s32 s10, s13;
	s9 =	sadd.s32 s11, s13;
	s10 =	sadd.s32 s10, s19  }
0x13: {  	s11 =	sadd.s32 $0x62000, s7;
	s13 =	sadd.s32 s31, s15;
	s15 =	sadd.s32 s17, s15  }
0x14: {  	s17 =	simm.s32 $0x3;
	s19 =	simm.s32 $0x18800;
	s10 =	sadd.s32 $0x62000, s10  }
.LBB2_1:
0x15: {  	[spmem:s16], [sflag:s6] =	dma.local [hbm:s5], $0x1880  }
0x16: {  	_ =	swait.ge [sflag:s17], $0x1880  }
0x17: {  	[sflag:s17] =	ssyncset.done $0x0  }
0x18: {  	[sflag:s17] =	ssyncadd.s32 $0xFFFFE780  }
0x19: {  	[spmem:s18], [sflag:s6] =	dma.local [hbm:s5], $0x1880  }
0x1a: {  	_ =	swait.ge [sflag:s17], $0x1880  }
0x1b: {  	[sflag:s17] =	ssyncset.done $0x0  }
0x1c: {  	[sflag:s17] =	ssyncadd.s32 $0xFFFFE780  }
0x1d: {  	s26 =	sadd.s32 $0x0, s13;
	[bflag:$0x0] =	sbarrier.arrive $0xFFFF  }
0x1e: {  	[tilespmem:s19], [sflag:$0x3] =	stream.linear.gather [hbm4b:s26+s4], $0x7D0, $0x38;
	[tilespmem:$0x1D620] =	vst v63  }
0x1f: {  	_ =	swait.ge [sflag:s17], $0x7D0  }
0x20: {  	[sflag:s17] =	ssyncset.done $0x0  }
0x21: {  	s26 =	sadd.s32 $0x30D40, s26;
	[sflag:s17] =	ssyncadd.s32 $0xFFFFF830  }
0x22: {  	[tilespmem:s20], [sflag:$0x3] =	stream.linear.gather [hbm4b:s26+s4], $0x7D0, $0x38;
	[tilespmem:$0x1D620] =	vst v63  }
0x23: {  	_ =	swait.ge [sflag:s17], $0x7D0  }
0x24: {  	[sflag:s17] =	ssyncset.done $0x0  }
0x25: {  	[sflag:s17] =	ssyncadd.s32 $0xFFFFF830  }
0x26: {  	[tilespmem:s22], [sflag:$0x1] =	stream.indirect.gather [spmem:s1], $0x8, s19, s21, $0xb8;
	[tilespmem:$0x1D620] =	vst v63  }
0x27: {  	_ =	swait.ge [sflag:s23], $0x3E80  }
0x28: {  	[sflag:s23] =	ssyncset.done $0x0  }
0x29: {  	[sflag:s23] =	ssyncadd.s32 $0xFFFFC180  }
0x2a: {  	[spmem:s3] =	stream.indirect.scatter.add.f32 [tilespmem:s22], [sflag:$0x2], $0x8, s20, s21, $0xb8;
	[tilespmem:$0x1D620] =	vst v63  }
0x2b: {  	_ =	swait.ge [sflag:s24], $0x3E80  }
0x2c: {  	s28 =	simm.s32 $0x1F4;
	s26 =	simm.s32 $0xFA;
	[sflag:s24] =	ssyncset.done $0x0  }
.LBB2_2:
0x2d: {  	s29 =	sadd.s32 s26, s13  }
0x2e: {  	[sflag:s24] =	ssyncadd.s32 $0xFFFFC180;
	s26 =	smov.u32 s28;
	s30 =	sadd.s32 $0xFA, s28  }
0x2f: {  	[tilespmem:s19], [sflag:$0x3] =	stream.linear.gather [hbm4b:s29+s4], $0x7D0, $0x38;
	[tilespmem:$0x1D620] =	vst v63  }
0x30: {  	p0 =	sne.s32 s28, $0x2FDA;
	_ =	swait.ge [sflag:s17], $0x7D0  }
0x31: {  	[sflag:s17] =	ssyncset.done $0x0  }
0x32: {  	s28 =	sadd.s32 $0x30D40, s29;
	[sflag:s17] =	ssyncadd.s32 $0xFFFFF830  }
0x33: {  	[tilespmem:s20], [sflag:$0x3] =	stream.linear.gather [hbm4b:s28+s4], $0x7D0, $0x38;
	[tilespmem:$0x1D620] =	vst v63  }
0x34: {  	_ =	swait.ge [sflag:s17], $0x7D0  }
0x35: {  	[sflag:s17] =	ssyncset.done $0x0  }
0x36: {  	[sflag:s17] =	ssyncadd.s32 $0xFFFFF830  }
0x37: {  	[tilespmem:s22], [sflag:$0x1] =	stream.indirect.gather [spmem:s1], $0x8, s19, s21, $0xb8;
	[tilespmem:$0x1D620] =	vst v63  }
0x38: {  	_ =	swait.ge [sflag:s23], $0x3E80  }
.Ltmp0:
0x39: {  	[sflag:s23] =	ssyncset.done $0x0;
	(pc) =	sbr.rel @p0 .LBB2_2-.Ltmp0, $4  }
0x3a: {  	[sflag:s23] =	ssyncadd.s32 $0xFFFFC180  }
0x3b: {  	[spmem:s3] =	stream.indirect.scatter.add.f32 [tilespmem:s22], [sflag:$0x2], $0x8, s20, s21, $0xb8;
	[tilespmem:$0x1D620] =	vst v63  }
0x3c: {  	_ =	swait.ge [sflag:s24], $0x3E80  }
0x3d: {  	s28 =	smov.u32 s30;
	[sflag:s24] =	ssyncset.done $0x0  }
0x3e: {  	s26 =	sadd.s32 s26, s13;
	[sflag:s24] =	ssyncadd.s32 $0xFFFFC180  }
0x3f: {  	[tilespmem:s19], [sflag:$0x3] =	stream.linear.gather [hbm4b:s26+s4], $0x7D0, $0x38;
	[tilespmem:$0x1D620] =	vst v63  }
0x40: {  	_ =	swait.ge [sflag:s17], $0x7D0  }
0x41: {  	[sflag:s17] =	ssyncset.done $0x0  }
0x42: {  	s26 =	sadd.s32 $0x30D40, s26;
	[sflag:s17] =	ssyncadd.s32 $0xFFFFF830  }
0x43: {  	[tilespmem:s20], [sflag:$0x3] =	stream.linear.gather [hbm4b:s26+s4], $0x7D0, $0x38;
	[tilespmem:$0x1D620] =	vst v63  }
0x44: {  	_ =	swait.ge [sflag:s17], $0x7D0  }
0x45: {  	[sflag:s17] =	ssyncset.done $0x0  }
0x46: {  	[sflag:s17] =	ssyncadd.s32 $0xFFFFF830  }
0x47: {  	[tilespmem:s22], [sflag:$0x1] =	stream.indirect.gather [spmem:s1], $0x8, s19, s21, $0xb8;
	[tilespmem:$0x1D620] =	vst v63  }
0x48: {  	_ =	swait.ge [sflag:s23], $0x3E80  }
0x49: {  	[sflag:s23] =	ssyncset.done $0x0  }
0x4a: {  	[sflag:s23] =	ssyncadd.s32 $0xFFFFC180  }
0x4b: {  	[spmem:s3] =	stream.indirect.scatter.add.f32 [tilespmem:s22], [sflag:$0x2], $0x8, s20, s21, $0xb8;
	[tilespmem:$0x1D620] =	vst v63  }
0x4c: {  	_ =	swait.ge [sflag:s24], $0x3E80  }
0x4d: {  	[sflag:s24] =	ssyncset.done $0x0  }
0x4e: {  	[sflag:s24] =	ssyncadd.s32 $0xFFFFC180  }
0x4f: {  	[bflag:$0x0] =	sbarrier.arrive $0xFFFF  }
0x50: {  	[hbm:s7], [sflag:s6] =	dma.local [spmem:s18], $0x1880  }
0x51: {  	_ =	swait.ge [sflag:s17], $0x1880  }
0x52: {  	[sflag:s17] =	ssyncset.done $0x0  }
0x53: {  	[sflag:s17] =	ssyncadd.s32 $0xFFFFE780  }
0x54: {  	[bflag:$0x0] =	sbarrier.arrive $0xFFFF  }
0x55: {  	[spmem:s16], [sflag:s6] =	dma.local [hbm:s8], $0x1880  }
0x56: {  	_ =	swait.ge [sflag:s17], $0x1880  }
0x57: {  	[sflag:s17] =	ssyncset.done $0x0  }
0x58: {  	[sflag:s17] =	ssyncadd.s32 $0xFFFFE780  }
0x59: {  	[spmem:s18], [sflag:s6] =	dma.local [hbm:s8], $0x1880  }
0x5a: {  	_ =	swait.ge [sflag:s17], $0x1880  }
0x5b: {  	[sflag:s17] =	ssyncset.done $0x0  }
0x5c: {  	[sflag:s17] =	ssyncadd.s32 $0xFFFFE780  }
0x5d: {  	s31 =	sadd.s32 $0x0, s13;
	[bflag:$0x0] =	sbarrier.arrive $0xFFFF  }
0x5e: {  	[tilespmem:s19], [sflag:$0x3] =	stream.linear.gather [hbm4b:s31+s4], $0x7D0, $0x38;
	[tilespmem:$0x1D620] =	vst v63  }
0x5f: {  	_ =	swait.ge [sflag:s17], $0x7D0  }
0x60: {  	[sflag:s17] =	ssyncset.done $0x0  }
0x61: {  	s26 =	sadd.s32 $0x30D40, s31;
	[sflag:s17] =	ssyncadd.s32 $0xFFFFF830  }
0x62: {  	[tilespmem:s20], [sflag:$0x3] =	stream.linear.gather [hbm4b:s26+s4], $0x7D0, $0x38;
	[tilespmem:$0x1D620] =	vst v63  }
0x63: {  	_ =	swait.ge [sflag:s17], $0x7D0  }
0x64: {  	[sflag:s17] =	ssyncset.done $0x0  }
0x65: {  	[sflag:s17] =	ssyncadd.s32 $0xFFFFF830  }
0x66: {  	[tilespmem:s22], [sflag:$0x1] =	stream.indirect.gather [spmem:s1], $0x8, s19, s21, $0xb8;
	[tilespmem:$0x1D620] =	vst v63  }
0x67: {  	_ =	swait.ge [sflag:s23], $0x3E80  }
0x68: {  	[sflag:s23] =	ssyncset.done $0x0  }
0x69: {  	[sflag:s23] =	ssyncadd.s32 $0xFFFFC180  }
0x6a: {  	[spmem:s3] =	stream.indirect.scatter.add.f32 [tilespmem:s22], [sflag:$0x2], $0x8, s20, s21, $0xb8;
	[tilespmem:$0x1D620] =	vst v63  }
0x6b: {  	_ =	swait.ge [sflag:s24], $0x3E80  }
0x6c: {  	s28 =	simm.s32 $0x1F4;
	s26 =	simm.s32 $0xFA;
	[sflag:s24] =	ssyncset.done $0x0  }
.LBB2_4:
0x6d: {  	s29 =	sadd.s32 s26, s13  }
0x6e: {  	[sflag:s24] =	ssyncadd.s32 $0xFFFFC180;
	s26 =	smov.u32 s28;
	s30 =	sadd.s32 $0xFA, s28  }
0x6f: {  	[tilespmem:s19], [sflag:$0x3] =	stream.linear.gather [hbm4b:s29+s4], $0x7D0, $0x38;
	[tilespmem:$0x1D620] =	vst v63  }
0x70: {  	p0 =	sne.s32 s28, $0x2FDA;
	_ =	swait.ge [sflag:s17], $0x7D0  }
0x71: {  	[sflag:s17] =	ssyncset.done $0x0  }
0x72: {  	s28 =	sadd.s32 $0x30D40, s29;
	[sflag:s17] =	ssyncadd.s32 $0xFFFFF830  }
0x73: {  	[tilespmem:s20], [sflag:$0x3] =	stream.linear.gather [hbm4b:s28+s4], $0x7D0, $0x38;
	[tilespmem:$0x1D620] =	vst v63  }
0x74: {  	_ =	swait.ge [sflag:s17], $0x7D0  }
0x75: {  	[sflag:s17] =	ssyncset.done $0x0  }
0x76: {  	[sflag:s17] =	ssyncadd.s32 $0xFFFFF830  }
0x77: {  	[tilespmem:s22], [sflag:$0x1] =	stream.indirect.gather [spmem:s1], $0x8, s19, s21, $0xb8;
	[tilespmem:$0x1D620] =	vst v63  }
0x78: {  	_ =	swait.ge [sflag:s23], $0x3E80  }
.Ltmp1:
0x79: {  	[sflag:s23] =	ssyncset.done $0x0;
	(pc) =	sbr.rel @p0 .LBB2_4-.Ltmp1, $4  }
0x7a: {  	[sflag:s23] =	ssyncadd.s32 $0xFFFFC180  }
0x7b: {  	[spmem:s3] =	stream.indirect.scatter.add.f32 [tilespmem:s22], [sflag:$0x2], $0x8, s20, s21, $0xb8;
	[tilespmem:$0x1D620] =	vst v63  }
0x7c: {  	_ =	swait.ge [sflag:s24], $0x3E80  }
0x7d: {  	s28 =	smov.u32 s30;
	[sflag:s24] =	ssyncset.done $0x0  }
0x7e: {  	s26 =	sadd.s32 s26, s13;
	[sflag:s24] =	ssyncadd.s32 $0xFFFFC180  }
0x7f: {  	[tilespmem:s19], [sflag:$0x3] =	stream.linear.gather [hbm4b:s26+s4], $0x7D0, $0x38;
	[tilespmem:$0x1D620] =	vst v63  }
0x80: {  	_ =	swait.ge [sflag:s17], $0x7D0  }
0x81: {  	[sflag:s17] =	ssyncset.done $0x0  }
0x82: {  	s26 =	sadd.s32 $0x30D40, s26;
	[sflag:s17] =	ssyncadd.s32 $0xFFFFF830  }
0x83: {  	[tilespmem:s20], [sflag:$0x3] =	stream.linear.gather [hbm4b:s26+s4], $0x7D0, $0x38;
	[tilespmem:$0x1D620] =	vst v63  }
0x84: {  	_ =	swait.ge [sflag:s17], $0x7D0  }
0x85: {  	[sflag:s17] =	ssyncset.done $0x0  }
0x86: {  	[sflag:s17] =	ssyncadd.s32 $0xFFFFF830  }
0x87: {  	[tilespmem:s22], [sflag:$0x1] =	stream.indirect.gather [spmem:s1], $0x8, s19, s21, $0xb8;
	[tilespmem:$0x1D620] =	vst v63  }
0x88: {  	_ =	swait.ge [sflag:s23], $0x3E80  }
0x89: {  	[sflag:s23] =	ssyncset.done $0x0  }
0x8a: {  	[sflag:s23] =	ssyncadd.s32 $0xFFFFC180  }
0x8b: {  	[spmem:s3] =	stream.indirect.scatter.add.f32 [tilespmem:s22], [sflag:$0x2], $0x8, s20, s21, $0xb8;
	[tilespmem:$0x1D620] =	vst v63  }
0x8c: {  	_ =	swait.ge [sflag:s24], $0x3E80  }
0x8d: {  	[sflag:s24] =	ssyncset.done $0x0  }
0x8e: {  	[sflag:s24] =	ssyncadd.s32 $0xFFFFC180  }
0x8f: {  	[bflag:$0x0] =	sbarrier.arrive $0xFFFF  }
0x90: {  	[hbm:s9], [sflag:s6] =	dma.local [spmem:s18], $0x1880  }
0x91: {  	_ =	swait.ge [sflag:s17], $0x1880  }
0x92: {  	[sflag:s17] =	ssyncset.done $0x0  }
0x93: {  	[sflag:s17] =	ssyncadd.s32 $0xFFFFE780  }
0x94: {  	[bflag:$0x0] =	sbarrier.arrive $0xFFFF  }
0x95: {  	[spmem:s16], [sflag:s6] =	dma.local [hbm:s10], $0x1880  }
0x96: {  	_ =	swait.ge [sflag:s17], $0x1880  }
0x97: {  	[sflag:s17] =	ssyncset.done $0x0  }
0x98: {  	[sflag:s17] =	ssyncadd.s32 $0xFFFFE780  }
0x99: {  	[spmem:s18], [sflag:s6] =	dma.local [hbm:s10], $0x1880  }
0x9a: {  	_ =	swait.ge [sflag:s17], $0x1880  }
0x9b: {  	[sflag:s17] =	ssyncset.done $0x0  }
0x9c: {  	[sflag:s17] =	ssyncadd.s32 $0xFFFFE780  }
0x9d: {  	s30 =	sadd.s32 $0x0, s14;
	[bflag:$0x0] =	sbarrier.arrive $0xFFFF  }
0x9e: {  	[tilespmem:s19], [sflag:$0x3] =	stream.linear.gather [hbm4b:s30+s4], $0x7D0, $0x38;
	[tilespmem:$0x1D620] =	vst v63  }
0x9f: {  	_ =	swait.ge [sflag:s17], $0x7D0  }
0xa0: {  	[sflag:s17] =	ssyncset.done $0x0  }
0xa1: {  	s31 =	sadd.s32 $0x0, s15;
	[sflag:s17] =	ssyncadd.s32 $0xFFFFF830  }
0xa2: {  	[tilespmem:s20], [sflag:$0x3] =	stream.linear.gather [hbm4b:s31+s4], $0x7D0, $0x38;
	[tilespmem:$0x1D620] =	vst v63  }
0xa3: {  	_ =	swait.ge [sflag:s17], $0x7D0  }
0xa4: {  	[sflag:s17] =	ssyncset.done $0x0  }
0xa5: {  	[sflag:s17] =	ssyncadd.s32 $0xFFFFF830  }
0xa6: {  	[tilespmem:s22], [sflag:$0x1] =	stream.indirect.gather [spmem:s1], $0x8, s19, s21, $0xb8;
	[tilespmem:$0x1D620] =	vst v63  }
0xa7: {  	_ =	swait.ge [sflag:s23], $0x3E80  }
0xa8: {  	[sflag:s23] =	ssyncset.done $0x0  }
0xa9: {  	[sflag:s23] =	ssyncadd.s32 $0xFFFFC180  }
0xaa: {  	[spmem:s3] =	stream.indirect.scatter.add.f32 [tilespmem:s22], [sflag:$0x2], $0x8, s20, s21, $0xb8;
	[tilespmem:$0x1D620] =	vst v63  }
0xab: {  	_ =	swait.ge [sflag:s24], $0x3E80  }
0xac: {  	s28 =	simm.s32 $0x1F4;
	s26 =	simm.s32 $0xFA;
	[sflag:s24] =	ssyncset.done $0x0  }
.LBB2_6:
0xad: {  	s29 =	sadd.s32 s26, s14  }
0xae: {  	[sflag:s24] =	ssyncadd.s32 $0xFFFFC180;
	s30 =	smov.u32 s28;
	s31 =	sadd.s32 $0xFA, s28  }
0xaf: {  	[tilespmem:s19], [sflag:$0x3] =	stream.linear.gather [hbm4b:s29+s4], $0x7D0, $0x38;
	[tilespmem:$0x1D620] =	vst v63  }
0xb0: {  	p0 =	sne.s32 s28, $0x1770;
	_ =	swait.ge [sflag:s17], $0x7D0  }
0xb1: {  	[sflag:s17] =	ssyncset.done $0x0  }
0xb2: {  	s28 =	sadd.s32 s26, s15;
	s26 =	smov.u32 s30;
	[sflag:s17] =	ssyncadd.s32 $0xFFFFF830  }
0xb3: {  	[tilespmem:s20], [sflag:$0x3] =	stream.linear.gather [hbm4b:s28+s4], $0x7D0, $0x38;
	[tilespmem:$0x1D620] =	vst v63  }
0xb4: {  	_ =	swait.ge [sflag:s17], $0x7D0  }
0xb5: {  	[sflag:s17] =	ssyncset.done $0x0  }
0xb6: {  	[sflag:s17] =	ssyncadd.s32 $0xFFFFF830  }
0xb7: {  	[tilespmem:s22], [sflag:$0x1] =	stream.indirect.gather [spmem:s1], $0x8, s19, s21, $0xb8;
	[tilespmem:$0x1D620] =	vst v63  }
0xb8: {  	_ =	swait.ge [sflag:s23], $0x3E80  }
.Ltmp2:
0xb9: {  	[sflag:s23] =	ssyncset.done $0x0;
	(pc) =	sbr.rel @p0 .LBB2_6-.Ltmp2, $4  }
0xba: {  	[sflag:s23] =	ssyncadd.s32 $0xFFFFC180  }
0xbb: {  	[spmem:s3] =	stream.indirect.scatter.add.f32 [tilespmem:s22], [sflag:$0x2], $0x8, s20, s21, $0xb8;
	[tilespmem:$0x1D620] =	vst v63  }
0xbc: {  	_ =	swait.ge [sflag:s24], $0x3E80  }
0xbd: {  	s28 =	smov.u32 s31;
	[sflag:s24] =	ssyncset.done $0x0  }
0xbe: {  	s28 =	sadd.s32 s26, s14;
	[sflag:s24] =	ssyncadd.s32 $0xFFFFC180  }
0xbf: {  	[tilespmem:s19], [sflag:$0x3] =	stream.linear.gather [hbm4b:s28+s4], $0x7D0, $0x38;
	[tilespmem:$0x1D620] =	vst v63  }
0xc0: {  	_ =	swait.ge [sflag:s17], $0x7D0  }
0xc1: {  	[sflag:s17] =	ssyncset.done $0x0  }
0xc2: {  	s31 =	sadd.s32 s26, s15;
	[sflag:s17] =	ssyncadd.s32 $0xFFFFF830  }
0xc3: {  	[tilespmem:s20], [sflag:$0x3] =	stream.linear.gather [hbm4b:s31+s4], $0x7D0, $0x38;
	[tilespmem:$0x1D620] =	vst v63  }
0xc4: {  	_ =	swait.ge [sflag:s17], $0x7D0  }
0xc5: {  	[sflag:s17] =	ssyncset.done $0x0  }
0xc6: {  	[sflag:s17] =	ssyncadd.s32 $0xFFFFF830  }
0xc7: {  	[tilespmem:s22], [sflag:$0x1] =	stream.indirect.gather [spmem:s1], $0x8, s19, s21, $0xb8;
	[tilespmem:$0x1D620] =	vst v63  }
0xc8: {  	_ =	swait.ge [sflag:s23], $0x3E80  }
0xc9: {  	[sflag:s23] =	ssyncset.done $0x0  }
0xca: {  	[sflag:s23] =	ssyncadd.s32 $0xFFFFC180  }
0xcb: {  	[spmem:s3] =	stream.indirect.scatter.add.f32 [tilespmem:s22], [sflag:$0x2], $0x8, s20, s21, $0xb8;
	[tilespmem:$0x1D620] =	vst v63  }
0xcc: {  	_ =	swait.ge [sflag:s24], $0x3E80  }
0xcd: {  	[sflag:s24] =	ssyncset.done $0x0  }
0xce: {  	s25 =	sadd.s32 $0x1, s25;
	[sflag:s24] =	ssyncadd.s32 $0xFFFFC180  }
0xcf: {  	p0 =	sne.s32 s25, s12;
	[bflag:$0x0] =	sbarrier.arrive $0xFFFF  }
0xd0: {  	[hbm:s11], [sflag:s6] =	dma.local [spmem:s18], $0x1880  }
.Ltmp3:
0xd1: {  	_ =	swait.ge [sflag:s17], $0x1880;
	(pc) =	sbr.rel @p0 .LBB2_1-.Ltmp3, $3  }
0xd2: {  	[sflag:s17] =	ssyncset.done $0x0  }
0xd3: {  	[sflag:s17] =	ssyncadd.s32 $0xFFFFE780  }
0xd4: {  	[bflag:$0x0] =	sbarrier.arrive $0xFFFF;
	_ =	sdelay $0x1  }
0xd5: {  	_ =	sfence.sel $0x180000  }
0xd6: {  	[bflag:$0x0] =	sbarrier.arrive $0xFFFF  }
0xd7: {  	p0 =	sne.s32 s2, $0x0;
	_ =	strace $0x9000004A  }
0xd8: {  	s0 =	sadd.s32 @!p0 $0x100000, s0;
	[bflag:$0x2] =	sbarrier.arrive $0xFFFF  }
0xd9: {  	[sflag:s0] =	ssyncadd.tile.s32 @!p0 $0x1;
	_ =	shalt  }
.Lfunc_end2:
_tile_overlayer_lowered:
.L_overlay_start_2:
0xda: {  	(tag) =	ssettag $0x2  }
0xdb: {  	s0 =	rddreg [dreg:$0x0];
	s2 =	stileid.u32  }
0xdc: {  	s1 =	rddreg [dreg:$0x1];
	p0 =	sne.s32 s2, $0x0  }
0xdd: {  	s3 =	rddreg [dreg:$0x2];
	[bflag:$0x3] =	sbarrier.arrive $0xFFFF;
	s2 =	simm.s32 @!p0 $0x1C03  }
0xde: {  	[timem:s3], [sflag:s2] =	dma.local @!p0 [hbm:s0], s1  }
0xdf: {  	s0 =	simm.s32 @!p0 $0x3  }
0xe0: {  	_ =	swait.ge @!p0 [sflag:s0], s1  }
0xe1: {  	s1 =	ssub.s32 @!p0 $0x0, s1;
	[sflag:s0] =	ssyncset.done @!p0 $0x0  }
0xe2: {  	[sflag:s0] =	ssyncadd.s32 @!p0 s1  }
0xe3: {  	[bflag:$0x3] =	sbarrier.arrive $0xFFFF  }
0xe4: {  	_ =	shalt  }

// kernel: kernel.16.cloned.1.call-start
scs
__scs_entry_jumppad:
0x0: {  	(pc) =	sbr.rel $0x88, $3  }
0x1: {  	(tag) =	ssettag $0x0;
	lr =	simm.s32 $0x1  }
0x2: {  	[smem:$0x3F96] =	sst lr;
	_ =	strace $0xD0000000  }
0x3: {  	_ = 	snop  }
0x4: {  	_ = 	snop  }
0x5: {  	_ = 	snop  }
0x6: {  	_ = 	snop  }
0x7: {  	_ = 	snop  }
__scs_overlays_trampoline_lowered:
0x8: {  	[smem:$0x3FA5] =	sst s0  }
0x9: {  	[smem:$0x3FA6] =	sst s1  }
0xa: {  	[smem:$0x3FA7] =	sst s2  }
0xb: {  	[smem:$0x3FA8] =	sst s3  }
0xc: {  	[smem:$0x3FA9] =	sst s4  }
0xd: {  	[smem:$0x3FAA] =	sst s5  }
0xe: {  	[smem:$0x3FAB] =	sst s6  }
0xf: {  	[smem:$0x3FAC] =	sst s7  }
0x10: {  	[smem:$0x3FAD] =	sst s8  }
0x11: {  	[smem:$0x3FAE] =	sst s9;
	s0 =	simm.s32 @!p0 $0x0  }
0x12: {  	s1 =	sld [smem:$0x3F94];
	s0 =	simm.s32 @p0 $0x1  }
0x13: {  	[smem:$0x3FAF] =	sst s0;
	s0 =	simm.s32 @!p1 $0x0  }
0x14: {  	s2 =	sld [smem:$0x3F93];
	s0 =	simm.s32 @p1 $0x1  }
0x15: {  	[smem:$0x3FB0] =	sst s0;
	s0 =	simm.s32 @!p2 $0x0  }
0x16: {  	s3 =	sld [smem:$0x3FDB];
	s0 =	simm.s32 @p2 $0x1  }
0x17: {  	s4 =	simm.s32 $0x1BF5;
	[smem:$0x3FB2] =	sst s0  }
0x18: {  	s0 =	sld [smem:$0x3F95];
	_ =	swait.ge [sflag:s4], $0x0  }
0x19: {  	s7 =	sld [smem:$0x3F96]  }
0x1a: {  	s8 =	sadd.s32 $0xFFFFE003, lr  }
0x1b: {  	s9 =	sadd.s32 $0xFFFFFEF7, lr;
	s5 =	simm.s32 $0xFFFFFFFF;
	p2 =	slt.u32 s8, $0xFFFFF086  }
0x1c: {  	p1 =	slt.u32 s9, $0xF7A;
	s5 =	simm.s32 @!p2 $0x0  }
0x1d: {  	s5 =	simm.s32 @p1 $0x1;
	p0 =	seq.s32 s7, s2  }
0x1e: {  	s7 =	smul.u32 @!p0 $0xF7A, s2;
	p2 =	seq.s32 @!p0 s5, $0x0  }
0x1f: {  	s9 =	smul.u32 $0xF7A, s1;
	s8 =	simm.s32 @!p0 $0x1BF5;
	p2 =	por !p2, p0  }
0x20: {  	[sflag:s8] =	ssyncset.s32 @!p0 $0xFFFFF086;
	s6 =	sadd.s32 @!p0 s3, s7;
	s7 =	simm.s32 @!p0 $0x108  }
0x21: {  	s3 =	sadd.s32 s3, s9;
	s6 =	sadd.s32 @!p0 $0x88, s6;
	s7 =	simm.s32 @p2 $0x1082  }
0x22: {  	[simem:s7], [sflag:s8] =	dma.local @!p0 [hbm:s6], $0xF7A  }
0x23: {  	s9 =	sor.u32 $0xD0000000, s2;
	s6 =	simm.s32 $0x108;
	_ =	swait.ge @!p0 [sflag:s8], $0x0  }
0x24: {  	s3 =	sadd.s32 $0x88, s3;
	s6 =	simm.s32 @!p1 $0x1082;
	[sflag:s4] =	ssyncset.s32 $0xFFFFF086  }
0x25: {  	[simem:s6], [sflag:s4] =	dma.local [hbm:s3], $0xF7A  }
0x26: {  	[smem:$0x3F96] =	sst s1;
	(tag) =	ssettag s2;
	_ =	strace s9  }
0x27: {  	s1 =	sld [smem:$0x3FA6]  }
0x28: {  	s2 =	sld [smem:$0x3FA7]  }
0x29: {  	s4 =	sld [smem:$0x3FA9]  }
0x2a: {  	p0 =	seq.s32 s5, $0x0;
	s5 =	sld [smem:$0x3FAA]  }
0x2b: {  	s6 =	sld [smem:$0x3FAB]  }
0x2c: {  	s7 =	sld [smem:$0x3FAC]  }
0x2d: {  	s3 =	simm.s32 $0x108;
	s8 =	sld [smem:$0x3FAD]  }
0x2e: {  	s3 =	simm.s32 @!p0 $0x1082;
	s9 =	sld [smem:$0x3FAE]  }
0x2f: {  	lr =	sadd.s32 s0, s3;
	s0 =	sld [smem:$0x3FA5]  }
0x30: {  	s3 =	sld [smem:$0x3FA8]  }
0x31: {  	[smem:$0x3FB1] =	sst s10  }
0x32: {  	s10 =	sld [smem:$0x3FAF];
	_ =	sdelay $0x3  }
0x33: {  	p0 =	seq.s32 s10, $0x1;
	s10 =	sld [smem:$0x3FB1];
	_ =	sdelay $0x3  }
0x34: {  	[smem:$0x3FB1] =	sst s10  }
0x35: {  	s10 =	sld [smem:$0x3FB0];
	_ =	sdelay $0x3  }
0x36: {  	p1 =	seq.s32 s10, $0x1;
	s10 =	sld [smem:$0x3FB1];
	_ =	sdelay $0x3  }
0x37: {  	[smem:$0x3FB1] =	sst s10  }
0x38: {  	s10 =	sld [smem:$0x3FB2]  }
0x39: {  	_ = 	snop;
	(pc) =	sbr.ind lr, $3  }
0x3a: {  	_ = 	snop  }
0x3b: {  	_ = 	snop  }
0x3c: {  	p2 =	seq.s32 s10, $0x1;
	s10 =	sld [smem:$0x3FB1]  }
0x3d: {  	_ =	shalt  }
0x3e: {  	_ =	shalt  }
0x3f: {  	_ =	shalt  }
0x40: {  	_ =	shalt  }
0x41: {  	_ =	shalt  }
0x42: {  	_ =	shalt  }
0x43: {  	_ =	shalt  }
0x44: {  	_ =	shalt  }
0x45: {  	_ =	shalt  }
0x46: {  	_ =	shalt  }
0x47: {  	_ =	shalt  }
0x48: {  	_ =	shalt  }
0x49: {  	_ =	shalt  }
0x4a: {  	_ =	shalt  }
0x4b: {  	_ =	shalt  }
0x4c: {  	_ =	shalt  }
0x4d: {  	_ =	shalt  }
0x4e: {  	_ =	shalt  }
0x4f: {  	_ =	shalt  }
0x50: {  	_ =	shalt  }
0x51: {  	_ =	shalt  }
0x52: {  	_ =	shalt  }
0x53: {  	_ =	shalt  }
0x54: {  	_ =	shalt  }
0x55: {  	_ =	shalt  }
0x56: {  	_ =	shalt  }
0x57: {  	_ =	shalt  }
0x58: {  	_ =	shalt  }
0x59: {  	_ =	shalt  }
0x5a: {  	_ =	shalt  }
0x5b: {  	_ =	shalt  }
0x5c: {  	_ =	shalt  }
0x5d: {  	_ =	shalt  }
0x5e: {  	_ =	shalt  }
0x5f: {  	_ =	shalt  }
0x60: {  	_ =	shalt  }
0x61: {  	_ =	shalt  }
0x62: {  	_ =	shalt  }
0x63: {  	_ =	shalt  }
0x64: {  	_ =	shalt  }
0x65: {  	_ =	shalt  }
0x66: {  	_ =	shalt  }
0x67: {  	_ =	shalt  }
0x68: {  	_ =	shalt  }
0x69: {  	_ =	shalt  }
0x6a: {  	_ =	shalt  }
0x6b: {  	_ =	shalt  }
0x6c: {  	_ =	shalt  }
0x6d: {  	_ =	shalt  }
0x6e: {  	_ =	shalt  }
0x6f: {  	_ =	shalt  }
0x70: {  	_ =	shalt  }
0x71: {  	_ =	shalt  }
0x72: {  	_ =	shalt  }
0x73: {  	_ =	shalt  }
0x74: {  	_ =	shalt  }
0x75: {  	_ =	shalt  }
0x76: {  	_ =	shalt  }
0x77: {  	_ =	shalt  }
0x78: {  	_ =	shalt  }
0x79: {  	_ =	shalt  }
0x7a: {  	_ =	shalt  }
0x7b: {  	_ =	shalt  }
0x7c: {  	_ =	shalt  }
0x7d: {  	_ =	shalt  }
0x7e: {  	_ =	shalt  }
0x7f: {  	_ =	shalt  }
0x80: {  	_ =	shalt  }
0x81: {  	_ =	shalt  }
0x82: {  	_ =	shalt  }
0x83: {  	_ =	shalt  }
0x84: {  	_ =	shalt  }
0x85: {  	_ =	shalt  }
0x86: {  	_ =	shalt  }
0x87: {  	_ =	shalt  }
.Lfunc_end0:
.L_simem_size_0:
called_computation.2_lowered:
.L_overlay_start_0:
0x88: {  	s2 =	sld [smem:$0x3FD9]  }
0x89: {  	s3 =	sld [smem:$0x3FFE];
	_ =	sdelay $0x1  }
0x8a: {  	s1 =	srdreg.scid  }
0x8b: {  	s0 =	sand.u32 $0x1, s1  }
0x8c: {  	s16 =	sshll.u32 s0, $0xA;
	s2 =	sadd.s32 s3, s2  }
0x8d: {  	s2 =	sadd.s32 s2, s16  }
0x8e: {  	[smem:$0x3FBD] =	sst s2  }
0x8f: {  	_ = 	snop  }
0x90: {  	(tm) =	ssettm $0x1  }
0x91: {  	s17 =	sld [smem:$0x3FFB];
	_ =	sdelay $0x3  }
0x92: {  	_ =	strace s17  }
0x93: {  	s2 =	sld [smem:$0x3FFC];
	_ =	sdelay $0x3  }
0x94: {  	_ =	strace s2  }
0x95: {  	s2 =	sld [smem:$0x3FFD];
	_ =	sdelay $0x3  }
0x96: {  	_ =	strace s2  }
0x97: {  	_ =	strace $0x8FFFFFFF  }
0x98: {  	s18 =	sld [smem:$0x3FDB];
	_ =	sdelay $0x1  }
0x99: {  	s19 =	simm.s32 $_scs_section_size  }
0x9a: {  	s4 =	simm.s32 $_size__tile_overlayer_lowered;
	s5 =	simm.s32 $_tile_overlayer_lowered  }
0x9b: {  	s22 =	simm.s32 $0x1BFF;
	s21 =	sshll.u32 s5, $0x1;
	s2 =	sadd.s32 s19, s18  }
0x9c: {  	s6 =	simm.s32 $0x0;
	s20 =	sshll.u32 s4, $0x1;
	s4 =	sadd.s32 s21, s2  }
0x9d: {  	[timem:s6], [sflag:s22] =	dma.local [hbm:s4], s20  }
0x9e: {  	_ =	swait.ge [sflag:s22], s20  }
0x9f: {  	s3 =	ssub.s32 $0x0, s20;
	[sflag:s22] =	ssyncset.done $0x0  }
0xa0: {  	[sflag:s22] =	ssyncadd.s32 s3;
	_ =	sdelay $0x1  }
0xa1: {  	s23 =	simm.s32 $0x1B8B  }
0xa2: {  	_ =	swait.ge [sflag:s23], $0x1  }
0xa3: {  	[sflag:s23] =	ssyncset.done $0x0  }
0xa4: {  	s25 =	simm.s32 $0x1B8E;
	s24 =	sld [smem:$0x3FFE];
	[sflag:s23] =	ssyncadd.s32 $0xFFFFFFFF  }
0xa5: {  	s26 =	simm.s32 $execute0_lowered;
	[smem:$0x3FD2] =	sst s25  }
0xa6: {  	s4 =	sshll.u32 s26, $0x1;
	_ =	strace $0x8000004C;
	[dreg:$0x1] =	wrdreg $0xFFFFFFFF  }
0xa7: {  	s28 =	simm.s32 $_size_execute0_lowered;
	s2 =	sadd.s32 s2, s4;
	[dreg:$0x0] =	wrdreg $0x0  }
0xa8: {  	s4 =	sshll.u32 s28, $0x1;
	[dreg:$0x2] =	wrdreg s2  }
0xa9: {  	[dreg:$0x3] =	wrdreg s4  }
0xaa: {  	[dreg:$0x4] =	wrdreg $0xC0  }
0xab: {  	_ =	task [dreg:s6], $0x5FFFF  }
0xac: {  	[dreg:$0x1] =	wrdreg $0xFFFFFFFF  }
0xad: {  	[dreg:$0x0] =	wrdreg $0x60  }
0xae: {  	[dreg:$0x2] =	wrdreg s24  }
0xaf: {  	[dreg:$0x3] =	wrdreg $0x0  }
0xb0: {  	[dreg:$0x4] =	wrdreg $0xC4000  }
0xb1: {  	[dreg:$0x5] =	wrdreg $0x9  }
0xb2: {  	_ =	task.clear_ibuf [dreg:s6], $0x6FFFF;
	_ =	strace $0x9000004C  }
0xb3: {  	s29 =	simm.s32 $0x9;
	_ =	strace $0x8000004E  }
0xb4: {  	_ =	swait.ge [sflag:s29], $0x1  }
0xb5: {  	[sflag:s29] =	ssyncadd.s32 $0xFFFFFFFF  }
0xb6: {  	_ =	strace $0x9000004E  }
0xb7: {  	_ =	sfence  }
0xb8: {  	s30 =	sld [smem:$0x0];
	_ =	sdelay $0x2  }
0xb9: {  	s31 =	sshll.u32 s1, $0xD;
	s1 =	sshrl.u32 s1, $0x2  }
0xba: {  	s3 =	sand.u32 $0x4000, s31;
	s1 =	sadd.s32 s1, s30  }
0xbb: {  	s0 =	sor.u32 s3, s0;
	s1 =	sshll.u32 s1, $0x11  }
0xbc: {  	s0 =	sor.u32 s1, s0  }
0xbd: {  	s0 =	sadd.s32 $0x8F2B, s0  }
0xbe: {  	[sflag:s0] =	ssyncadd.remote.s32 $0x1  }
0xbf: {  	_ =	sfence.sel $0xFFFF  }
0xc0: {  	[dreg:$0x0] =	wrdreg $0xFFFFFFFF;
	(pc) =	sbr.abs _section_cstart, $3  }
0xc1: {  	[dreg:$0x1] =	wrdreg $0xFFFFFFFF  }
0xc2: {  	_ =	task.clear_ibuf [dreg:s6], $0x2FFFF;
	_ =	strace $0x9FFFFFFF  }
0xc3: {  	(tm) =	ssettm $0x7FFFFFFF  }
tec
execute0_lowered:
.L_overlay_start_1:
0x0: {  	(tag) =	ssettag $0x1  }
0x1: {  	s5 =	rddreg [dreg:$0x0]  }
0x2: {  	s1 =	rddreg [dreg:$0x1]  }
0x3: {  	s3 =	rddreg [dreg:$0x2]  }
0x4: {  	s0 =	rddreg [dreg:$0x3];
	s4 =	simm.s32 $0x0;
	s6 =	srdreg.scid  }
0x5: {  	s2 =	stileid.u32;
	s20 =	simm.s32 $0x18FD0;
	s21 =	simm.s32 $0x7D0  }
0x6: {  	s22 =	simm.s32 $0x197A0;
	s23 =	simm.s32 $0x1;
	s24 =	simm.s32 $0x2  }
0x7: {  	s25 =	simm.s32 $0x0;
	[smem:$0x7FF] =	sst s4;
	s9 =	smul.u32 $0xC400, s2  }
0x8: {  	s8 =	sand.u32 $0x1, s6;
	s10 =	sadd.s32 $0x172800, s5;
	s17 =	smul.u32 $0xC350, s2  }
0x9: {  	s15 =	sadd.s32 $0x3400, s5;
	s11 =	sadd.s32 $0x65000, s5;
	s31 =	smul.u32 $0x30D4, s2  }
0xa: {  	s30 =	sshll.u32 s2, $0x6;
	s6 =	smul.u32 $0xC4000, s8;
	s7 =	ssub.s32 $0x2, s8  }
0xb: {  	_ =	strace $0x8000004D;
	s14 =	smul.u32 $0xC3500, s8;
	s29 =	sshrl.u32 s7, $0x1  }
0xc: {  	s16 =	sadd.s32 s9, s1;
	s18 =	sadd.s32 s9, s3;
	s19 =	sshrl.u32 s9, $0x3  }
0xd: {  	s6 =	sadd.s32 s9, s6;
	s12 =	ssub.s32 s7, s29;
	s14 =	sadd.s32 s17, s14  }
0xe: {  	s16 =	sshrl.u32 s16, $0x3;
	s18 =	sshrl.u32 s18, $0x3;
	s13 =	sshrl.u32 s6, $0x3  }
0xf: {  	s6 =	sor.u32 $0x1C03, s30;
	s12 =	smax.u32 s12, $0x1;
	s17 =	sadd.s32 $0x186A00, s14  }
0x10: {  	s14 =	sshrl.u32 s14, $0x3;
	s5 =	sadd.s32 s10, s13;
	s7 =	sadd.s32 s11, s13  }
0x11: {  	s13 =	sadd.s32 $0x31000, s13;
	s17 =	sshrl.u32 s17, $0x3;
	s14 =	sadd.s32 s14, s15  }
0x12: {  	s8 =	sadd.s32 s10, s13;
	s9 =	sadd.s32 s11, s13;
	s10 =	sadd.s32 s10, s19  }
0x13: {  	s11 =	sadd.s32 $0x62000, s7;
	s13 =	sadd.s32 s31, s15;
	s15 =	sadd.s32 s17, s15  }
0x14: {  	s17 =	simm.s32 $0x3;
	s19 =	simm.s32 $0x18800;
	s10 =	sadd.s32 $0x62000, s10  }
.LBB2_1:
0x15: {  	[spmem:s16], [sflag:s6] =	dma.local [hbm:s5], $0x1880  }
0x16: {  	_ =	swait.ge [sflag:s17], $0x1880  }
0x17: {  	[sflag:s17] =	ssyncset.done $0x0  }
0x18: {  	[sflag:s17] =	ssyncadd.s32 $0xFFFFE780  }
0x19: {  	[spmem:s18], [sflag:s6] =	dma.local [hbm:s5], $0x1880  }
0x1a: {  	_ =	swait.ge [sflag:s17], $0x1880  }
0x1b: {  	[sflag:s17] =	ssyncset.done $0x0  }
0x1c: {  	[sflag:s17] =	ssyncadd.s32 $0xFFFFE780  }
0x1d: {  	s26 =	sadd.s32 $0x0, s13;
	[bflag:$0x0] =	sbarrier.arrive $0xFFFF  }
0x1e: {  	[tilespmem:s19], [sflag:$0x3] =	stream.linear.gather [hbm4b:s26+s4], $0x7D0, $0x38;
	[tilespmem:$0x1D620] =	vst v63  }
0x1f: {  	_ =	swait.ge [sflag:s17], $0x7D0  }
0x20: {  	[sflag:s17] =	ssyncset.done $0x0  }
0x21: {  	s26 =	sadd.s32 $0x30D40, s26;
	[sflag:s17] =	ssyncadd.s32 $0xFFFFF830  }
0x22: {  	[tilespmem:s20], [sflag:$0x3] =	stream.linear.gather [hbm4b:s26+s4], $0x7D0, $0x38;
	[tilespmem:$0x1D620] =	vst v63  }
0x23: {  	_ =	swait.ge [sflag:s17], $0x7D0  }
0x24: {  	[sflag:s17] =	ssyncset.done $0x0  }
0x25: {  	[sflag:s17] =	ssyncadd.s32 $0xFFFFF830  }
0x26: {  	[tilespmem:s22], [sflag:$0x1] =	stream.indirect.gather [spmem:s1], $0x8, s19, s21, $0xb8;
	[tilespmem:$0x1D620] =	vst v63  }
0x27: {  	_ =	swait.ge [sflag:s23], $0x3E80  }
0x28: {  	[sflag:s23] =	ssyncset.done $0x0  }
0x29: {  	[sflag:s23] =	ssyncadd.s32 $0xFFFFC180  }
0x2a: {  	[spmem:s3] =	stream.indirect.scatter.add.f32 [tilespmem:s22], [sflag:$0x2], $0x8, s20, s21, $0xb8;
	[tilespmem:$0x1D620] =	vst v63  }
0x2b: {  	_ =	swait.ge [sflag:s24], $0x3E80  }
0x2c: {  	s28 =	simm.s32 $0x1F4;
	s26 =	simm.s32 $0xFA;
	[sflag:s24] =	ssyncset.done $0x0  }
.LBB2_2:
0x2d: {  	s29 =	sadd.s32 s26, s13  }
0x2e: {  	[sflag:s24] =	ssyncadd.s32 $0xFFFFC180;
	s26 =	smov.u32 s28;
	s30 =	sadd.s32 $0xFA, s28  }
0x2f: {  	[tilespmem:s19], [sflag:$0x3] =	stream.linear.gather [hbm4b:s29+s4], $0x7D0, $0x38;
	[tilespmem:$0x1D620] =	vst v63  }
0x30: {  	p0 =	sne.s32 s28, $0x2FDA;
	_ =	swait.ge [sflag:s17], $0x7D0  }
0x31: {  	[sflag:s17] =	ssyncset.done $0x0  }
0x32: {  	s28 =	sadd.s32 $0x30D40, s29;
	[sflag:s17] =	ssyncadd.s32 $0xFFFFF830  }
0x33: {  	[tilespmem:s20], [sflag:$0x3] =	stream.linear.gather [hbm4b:s28+s4], $0x7D0, $0x38;
	[tilespmem:$0x1D620] =	vst v63  }
0x34: {  	_ =	swait.ge [sflag:s17], $0x7D0  }
0x35: {  	[sflag:s17] =	ssyncset.done $0x0  }
0x36: {  	[sflag:s17] =	ssyncadd.s32 $0xFFFFF830  }
0x37: {  	[tilespmem:s22], [sflag:$0x1] =	stream.indirect.gather [spmem:s1], $0x8, s19, s21, $0xb8;
	[tilespmem:$0x1D620] =	vst v63  }
0x38: {  	_ =	swait.ge [sflag:s23], $0x3E80  }
.Ltmp0:
0x39: {  	[sflag:s23] =	ssyncset.done $0x0;
	(pc) =	sbr.rel @p0 .LBB2_2-.Ltmp0, $4  }
0x3a: {  	[sflag:s23] =	ssyncadd.s32 $0xFFFFC180  }
0x3b: {  	[spmem:s3] =	stream.indirect.scatter.add.f32 [tilespmem:s22], [sflag:$0x2], $0x8, s20, s21, $0xb8;
	[tilespmem:$0x1D620] =	vst v63  }
0x3c: {  	_ =	swait.ge [sflag:s24], $0x3E80  }
0x3d: {  	s28 =	smov.u32 s30;
	[sflag:s24] =	ssyncset.done $0x0  }
0x3e: {  	s26 =	sadd.s32 s26, s13;
	[sflag:s24] =	ssyncadd.s32 $0xFFFFC180  }
0x3f: {  	[tilespmem:s19], [sflag:$0x3] =	stream.linear.gather [hbm4b:s26+s4], $0x7D0, $0x38;
	[tilespmem:$0x1D620] =	vst v63  }
0x40: {  	_ =	swait.ge [sflag:s17], $0x7D0  }
0x41: {  	[sflag:s17] =	ssyncset.done $0x0  }
0x42: {  	s26 =	sadd.s32 $0x30D40, s26;
	[sflag:s17] =	ssyncadd.s32 $0xFFFFF830  }
0x43: {  	[tilespmem:s20], [sflag:$0x3] =	stream.linear.gather [hbm4b:s26+s4], $0x7D0, $0x38;
	[tilespmem:$0x1D620] =	vst v63  }
0x44: {  	_ =	swait.ge [sflag:s17], $0x7D0  }
0x45: {  	[sflag:s17] =	ssyncset.done $0x0  }
0x46: {  	[sflag:s17] =	ssyncadd.s32 $0xFFFFF830  }
0x47: {  	[tilespmem:s22], [sflag:$0x1] =	stream.indirect.gather [spmem:s1], $0x8, s19, s21, $0xb8;
	[tilespmem:$0x1D620] =	vst v63  }
0x48: {  	_ =	swait.ge [sflag:s23], $0x3E80  }
0x49: {  	[sflag:s23] =	ssyncset.done $0x0  }
0x4a: {  	[sflag:s23] =	ssyncadd.s32 $0xFFFFC180  }
0x4b: {  	[spmem:s3] =	stream.indirect.scatter.add.f32 [tilespmem:s22], [sflag:$0x2], $0x8, s20, s21, $0xb8;
	[tilespmem:$0x1D620] =	vst v63  }
0x4c: {  	_ =	swait.ge [sflag:s24], $0x3E80  }
0x4d: {  	[sflag:s24] =	ssyncset.done $0x0  }
0x4e: {  	[sflag:s24] =	ssyncadd.s32 $0xFFFFC180  }
0x4f: {  	[bflag:$0x0] =	sbarrier.arrive $0xFFFF  }
0x50: {  	[hbm:s7], [sflag:s6] =	dma.local [spmem:s18], $0x1880  }
0x51: {  	_ =	swait.ge [sflag:s17], $0x1880  }
0x52: {  	[sflag:s17] =	ssyncset.done $0x0  }
0x53: {  	[sflag:s17] =	ssyncadd.s32 $0xFFFFE780  }
0x54: {  	[bflag:$0x0] =	sbarrier.arrive $0xFFFF  }
0x55: {  	[spmem:s16], [sflag:s6] =	dma.local [hbm:s8], $0x1880  }
0x56: {  	_ =	swait.ge [sflag:s17], $0x1880  }
0x57: {  	[sflag:s17] =	ssyncset.done $0x0  }
0x58: {  	[sflag:s17] =	ssyncadd.s32 $0xFFFFE780  }
0x59: {  	[spmem:s18], [sflag:s6] =	dma.local [hbm:s8], $0x1880  }
0x5a: {  	_ =	swait.ge [sflag:s17], $0x1880  }
0x5b: {  	[sflag:s17] =	ssyncset.done $0x0  }
0x5c: {  	[sflag:s17] =	ssyncadd.s32 $0xFFFFE780  }
0x5d: {  	s31 =	sadd.s32 $0x0, s13;
	[bflag:$0x0] =	sbarrier.arrive $0xFFFF  }
0x5e: {  	[tilespmem:s19], [sflag:$0x3] =	stream.linear.gather [hbm4b:s31+s4], $0x7D0, $0x38;
	[tilespmem:$0x1D620] =	vst v63  }
0x5f: {  	_ =	swait.ge [sflag:s17], $0x7D0  }
0x60: {  	[sflag:s17] =	ssyncset.done $0x0  }
0x61: {  	s26 =	sadd.s32 $0x30D40, s31;
	[sflag:s17] =	ssyncadd.s32 $0xFFFFF830  }
0x62: {  	[tilespmem:s20], [sflag:$0x3] =	stream.linear.gather [hbm4b:s26+s4], $0x7D0, $0x38;
	[tilespmem:$0x1D620] =	vst v63  }
0x63: {  	_ =	swait.ge [sflag:s17], $0x7D0  }
0x64: {  	[sflag:s17] =	ssyncset.done $0x0  }
0x65: {  	[sflag:s17] =	ssyncadd.s32 $0xFFFFF830  }
0x66: {  	[tilespmem:s22], [sflag:$0x1] =	stream.indirect.gather [spmem:s1], $0x8, s19, s21, $0xb8;
	[tilespmem:$0x1D620] =	vst v63  }
0x67: {  	_ =	swait.ge [sflag:s23], $0x3E80  }
0x68: {  	[sflag:s23] =	ssyncset.done $0x0  }
0x69: {  	[sflag:s23] =	ssyncadd.s32 $0xFFFFC180  }
0x6a: {  	[spmem:s3] =	stream.indirect.scatter.add.f32 [tilespmem:s22], [sflag:$0x2], $0x8, s20, s21, $0xb8;
	[tilespmem:$0x1D620] =	vst v63  }
0x6b: {  	_ =	swait.ge [sflag:s24], $0x3E80  }
0x6c: {  	s28 =	simm.s32 $0x1F4;
	s26 =	simm.s32 $0xFA;
	[sflag:s24] =	ssyncset.done $0x0  }
.LBB2_4:
0x6d: {  	s29 =	sadd.s32 s26, s13  }
0x6e: {  	[sflag:s24] =	ssyncadd.s32 $0xFFFFC180;
	s26 =	smov.u32 s28;
	s30 =	sadd.s32 $0xFA, s28  }
0x6f: {  	[tilespmem:s19], [sflag:$0x3] =	stream.linear.gather [hbm4b:s29+s4], $0x7D0, $0x38;
	[tilespmem:$0x1D620] =	vst v63  }
0x70: {  	p0 =	sne.s32 s28, $0x2FDA;
	_ =	swait.ge [sflag:s17], $0x7D0  }
0x71: {  	[sflag:s17] =	ssyncset.done $0x0  }
0x72: {  	s28 =	sadd.s32 $0x30D40, s29;
	[sflag:s17] =	ssyncadd.s32 $0xFFFFF830  }
0x73: {  	[tilespmem:s20], [sflag:$0x3] =	stream.linear.gather [hbm4b:s28+s4], $0x7D0, $0x38;
	[tilespmem:$0x1D620] =	vst v63  }
0x74: {  	_ =	swait.ge [sflag:s17], $0x7D0  }
0x75: {  	[sflag:s17] =	ssyncset.done $0x0  }
0x76: {  	[sflag:s17] =	ssyncadd.s32 $0xFFFFF830  }
0x77: {  	[tilespmem:s22], [sflag:$0x1] =	stream.indirect.gather [spmem:s1], $0x8, s19, s21, $0xb8;
	[tilespmem:$0x1D620] =	vst v63  }
0x78: {  	_ =	swait.ge [sflag:s23], $0x3E80  }
.Ltmp1:
0x79: {  	[sflag:s23] =	ssyncset.done $0x0;
	(pc) =	sbr.rel @p0 .LBB2_4-.Ltmp1, $4  }
0x7a: {  	[sflag:s23] =	ssyncadd.s32 $0xFFFFC180  }
0x7b: {  	[spmem:s3] =	stream.indirect.scatter.add.f32 [tilespmem:s22], [sflag:$0x2], $0x8, s20, s21, $0xb8;
	[tilespmem:$0x1D620] =	vst v63  }
0x7c: {  	_ =	swait.ge [sflag:s24], $0x3E80  }
0x7d: {  	s28 =	smov.u32 s30;
	[sflag:s24] =	ssyncset.done $0x0  }
0x7e: {  	s26 =	sadd.s32 s26, s13;
	[sflag:s24] =	ssyncadd.s32 $0xFFFFC180  }
0x7f: {  	[tilespmem:s19], [sflag:$0x3] =	stream.linear.gather [hbm4b:s26+s4], $0x7D0, $0x38;
	[tilespmem:$0x1D620] =	vst v63  }
0x80: {  	_ =	swait.ge [sflag:s17], $0x7D0  }
0x81: {  	[sflag:s17] =	ssyncset.done $0x0  }
0x82: {  	s26 =	sadd.s32 $0x30D40, s26;
	[sflag:s17] =	ssyncadd.s32 $0xFFFFF830  }
0x83: {  	[tilespmem:s20], [sflag:$0x3] =	stream.linear.gather [hbm4b:s26+s4], $0x7D0, $0x38;
	[tilespmem:$0x1D620] =	vst v63  }
0x84: {  	_ =	swait.ge [sflag:s17], $0x7D0  }
0x85: {  	[sflag:s17] =	ssyncset.done $0x0  }
0x86: {  	[sflag:s17] =	ssyncadd.s32 $0xFFFFF830  }
0x87: {  	[tilespmem:s22], [sflag:$0x1] =	stream.indirect.gather [spmem:s1], $0x8, s19, s21, $0xb8;
	[tilespmem:$0x1D620] =	vst v63  }
0x88: {  	_ =	swait.ge [sflag:s23], $0x3E80  }
0x89: {  	[sflag:s23] =	ssyncset.done $0x0  }
0x8a: {  	[sflag:s23] =	ssyncadd.s32 $0xFFFFC180  }
0x8b: {  	[spmem:s3] =	stream.indirect.scatter.add.f32 [tilespmem:s22], [sflag:$0x2], $0x8, s20, s21, $0xb8;
	[tilespmem:$0x1D620] =	vst v63  }
0x8c: {  	_ =	swait.ge [sflag:s24], $0x3E80  }
0x8d: {  	[sflag:s24] =	ssyncset.done $0x0  }
0x8e: {  	[sflag:s24] =	ssyncadd.s32 $0xFFFFC180  }
0x8f: {  	[bflag:$0x0] =	sbarrier.arrive $0xFFFF  }
0x90: {  	[hbm:s9], [sflag:s6] =	dma.local [spmem:s18], $0x1880  }
0x91: {  	_ =	swait.ge [sflag:s17], $0x1880  }
0x92: {  	[sflag:s17] =	ssyncset.done $0x0  }
0x93: {  	[sflag:s17] =	ssyncadd.s32 $0xFFFFE780  }
0x94: {  	[bflag:$0x0] =	sbarrier.arrive $0xFFFF  }
0x95: {  	[spmem:s16], [sflag:s6] =	dma.local [hbm:s10], $0x1880  }
0x96: {  	_ =	swait.ge [sflag:s17], $0x1880  }
0x97: {  	[sflag:s17] =	ssyncset.done $0x0  }
0x98: {  	[sflag:s17] =	ssyncadd.s32 $0xFFFFE780  }
0x99: {  	[spmem:s18], [sflag:s6] =	dma.local [hbm:s10], $0x1880  }
0x9a: {  	_ =	swait.ge [sflag:s17], $0x1880  }
0x9b: {  	[sflag:s17] =	ssyncset.done $0x0  }
0x9c: {  	[sflag:s17] =	ssyncadd.s32 $0xFFFFE780  }
0x9d: {  	s30 =	sadd.s32 $0x0, s14;
	[bflag:$0x0] =	sbarrier.arrive $0xFFFF  }
0x9e: {  	[tilespmem:s19], [sflag:$0x3] =	stream.linear.gather [hbm4b:s30+s4], $0x7D0, $0x38;
	[tilespmem:$0x1D620] =	vst v63  }
0x9f: {  	_ =	swait.ge [sflag:s17], $0x7D0  }
0xa0: {  	[sflag:s17] =	ssyncset.done $0x0  }
0xa1: {  	s31 =	sadd.s32 $0x0, s15;
	[sflag:s17] =	ssyncadd.s32 $0xFFFFF830  }
0xa2: {  	[tilespmem:s20], [sflag:$0x3] =	stream.linear.gather [hbm4b:s31+s4], $0x7D0, $0x38;
	[tilespmem:$0x1D620] =	vst v63  }
0xa3: {  	_ =	swait.ge [sflag:s17], $0x7D0  }
0xa4: {  	[sflag:s17] =	ssyncset.done $0x0  }
0xa5: {  	[sflag:s17] =	ssyncadd.s32 $0xFFFFF830  }
0xa6: {  	[tilespmem:s22], [sflag:$0x1] =	stream.indirect.gather [spmem:s1], $0x8, s19, s21, $0xb8;
	[tilespmem:$0x1D620] =	vst v63  }
0xa7: {  	_ =	swait.ge [sflag:s23], $0x3E80  }
0xa8: {  	[sflag:s23] =	ssyncset.done $0x0  }
0xa9: {  	[sflag:s23] =	ssyncadd.s32 $0xFFFFC180  }
0xaa: {  	[spmem:s3] =	stream.indirect.scatter.add.f32 [tilespmem:s22], [sflag:$0x2], $0x8, s20, s21, $0xb8;
	[tilespmem:$0x1D620] =	vst v63  }
0xab: {  	_ =	swait.ge [sflag:s24], $0x3E80  }
0xac: {  	s28 =	simm.s32 $0x1F4;
	s26 =	simm.s32 $0xFA;
	[sflag:s24] =	ssyncset.done $0x0  }
.LBB2_6:
0xad: {  	s29 =	sadd.s32 s26, s14  }
0xae: {  	[sflag:s24] =	ssyncadd.s32 $0xFFFFC180;
	s30 =	smov.u32 s28;
	s31 =	sadd.s32 $0xFA, s28  }
0xaf: {  	[tilespmem:s19], [sflag:$0x3] =	stream.linear.gather [hbm4b:s29+s4], $0x7D0, $0x38;
	[tilespmem:$0x1D620] =	vst v63  }
0xb0: {  	p0 =	sne.s32 s28, $0x1770;
	_ =	swait.ge [sflag:s17], $0x7D0  }
0xb1: {  	[sflag:s17] =	ssyncset.done $0x0  }
0xb2: {  	s28 =	sadd.s32 s26, s15;
	s26 =	smov.u32 s30;
	[sflag:s17] =	ssyncadd.s32 $0xFFFFF830  }
0xb3: {  	[tilespmem:s20], [sflag:$0x3] =	stream.linear.gather [hbm4b:s28+s4], $0x7D0, $0x38;
	[tilespmem:$0x1D620] =	vst v63  }
0xb4: {  	_ =	swait.ge [sflag:s17], $0x7D0  }
0xb5: {  	[sflag:s17] =	ssyncset.done $0x0  }
0xb6: {  	[sflag:s17] =	ssyncadd.s32 $0xFFFFF830  }
0xb7: {  	[tilespmem:s22], [sflag:$0x1] =	stream.indirect.gather [spmem:s1], $0x8, s19, s21, $0xb8;
	[tilespmem:$0x1D620] =	vst v63  }
0xb8: {  	_ =	swait.ge [sflag:s23], $0x3E80  }
.Ltmp2:
0xb9: {  	[sflag:s23] =	ssyncset.done $0x0;
	(pc) =	sbr.rel @p0 .LBB2_6-.Ltmp2, $4  }
0xba: {  	[sflag:s23] =	ssyncadd.s32 $0xFFFFC180  }
0xbb: {  	[spmem:s3] =	stream.indirect.scatter.add.f32 [tilespmem:s22], [sflag:$0x2], $0x8, s20, s21, $0xb8;
	[tilespmem:$0x1D620] =	vst v63  }
0xbc: {  	_ =	swait.ge [sflag:s24], $0x3E80  }
0xbd: {  	s28 =	smov.u32 s31;
	[sflag:s24] =	ssyncset.done $0x0  }
0xbe: {  	s28 =	sadd.s32 s26, s14;
	[sflag:s24] =	ssyncadd.s32 $0xFFFFC180  }
0xbf: {  	[tilespmem:s19], [sflag:$0x3] =	stream.linear.gather [hbm4b:s28+s4], $0x7D0, $0x38;
	[tilespmem:$0x1D620] =	vst v63  }
0xc0: {  	_ =	swait.ge [sflag:s17], $0x7D0  }
0xc1: {  	[sflag:s17] =	ssyncset.done $0x0  }
0xc2: {  	s31 =	sadd.s32 s26, s15;
	[sflag:s17] =	ssyncadd.s32 $0xFFFFF830  }
0xc3: {  	[tilespmem:s20], [sflag:$0x3] =	stream.linear.gather [hbm4b:s31+s4], $0x7D0, $0x38;
	[tilespmem:$0x1D620] =	vst v63  }
0xc4: {  	_ =	swait.ge [sflag:s17], $0x7D0  }
0xc5: {  	[sflag:s17] =	ssyncset.done $0x0  }
0xc6: {  	[sflag:s17] =	ssyncadd.s32 $0xFFFFF830  }
0xc7: {  	[tilespmem:s22], [sflag:$0x1] =	stream.indirect.gather [spmem:s1], $0x8, s19, s21, $0xb8;
	[tilespmem:$0x1D620] =	vst v63  }
0xc8: {  	_ =	swait.ge [sflag:s23], $0x3E80  }
0xc9: {  	[sflag:s23] =	ssyncset.done $0x0  }
0xca: {  	[sflag:s23] =	ssyncadd.s32 $0xFFFFC180  }
0xcb: {  	[spmem:s3] =	stream.indirect.scatter.add.f32 [tilespmem:s22], [sflag:$0x2], $0x8, s20, s21, $0xb8;
	[tilespmem:$0x1D620] =	vst v63  }
0xcc: {  	_ =	swait.ge [sflag:s24], $0x3E80  }
0xcd: {  	[sflag:s24] =	ssyncset.done $0x0  }
0xce: {  	s25 =	sadd.s32 $0x1, s25;
	[sflag:s24] =	ssyncadd.s32 $0xFFFFC180  }
0xcf: {  	p0 =	sne.s32 s25, s12;
	[bflag:$0x0] =	sbarrier.arrive $0xFFFF  }
0xd0: {  	[hbm:s11], [sflag:s6] =	dma.local [spmem:s18], $0x1880  }
.Ltmp3:
0xd1: {  	_ =	swait.ge [sflag:s17], $0x1880;
	(pc) =	sbr.rel @p0 .LBB2_1-.Ltmp3, $3  }
0xd2: {  	[sflag:s17] =	ssyncset.done $0x0  }
0xd3: {  	[sflag:s17] =	ssyncadd.s32 $0xFFFFE780  }
0xd4: {  	[bflag:$0x0] =	sbarrier.arrive $0xFFFF;
	_ =	sdelay $0x1  }
0xd5: {  	_ =	sfence.sel $0x180000  }
0xd6: {  	[bflag:$0x0] =	sbarrier.arrive $0xFFFF  }
0xd7: {  	p0 =	sne.s32 s2, $0x0;
	_ =	strace $0x9000004D  }
0xd8: {  	s0 =	sadd.s32 @!p0 $0x100000, s0;
	[bflag:$0x2] =	sbarrier.arrive $0xFFFF  }
0xd9: {  	[sflag:s0] =	ssyncadd.tile.s32 @!p0 $0x1;
	_ =	shalt  }
.Lfunc_end2:
_tile_overlayer_lowered:
.L_overlay_start_2:
0xda: {  	(tag) =	ssettag $0x2  }
0xdb: {  	s0 =	rddreg [dreg:$0x0];
	s2 =	stileid.u32  }
0xdc: {  	s1 =	rddreg [dreg:$0x1];
	p0 =	sne.s32 s2, $0x0  }
0xdd: {  	s3 =	rddreg [dreg:$0x2];
	[bflag:$0x3] =	sbarrier.arrive $0xFFFF;
	s2 =	simm.s32 @!p0 $0x1C03  }
0xde: {  	[timem:s3], [sflag:s2] =	dma.local @!p0 [hbm:s0], s1  }
0xdf: {  	s0 =	simm.s32 @!p0 $0x3  }
0xe0: {  	_ =	swait.ge @!p0 [sflag:s0], s1  }
0xe1: {  	s1 =	ssub.s32 @!p0 $0x0, s1;
	[sflag:s0] =	ssyncset.done @!p0 $0x0  }
0xe2: {  	[sflag:s0] =	ssyncadd.s32 @!p0 s1  }
0xe3: {  	[bflag:$0x3] =	sbarrier.arrive $0xFFFF  }
0xe4: {  	_ =	shalt  }

// kernel: kernel.19.cloned.1.call-start
scs
__scs_entry_jumppad:
0x0: {  	(pc) =	sbr.rel $0x88, $3  }
0x1: {  	(tag) =	ssettag $0x0;
	lr =	simm.s32 $0x1  }
0x2: {  	[smem:$0x3F96] =	sst lr;
	_ =	strace $0xD0000000  }
0x3: {  	_ = 	snop  }
0x4: {  	_ = 	snop  }
0x5: {  	_ = 	snop  }
0x6: {  	_ = 	snop  }
0x7: {  	_ = 	snop  }
__scs_overlays_trampoline_lowered:
0x8: {  	[smem:$0x3FA5] =	sst s0  }
0x9: {  	[smem:$0x3FA6] =	sst s1  }
0xa: {  	[smem:$0x3FA7] =	sst s2  }
0xb: {  	[smem:$0x3FA8] =	sst s3  }
0xc: {  	[smem:$0x3FA9] =	sst s4  }
0xd: {  	[smem:$0x3FAA] =	sst s5  }
0xe: {  	[smem:$0x3FAB] =	sst s6  }
0xf: {  	[smem:$0x3FAC] =	sst s7  }
0x10: {  	[smem:$0x3FAD] =	sst s8  }
0x11: {  	[smem:$0x3FAE] =	sst s9;
	s0 =	simm.s32 @!p0 $0x0  }
0x12: {  	s1 =	sld [smem:$0x3F94];
	s0 =	simm.s32 @p0 $0x1  }
0x13: {  	[smem:$0x3FAF] =	sst s0;
	s0 =	simm.s32 @!p1 $0x0  }
0x14: {  	s2 =	sld [smem:$0x3F93];
	s0 =	simm.s32 @p1 $0x1  }
0x15: {  	[smem:$0x3FB0] =	sst s0;
	s0 =	simm.s32 @!p2 $0x0  }
0x16: {  	s3 =	sld [smem:$0x3FDB];
	s0 =	simm.s32 @p2 $0x1  }
0x17: {  	s4 =	simm.s32 $0x1BF5;
	[smem:$0x3FB2] =	sst s0  }
0x18: {  	s0 =	sld [smem:$0x3F95];
	_ =	swait.ge [sflag:s4], $0x0  }
0x19: {  	s7 =	sld [smem:$0x3F96]  }
0x1a: {  	s8 =	sadd.s32 $0xFFFFE003, lr  }
0x1b: {  	s9 =	sadd.s32 $0xFFFFFEF7, lr;
	s5 =	simm.s32 $0xFFFFFFFF;
	p2 =	slt.u32 s8, $0xFFFFF086  }
0x1c: {  	p1 =	slt.u32 s9, $0xF7A;
	s5 =	simm.s32 @!p2 $0x0  }
0x1d: {  	s5 =	simm.s32 @p1 $0x1;
	p0 =	seq.s32 s7, s2  }
0x1e: {  	s7 =	smul.u32 @!p0 $0xF7A, s2;
	p2 =	seq.s32 @!p0 s5, $0x0  }
0x1f: {  	s9 =	smul.u32 $0xF7A, s1;
	s8 =	simm.s32 @!p0 $0x1BF5;
	p2 =	por !p2, p0  }
0x20: {  	[sflag:s8] =	ssyncset.s32 @!p0 $0xFFFFF086;
	s6 =	sadd.s32 @!p0 s3, s7;
	s7 =	simm.s32 @!p0 $0x108  }
0x21: {  	s3 =	sadd.s32 s3, s9;
	s6 =	sadd.s32 @!p0 $0x88, s6;
	s7 =	simm.s32 @p2 $0x1082  }
0x22: {  	[simem:s7], [sflag:s8] =	dma.local @!p0 [hbm:s6], $0xF7A  }
0x23: {  	s9 =	sor.u32 $0xD0000000, s2;
	s6 =	simm.s32 $0x108;
	_ =	swait.ge @!p0 [sflag:s8], $0x0  }
0x24: {  	s3 =	sadd.s32 $0x88, s3;
	s6 =	simm.s32 @!p1 $0x1082;
	[sflag:s4] =	ssyncset.s32 $0xFFFFF086  }
0x25: {  	[simem:s6], [sflag:s4] =	dma.local [hbm:s3], $0xF7A  }
0x26: {  	[smem:$0x3F96] =	sst s1;
	(tag) =	ssettag s2;
	_ =	strace s9  }
0x27: {  	s1 =	sld [smem:$0x3FA6]  }
0x28: {  	s2 =	sld [smem:$0x3FA7]  }
0x29: {  	s4 =	sld [smem:$0x3FA9]  }
0x2a: {  	p0 =	seq.s32 s5, $0x0;
	s5 =	sld [smem:$0x3FAA]  }
0x2b: {  	s6 =	sld [smem:$0x3FAB]  }
0x2c: {  	s7 =	sld [smem:$0x3FAC]  }
0x2d: {  	s3 =	simm.s32 $0x108;
	s8 =	sld [smem:$0x3FAD]  }
0x2e: {  	s3 =	simm.s32 @!p0 $0x1082;
	s9 =	sld [smem:$0x3FAE]  }
0x2f: {  	lr =	sadd.s32 s0, s3;
	s0 =	sld [smem:$0x3FA5]  }
0x30: {  	s3 =	sld [smem:$0x3FA8]  }
0x31: {  	[smem:$0x3FB1] =	sst s10  }
0x32: {  	s10 =	sld [smem:$0x3FAF];
	_ =	sdelay $0x3  }
0x33: {  	p0 =	seq.s32 s10, $0x1;
	s10 =	sld [smem:$0x3FB1];
	_ =	sdelay $0x3  }
0x34: {  	[smem:$0x3FB1] =	sst s10  }
0x35: {  	s10 =	sld [smem:$0x3FB0];
	_ =	sdelay $0x3  }
0x36: {  	p1 =	seq.s32 s10, $0x1;
	s10 =	sld [smem:$0x3FB1];
	_ =	sdelay $0x3  }
0x37: {  	[smem:$0x3FB1] =	sst s10  }
0x38: {  	s10 =	sld [smem:$0x3FB2]  }
0x39: {  	_ = 	snop;
	(pc) =	sbr.ind lr, $3  }
0x3a: {  	_ = 	snop  }
0x3b: {  	_ = 	snop  }
0x3c: {  	p2 =	seq.s32 s10, $0x1;
	s10 =	sld [smem:$0x3FB1]  }
0x3d: {  	_ =	shalt  }
0x3e: {  	_ =	shalt  }
0x3f: {  	_ =	shalt  }
0x40: {  	_ =	shalt  }
0x41: {  	_ =	shalt  }
0x42: {  	_ =	shalt  }
0x43: {  	_ =	shalt  }
0x44: {  	_ =	shalt  }
0x45: {  	_ =	shalt  }
0x46: {  	_ =	shalt  }
0x47: {  	_ =	shalt  }
0x48: {  	_ =	shalt  }
0x49: {  	_ =	shalt  }
0x4a: {  	_ =	shalt  }
0x4b: {  	_ =	shalt  }
0x4c: {  	_ =	shalt  }
0x4d: {  	_ =	shalt  }
0x4e: {  	_ =	shalt  }
0x4f: {  	_ =	shalt  }
0x50: {  	_ =	shalt  }
0x51: {  	_ =	shalt  }
0x52: {  	_ =	shalt  }
0x53: {  	_ =	shalt  }
0x54: {  	_ =	shalt  }
0x55: {  	_ =	shalt  }
0x56: {  	_ =	shalt  }
0x57: {  	_ =	shalt  }
0x58: {  	_ =	shalt  }
0x59: {  	_ =	shalt  }
0x5a: {  	_ =	shalt  }
0x5b: {  	_ =	shalt  }
0x5c: {  	_ =	shalt  }
0x5d: {  	_ =	shalt  }
0x5e: {  	_ =	shalt  }
0x5f: {  	_ =	shalt  }
0x60: {  	_ =	shalt  }
0x61: {  	_ =	shalt  }
0x62: {  	_ =	shalt  }
0x63: {  	_ =	shalt  }
0x64: {  	_ =	shalt  }
0x65: {  	_ =	shalt  }
0x66: {  	_ =	shalt  }
0x67: {  	_ =	shalt  }
0x68: {  	_ =	shalt  }
0x69: {  	_ =	shalt  }
0x6a: {  	_ =	shalt  }
0x6b: {  	_ =	shalt  }
0x6c: {  	_ =	shalt  }
0x6d: {  	_ =	shalt  }
0x6e: {  	_ =	shalt  }
0x6f: {  	_ =	shalt  }
0x70: {  	_ =	shalt  }
0x71: {  	_ =	shalt  }
0x72: {  	_ =	shalt  }
0x73: {  	_ =	shalt  }
0x74: {  	_ =	shalt  }
0x75: {  	_ =	shalt  }
0x76: {  	_ =	shalt  }
0x77: {  	_ =	shalt  }
0x78: {  	_ =	shalt  }
0x79: {  	_ =	shalt  }
0x7a: {  	_ =	shalt  }
0x7b: {  	_ =	shalt  }
0x7c: {  	_ =	shalt  }
0x7d: {  	_ =	shalt  }
0x7e: {  	_ =	shalt  }
0x7f: {  	_ =	shalt  }
0x80: {  	_ =	shalt  }
0x81: {  	_ =	shalt  }
0x82: {  	_ =	shalt  }
0x83: {  	_ =	shalt  }
0x84: {  	_ =	shalt  }
0x85: {  	_ =	shalt  }
0x86: {  	_ =	shalt  }
0x87: {  	_ =	shalt  }
.Lfunc_end0:
.L_simem_size_0:
called_computation.3_lowered:
.L_overlay_start_0:
0x88: {  	s2 =	sld [smem:$0x3FD9]  }
0x89: {  	s3 =	sld [smem:$0x3FFE];
	_ =	sdelay $0x1  }
0x8a: {  	s1 =	srdreg.scid  }
0x8b: {  	s0 =	sand.u32 $0x1, s1  }
0x8c: {  	s16 =	sshll.u32 s0, $0xA;
	s2 =	sadd.s32 s3, s2  }
0x8d: {  	s2 =	sadd.s32 s2, s16  }
0x8e: {  	[smem:$0x3FBD] =	sst s2  }
0x8f: {  	_ = 	snop  }
0x90: {  	(tm) =	ssettm $0x1  }
0x91: {  	s17 =	sld [smem:$0x3FFB];
	_ =	sdelay $0x3  }
0x92: {  	_ =	strace s17  }
0x93: {  	s2 =	sld [smem:$0x3FFC];
	_ =	sdelay $0x3  }
0x94: {  	_ =	strace s2  }
0x95: {  	s2 =	sld [smem:$0x3FFD];
	_ =	sdelay $0x3  }
0x96: {  	_ =	strace s2  }
0x97: {  	_ =	strace $0x8FFFFFFF  }
0x98: {  	s18 =	sld [smem:$0x3FDB];
	_ =	sdelay $0x1  }
0x99: {  	s19 =	simm.s32 $_scs_section_size  }
0x9a: {  	s4 =	simm.s32 $_size__tile_overlayer_lowered;
	s5 =	simm.s32 $_tile_overlayer_lowered  }
0x9b: {  	s22 =	simm.s32 $0x1BFF;
	s21 =	sshll.u32 s5, $0x1;
	s2 =	sadd.s32 s19, s18  }
0x9c: {  	s6 =	simm.s32 $0x0;
	s20 =	sshll.u32 s4, $0x1;
	s4 =	sadd.s32 s21, s2  }
0x9d: {  	[timem:s6], [sflag:s22] =	dma.local [hbm:s4], s20  }
0x9e: {  	_ =	swait.ge [sflag:s22], s20  }
0x9f: {  	s3 =	ssub.s32 $0x0, s20;
	[sflag:s22] =	ssyncset.done $0x0  }
0xa0: {  	[sflag:s22] =	ssyncadd.s32 s3;
	_ =	sdelay $0x1  }
0xa1: {  	s23 =	simm.s32 $0x1B8B  }
0xa2: {  	_ =	swait.ge [sflag:s23], $0x1  }
0xa3: {  	[sflag:s23] =	ssyncset.done $0x0  }
0xa4: {  	s25 =	simm.s32 $0x1B8E;
	s24 =	sld [smem:$0x3FFE];
	[sflag:s23] =	ssyncadd.s32 $0xFFFFFFFF  }
0xa5: {  	s26 =	simm.s32 $execute0_lowered;
	[smem:$0x3FD2] =	sst s25  }
0xa6: {  	s4 =	sshll.u32 s26, $0x1;
	_ =	strace $0x8000004F;
	[dreg:$0x1] =	wrdreg $0xFFFFFFFF  }
0xa7: {  	s28 =	simm.s32 $_size_execute0_lowered;
	s2 =	sadd.s32 s2, s4;
	[dreg:$0x0] =	wrdreg $0x0  }
0xa8: {  	s4 =	sshll.u32 s28, $0x1;
	[dreg:$0x2] =	wrdreg s2  }
0xa9: {  	[dreg:$0x3] =	wrdreg s4  }
0xaa: {  	[dreg:$0x4] =	wrdreg $0xC0  }
0xab: {  	_ =	task [dreg:s6], $0x5FFFF  }
0xac: {  	[dreg:$0x1] =	wrdreg $0xFFFFFFFF  }
0xad: {  	[dreg:$0x0] =	wrdreg $0x60  }
0xae: {  	[dreg:$0x2] =	wrdreg s24  }
0xaf: {  	[dreg:$0x3] =	wrdreg $0x0  }
0xb0: {  	[dreg:$0x4] =	wrdreg $0xC4000  }
0xb1: {  	[dreg:$0x5] =	wrdreg $0x9  }
0xb2: {  	_ =	task.clear_ibuf [dreg:s6], $0x6FFFF;
	_ =	strace $0x9000004F  }
0xb3: {  	s29 =	simm.s32 $0x9;
	_ =	strace $0x80000051  }
0xb4: {  	_ =	swait.ge [sflag:s29], $0x1  }
0xb5: {  	[sflag:s29] =	ssyncadd.s32 $0xFFFFFFFF  }
0xb6: {  	_ =	strace $0x90000051  }
0xb7: {  	_ =	sfence  }
0xb8: {  	s30 =	sld [smem:$0x0];
	_ =	sdelay $0x2  }
0xb9: {  	s31 =	sshll.u32 s1, $0xD;
	s1 =	sshrl.u32 s1, $0x2  }
0xba: {  	s3 =	sand.u32 $0x4000, s31;
	s1 =	sadd.s32 s1, s30  }
0xbb: {  	s0 =	sor.u32 s3, s0;
	s1 =	sshll.u32 s1, $0x11  }
0xbc: {  	s0 =	sor.u32 s1, s0  }
0xbd: {  	s0 =	sadd.s32 $0x8F2B, s0  }
0xbe: {  	[sflag:s0] =	ssyncadd.remote.s32 $0x1  }
0xbf: {  	_ =	sfence.sel $0xFFFF  }
0xc0: {  	[dreg:$0x0] =	wrdreg $0xFFFFFFFF;
	(pc) =	sbr.abs _section_cstart, $3  }
0xc1: {  	[dreg:$0x1] =	wrdreg $0xFFFFFFFF  }
0xc2: {  	_ =	task.clear_ibuf [dreg:s6], $0x2FFFF;
	_ =	strace $0x9FFFFFFF  }
0xc3: {  	(tm) =	ssettm $0x7FFFFFFF  }
tec
execute0_lowered:
.L_overlay_start_1:
0x0: {  	(tag) =	ssettag $0x1  }
0x1: {  	s5 =	rddreg [dreg:$0x0]  }
0x2: {  	s1 =	rddreg [dreg:$0x1]  }
0x3: {  	s3 =	rddreg [dreg:$0x2]  }
0x4: {  	s0 =	rddreg [dreg:$0x3];
	s4 =	simm.s32 $0x0;
	s6 =	srdreg.scid  }
0x5: {  	s2 =	stileid.u32;
	s20 =	simm.s32 $0x18FD0;
	s21 =	simm.s32 $0x7D0  }
0x6: {  	s22 =	simm.s32 $0x197A0;
	s23 =	simm.s32 $0x1;
	s24 =	simm.s32 $0x2  }
0x7: {  	s25 =	simm.s32 $0x0;
	[smem:$0x7FF] =	sst s4;
	s9 =	smul.u32 $0xC400, s2  }
0x8: {  	s8 =	sand.u32 $0x1, s6;
	s10 =	sadd.s32 $0xF8000, s5;
	s17 =	smul.u32 $0xC350, s2  }
0x9: {  	s15 =	sadd.s32 $0x3400, s5;
	s11 =	sadd.s32 $0x65000, s5;
	s31 =	smul.u32 $0x30D4, s2  }
0xa: {  	s30 =	sshll.u32 s2, $0x6;
	s6 =	smul.u32 $0xC4000, s8;
	s7 =	ssub.s32 $0x2, s8  }
0xb: {  	_ =	strace $0x80000050;
	s14 =	smul.u32 $0xC3500, s8;
	s29 =	sshrl.u32 s7, $0x1  }
0xc: {  	s16 =	sadd.s32 s9, s1;
	s18 =	sadd.s32 s9, s3;
	s19 =	sshrl.u32 s9, $0x3  }
0xd: {  	s6 =	sadd.s32 s9, s6;
	s12 =	ssub.s32 s7, s29;
	s14 =	sadd.s32 s17, s14  }
0xe: {  	s16 =	sshrl.u32 s16, $0x3;
	s18 =	sshrl.u32 s18, $0x3;
	s13 =	sshrl.u32 s6, $0x3  }
0xf: {  	s6 =	sor.u32 $0x1C03, s30;
	s12 =	smax.u32 s12, $0x1;
	s17 =	sadd.s32 $0x186A00, s14  }
0x10: {  	s14 =	sshrl.u32 s14, $0x3;
	s5 =	sadd.s32 s10, s13;
	s7 =	sadd.s32 s11, s13  }
0x11: {  	s13 =	sadd.s32 $0x31000, s13;
	s17 =	sshrl.u32 s17, $0x3;
	s14 =	sadd.s32 s14, s15  }
0x12: {  	s8 =	sadd.s32 s10, s13;
	s9 =	sadd.s32 s11, s13;
	s10 =	sadd.s32 s10, s19  }
0x13: {  	s11 =	sadd.s32 $0x62000, s7;
	s13 =	sadd.s32 s31, s15;
	s15 =	sadd.s32 s17, s15  }
0x14: {  	s17 =	simm.s32 $0x3;
	s19 =	simm.s32 $0x18800;
	s10 =	sadd.s32 $0x62000, s10  }
.LBB2_1:
0x15: {  	[spmem:s16], [sflag:s6] =	dma.local [hbm:s5], $0x1880  }
0x16: {  	_ =	swait.ge [sflag:s17], $0x1880  }
0x17: {  	[sflag:s17] =	ssyncset.done $0x0  }
0x18: {  	[sflag:s17] =	ssyncadd.s32 $0xFFFFE780  }
0x19: {  	[spmem:s18], [sflag:s6] =	dma.local [hbm:s5], $0x1880  }
0x1a: {  	_ =	swait.ge [sflag:s17], $0x1880  }
0x1b: {  	[sflag:s17] =	ssyncset.done $0x0  }
0x1c: {  	[sflag:s17] =	ssyncadd.s32 $0xFFFFE780  }
0x1d: {  	s26 =	sadd.s32 $0x0, s13;
	[bflag:$0x0] =	sbarrier.arrive $0xFFFF  }
0x1e: {  	[tilespmem:s19], [sflag:$0x3] =	stream.linear.gather [hbm4b:s26+s4], $0x7D0, $0x38;
	[tilespmem:$0x1D620] =	vst v63  }
0x1f: {  	_ =	swait.ge [sflag:s17], $0x7D0  }
0x20: {  	[sflag:s17] =	ssyncset.done $0x0  }
0x21: {  	s26 =	sadd.s32 $0x30D40, s26;
	[sflag:s17] =	ssyncadd.s32 $0xFFFFF830  }
0x22: {  	[tilespmem:s20], [sflag:$0x3] =	stream.linear.gather [hbm4b:s26+s4], $0x7D0, $0x38;
	[tilespmem:$0x1D620] =	vst v63  }
0x23: {  	_ =	swait.ge [sflag:s17], $0x7D0  }
0x24: {  	[sflag:s17] =	ssyncset.done $0x0  }
0x25: {  	[sflag:s17] =	ssyncadd.s32 $0xFFFFF830  }
0x26: {  	[tilespmem:s22], [sflag:$0x1] =	stream.indirect.gather [spmem:s1], $0x8, s19, s21, $0xb8;
	[tilespmem:$0x1D620] =	vst v63  }
0x27: {  	_ =	swait.ge [sflag:s23], $0x3E80  }
0x28: {  	[sflag:s23] =	ssyncset.done $0x0  }
0x29: {  	[sflag:s23] =	ssyncadd.s32 $0xFFFFC180  }
0x2a: {  	[spmem:s3] =	stream.indirect.scatter.add.f32 [tilespmem:s22], [sflag:$0x2], $0x8, s20, s21, $0xb8;
	[tilespmem:$0x1D620] =	vst v63  }
0x2b: {  	_ =	swait.ge [sflag:s24], $0x3E80  }
0x2c: {  	s28 =	simm.s32 $0x1F4;
	s26 =	simm.s32 $0xFA;
	[sflag:s24] =	ssyncset.done $0x0  }
.LBB2_2:
0x2d: {  	s29 =	sadd.s32 s26, s13  }
0x2e: {  	[sflag:s24] =	ssyncadd.s32 $0xFFFFC180;
	s26 =	smov.u32 s28;
	s30 =	sadd.s32 $0xFA, s28  }
0x2f: {  	[tilespmem:s19], [sflag:$0x3] =	stream.linear.gather [hbm4b:s29+s4], $0x7D0, $0x38;
	[tilespmem:$0x1D620] =	vst v63  }
0x30: {  	p0 =	sne.s32 s28, $0x2FDA;
	_ =	swait.ge [sflag:s17], $0x7D0  }
0x31: {  	[sflag:s17] =	ssyncset.done $0x0  }
0x32: {  	s28 =	sadd.s32 $0x30D40, s29;
	[sflag:s17] =	ssyncadd.s32 $0xFFFFF830  }
0x33: {  	[tilespmem:s20], [sflag:$0x3] =	stream.linear.gather [hbm4b:s28+s4], $0x7D0, $0x38;
	[tilespmem:$0x1D620] =	vst v63  }
0x34: {  	_ =	swait.ge [sflag:s17], $0x7D0  }
0x35: {  	[sflag:s17] =	ssyncset.done $0x0  }
0x36: {  	[sflag:s17] =	ssyncadd.s32 $0xFFFFF830  }
0x37: {  	[tilespmem:s22], [sflag:$0x1] =	stream.indirect.gather [spmem:s1], $0x8, s19, s21, $0xb8;
	[tilespmem:$0x1D620] =	vst v63  }
0x38: {  	_ =	swait.ge [sflag:s23], $0x3E80  }
.Ltmp0:
0x39: {  	[sflag:s23] =	ssyncset.done $0x0;
	(pc) =	sbr.rel @p0 .LBB2_2-.Ltmp0, $4  }
0x3a: {  	[sflag:s23] =	ssyncadd.s32 $0xFFFFC180  }
0x3b: {  	[spmem:s3] =	stream.indirect.scatter.add.f32 [tilespmem:s22], [sflag:$0x2], $0x8, s20, s21, $0xb8;
	[tilespmem:$0x1D620] =	vst v63  }
0x3c: {  	_ =	swait.ge [sflag:s24], $0x3E80  }
0x3d: {  	s28 =	smov.u32 s30;
	[sflag:s24] =	ssyncset.done $0x0  }
0x3e: {  	s26 =	sadd.s32 s26, s13;
	[sflag:s24] =	ssyncadd.s32 $0xFFFFC180  }
0x3f: {  	[tilespmem:s19], [sflag:$0x3] =	stream.linear.gather [hbm4b:s26+s4], $0x7D0, $0x38;
	[tilespmem:$0x1D620] =	vst v63  }
0x40: {  	_ =	swait.ge [sflag:s17], $0x7D0  }
0x41: {  	[sflag:s17] =	ssyncset.done $0x0  }
0x42: {  	s26 =	sadd.s32 $0x30D40, s26;
	[sflag:s17] =	ssyncadd.s32 $0xFFFFF830  }
0x43: {  	[tilespmem:s20], [sflag:$0x3] =	stream.linear.gather [hbm4b:s26+s4], $0x7D0, $0x38;
	[tilespmem:$0x1D620] =	vst v63  }
0x44: {  	_ =	swait.ge [sflag:s17], $0x7D0  }
0x45: {  	[sflag:s17] =	ssyncset.done $0x0  }
0x46: {  	[sflag:s17] =	ssyncadd.s32 $0xFFFFF830  }
0x47: {  	[tilespmem:s22], [sflag:$0x1] =	stream.indirect.gather [spmem:s1], $0x8, s19, s21, $0xb8;
	[tilespmem:$0x1D620] =	vst v63  }
0x48: {  	_ =	swait.ge [sflag:s23], $0x3E80  }
0x49: {  	[sflag:s23] =	ssyncset.done $0x0  }
0x4a: {  	[sflag:s23] =	ssyncadd.s32 $0xFFFFC180  }
0x4b: {  	[spmem:s3] =	stream.indirect.scatter.add.f32 [tilespmem:s22], [sflag:$0x2], $0x8, s20, s21, $0xb8;
	[tilespmem:$0x1D620] =	vst v63  }
0x4c: {  	_ =	swait.ge [sflag:s24], $0x3E80  }
0x4d: {  	[sflag:s24] =	ssyncset.done $0x0  }
0x4e: {  	[sflag:s24] =	ssyncadd.s32 $0xFFFFC180  }
0x4f: {  	[bflag:$0x0] =	sbarrier.arrive $0xFFFF  }
0x50: {  	[hbm:s7], [sflag:s6] =	dma.local [spmem:s18], $0x1880  }
0x51: {  	_ =	swait.ge [sflag:s17], $0x1880  }
0x52: {  	[sflag:s17] =	ssyncset.done $0x0  }
0x53: {  	[sflag:s17] =	ssyncadd.s32 $0xFFFFE780  }
0x54: {  	[bflag:$0x0] =	sbarrier.arrive $0xFFFF  }
0x55: {  	[spmem:s16], [sflag:s6] =	dma.local [hbm:s8], $0x1880  }
0x56: {  	_ =	swait.ge [sflag:s17], $0x1880  }
0x57: {  	[sflag:s17] =	ssyncset.done $0x0  }
0x58: {  	[sflag:s17] =	ssyncadd.s32 $0xFFFFE780  }
0x59: {  	[spmem:s18], [sflag:s6] =	dma.local [hbm:s8], $0x1880  }
0x5a: {  	_ =	swait.ge [sflag:s17], $0x1880  }
0x5b: {  	[sflag:s17] =	ssyncset.done $0x0  }
0x5c: {  	[sflag:s17] =	ssyncadd.s32 $0xFFFFE780  }
0x5d: {  	s31 =	sadd.s32 $0x0, s13;
	[bflag:$0x0] =	sbarrier.arrive $0xFFFF  }
0x5e: {  	[tilespmem:s19], [sflag:$0x3] =	stream.linear.gather [hbm4b:s31+s4], $0x7D0, $0x38;
	[tilespmem:$0x1D620] =	vst v63  }
0x5f: {  	_ =	swait.ge [sflag:s17], $0x7D0  }
0x60: {  	[sflag:s17] =	ssyncset.done $0x0  }
0x61: {  	s26 =	sadd.s32 $0x30D40, s31;
	[sflag:s17] =	ssyncadd.s32 $0xFFFFF830  }
0x62: {  	[tilespmem:s20], [sflag:$0x3] =	stream.linear.gather [hbm4b:s26+s4], $0x7D0, $0x38;
	[tilespmem:$0x1D620] =	vst v63  }
0x63: {  	_ =	swait.ge [sflag:s17], $0x7D0  }
0x64: {  	[sflag:s17] =	ssyncset.done $0x0  }
0x65: {  	[sflag:s17] =	ssyncadd.s32 $0xFFFFF830  }
0x66: {  	[tilespmem:s22], [sflag:$0x1] =	stream.indirect.gather [spmem:s1], $0x8, s19, s21, $0xb8;
	[tilespmem:$0x1D620] =	vst v63  }
0x67: {  	_ =	swait.ge [sflag:s23], $0x3E80  }
0x68: {  	[sflag:s23] =	ssyncset.done $0x0  }
0x69: {  	[sflag:s23] =	ssyncadd.s32 $0xFFFFC180  }
0x6a: {  	[spmem:s3] =	stream.indirect.scatter.add.f32 [tilespmem:s22], [sflag:$0x2], $0x8, s20, s21, $0xb8;
	[tilespmem:$0x1D620] =	vst v63  }
0x6b: {  	_ =	swait.ge [sflag:s24], $0x3E80  }
0x6c: {  	s28 =	simm.s32 $0x1F4;
	s26 =	simm.s32 $0xFA;
	[sflag:s24] =	ssyncset.done $0x0  }
.LBB2_4:
0x6d: {  	s29 =	sadd.s32 s26, s13  }
0x6e: {  	[sflag:s24] =	ssyncadd.s32 $0xFFFFC180;
	s26 =	smov.u32 s28;
	s30 =	sadd.s32 $0xFA, s28  }
0x6f: {  	[tilespmem:s19], [sflag:$0x3] =	stream.linear.gather [hbm4b:s29+s4], $0x7D0, $0x38;
	[tilespmem:$0x1D620] =	vst v63  }
0x70: {  	p0 =	sne.s32 s28, $0x2FDA;
	_ =	swait.ge [sflag:s17], $0x7D0  }
0x71: {  	[sflag:s17] =	ssyncset.done $0x0  }
0x72: {  	s28 =	sadd.s32 $0x30D40, s29;
	[sflag:s17] =	ssyncadd.s32 $0xFFFFF830  }
0x73: {  	[tilespmem:s20], [sflag:$0x3] =	stream.linear.gather [hbm4b:s28+s4], $0x7D0, $0x38;
	[tilespmem:$0x1D620] =	vst v63  }
0x74: {  	_ =	swait.ge [sflag:s17], $0x7D0  }
0x75: {  	[sflag:s17] =	ssyncset.done $0x0  }
0x76: {  	[sflag:s17] =	ssyncadd.s32 $0xFFFFF830  }
0x77: {  	[tilespmem:s22], [sflag:$0x1] =	stream.indirect.gather [spmem:s1], $0x8, s19, s21, $0xb8;
	[tilespmem:$0x1D620] =	vst v63  }
0x78: {  	_ =	swait.ge [sflag:s23], $0x3E80  }
.Ltmp1:
0x79: {  	[sflag:s23] =	ssyncset.done $0x0;
	(pc) =	sbr.rel @p0 .LBB2_4-.Ltmp1, $4  }
0x7a: {  	[sflag:s23] =	ssyncadd.s32 $0xFFFFC180  }
0x7b: {  	[spmem:s3] =	stream.indirect.scatter.add.f32 [tilespmem:s22], [sflag:$0x2], $0x8, s20, s21, $0xb8;
	[tilespmem:$0x1D620] =	vst v63  }
0x7c: {  	_ =	swait.ge [sflag:s24], $0x3E80  }
0x7d: {  	s28 =	smov.u32 s30;
	[sflag:s24] =	ssyncset.done $0x0  }
0x7e: {  	s26 =	sadd.s32 s26, s13;
	[sflag:s24] =	ssyncadd.s32 $0xFFFFC180  }
0x7f: {  	[tilespmem:s19], [sflag:$0x3] =	stream.linear.gather [hbm4b:s26+s4], $0x7D0, $0x38;
	[tilespmem:$0x1D620] =	vst v63  }
0x80: {  	_ =	swait.ge [sflag:s17], $0x7D0  }
0x81: {  	[sflag:s17] =	ssyncset.done $0x0  }
0x82: {  	s26 =	sadd.s32 $0x30D40, s26;
	[sflag:s17] =	ssyncadd.s32 $0xFFFFF830  }
0x83: {  	[tilespmem:s20], [sflag:$0x3] =	stream.linear.gather [hbm4b:s26+s4], $0x7D0, $0x38;
	[tilespmem:$0x1D620] =	vst v63  }
0x84: {  	_ =	swait.ge [sflag:s17], $0x7D0  }
0x85: {  	[sflag:s17] =	ssyncset.done $0x0  }
0x86: {  	[sflag:s17] =	ssyncadd.s32 $0xFFFFF830  }
0x87: {  	[tilespmem:s22], [sflag:$0x1] =	stream.indirect.gather [spmem:s1], $0x8, s19, s21, $0xb8;
	[tilespmem:$0x1D620] =	vst v63  }
0x88: {  	_ =	swait.ge [sflag:s23], $0x3E80  }
0x89: {  	[sflag:s23] =	ssyncset.done $0x0  }
0x8a: {  	[sflag:s23] =	ssyncadd.s32 $0xFFFFC180  }
0x8b: {  	[spmem:s3] =	stream.indirect.scatter.add.f32 [tilespmem:s22], [sflag:$0x2], $0x8, s20, s21, $0xb8;
	[tilespmem:$0x1D620] =	vst v63  }
0x8c: {  	_ =	swait.ge [sflag:s24], $0x3E80  }
0x8d: {  	[sflag:s24] =	ssyncset.done $0x0  }
0x8e: {  	[sflag:s24] =	ssyncadd.s32 $0xFFFFC180  }
0x8f: {  	[bflag:$0x0] =	sbarrier.arrive $0xFFFF  }
0x90: {  	[hbm:s9], [sflag:s6] =	dma.local [spmem:s18], $0x1880  }
0x91: {  	_ =	swait.ge [sflag:s17], $0x1880  }
0x92: {  	[sflag:s17] =	ssyncset.done $0x0  }
0x93: {  	[sflag:s17] =	ssyncadd.s32 $0xFFFFE780  }
0x94: {  	[bflag:$0x0] =	sbarrier.arrive $0xFFFF  }
0x95: {  	[spmem:s16], [sflag:s6] =	dma.local [hbm:s10], $0x1880  }
0x96: {  	_ =	swait.ge [sflag:s17], $0x1880  }
0x97: {  	[sflag:s17] =	ssyncset.done $0x0  }
0x98: {  	[sflag:s17] =	ssyncadd.s32 $0xFFFFE780  }
0x99: {  	[spmem:s18], [sflag:s6] =	dma.local [hbm:s10], $0x1880  }
0x9a: {  	_ =	swait.ge [sflag:s17], $0x1880  }
0x9b: {  	[sflag:s17] =	ssyncset.done $0x0  }
0x9c: {  	[sflag:s17] =	ssyncadd.s32 $0xFFFFE780  }
0x9d: {  	s30 =	sadd.s32 $0x0, s14;
	[bflag:$0x0] =	sbarrier.arrive $0xFFFF  }
0x9e: {  	[tilespmem:s19], [sflag:$0x3] =	stream.linear.gather [hbm4b:s30+s4], $0x7D0, $0x38;
	[tilespmem:$0x1D620] =	vst v63  }
0x9f: {  	_ =	swait.ge [sflag:s17], $0x7D0  }
0xa0: {  	[sflag:s17] =	ssyncset.done $0x0  }
0xa1: {  	s31 =	sadd.s32 $0x0, s15;
	[sflag:s17] =	ssyncadd.s32 $0xFFFFF830  }
0xa2: {  	[tilespmem:s20], [sflag:$0x3] =	stream.linear.gather [hbm4b:s31+s4], $0x7D0, $0x38;
	[tilespmem:$0x1D620] =	vst v63  }
0xa3: {  	_ =	swait.ge [sflag:s17], $0x7D0  }
0xa4: {  	[sflag:s17] =	ssyncset.done $0x0  }
0xa5: {  	[sflag:s17] =	ssyncadd.s32 $0xFFFFF830  }
0xa6: {  	[tilespmem:s22], [sflag:$0x1] =	stream.indirect.gather [spmem:s1], $0x8, s19, s21, $0xb8;
	[tilespmem:$0x1D620] =	vst v63  }
0xa7: {  	_ =	swait.ge [sflag:s23], $0x3E80  }
0xa8: {  	[sflag:s23] =	ssyncset.done $0x0  }
0xa9: {  	[sflag:s23] =	ssyncadd.s32 $0xFFFFC180  }
0xaa: {  	[spmem:s3] =	stream.indirect.scatter.add.f32 [tilespmem:s22], [sflag:$0x2], $0x8, s20, s21, $0xb8;
	[tilespmem:$0x1D620] =	vst v63  }
0xab: {  	_ =	swait.ge [sflag:s24], $0x3E80  }
0xac: {  	s28 =	simm.s32 $0x1F4;
	s26 =	simm.s32 $0xFA;
	[sflag:s24] =	ssyncset.done $0x0  }
.LBB2_6:
0xad: {  	s29 =	sadd.s32 s26, s14  }
0xae: {  	[sflag:s24] =	ssyncadd.s32 $0xFFFFC180;
	s30 =	smov.u32 s28;
	s31 =	sadd.s32 $0xFA, s28  }
0xaf: {  	[tilespmem:s19], [sflag:$0x3] =	stream.linear.gather [hbm4b:s29+s4], $0x7D0, $0x38;
	[tilespmem:$0x1D620] =	vst v63  }
0xb0: {  	p0 =	sne.s32 s28, $0x1770;
	_ =	swait.ge [sflag:s17], $0x7D0  }
0xb1: {  	[sflag:s17] =	ssyncset.done $0x0  }
0xb2: {  	s28 =	sadd.s32 s26, s15;
	s26 =	smov.u32 s30;
	[sflag:s17] =	ssyncadd.s32 $0xFFFFF830  }
0xb3: {  	[tilespmem:s20], [sflag:$0x3] =	stream.linear.gather [hbm4b:s28+s4], $0x7D0, $0x38;
	[tilespmem:$0x1D620] =	vst v63  }
0xb4: {  	_ =	swait.ge [sflag:s17], $0x7D0  }
0xb5: {  	[sflag:s17] =	ssyncset.done $0x0  }
0xb6: {  	[sflag:s17] =	ssyncadd.s32 $0xFFFFF830  }
0xb7: {  	[tilespmem:s22], [sflag:$0x1] =	stream.indirect.gather [spmem:s1], $0x8, s19, s21, $0xb8;
	[tilespmem:$0x1D620] =	vst v63  }
0xb8: {  	_ =	swait.ge [sflag:s23], $0x3E80  }
.Ltmp2:
0xb9: {  	[sflag:s23] =	ssyncset.done $0x0;
	(pc) =	sbr.rel @p0 .LBB2_6-.Ltmp2, $4  }
0xba: {  	[sflag:s23] =	ssyncadd.s32 $0xFFFFC180  }
0xbb: {  	[spmem:s3] =	stream.indirect.scatter.add.f32 [tilespmem:s22], [sflag:$0x2], $0x8, s20, s21, $0xb8;
	[tilespmem:$0x1D620] =	vst v63  }
0xbc: {  	_ =	swait.ge [sflag:s24], $0x3E80  }
0xbd: {  	s28 =	smov.u32 s31;
	[sflag:s24] =	ssyncset.done $0x0  }
0xbe: {  	s28 =	sadd.s32 s26, s14;
	[sflag:s24] =	ssyncadd.s32 $0xFFFFC180  }
0xbf: {  	[tilespmem:s19], [sflag:$0x3] =	stream.linear.gather [hbm4b:s28+s4], $0x7D0, $0x38;
	[tilespmem:$0x1D620] =	vst v63  }
0xc0: {  	_ =	swait.ge [sflag:s17], $0x7D0  }
0xc1: {  	[sflag:s17] =	ssyncset.done $0x0  }
0xc2: {  	s31 =	sadd.s32 s26, s15;
	[sflag:s17] =	ssyncadd.s32 $0xFFFFF830  }
0xc3: {  	[tilespmem:s20], [sflag:$0x3] =	stream.linear.gather [hbm4b:s31+s4], $0x7D0, $0x38;
	[tilespmem:$0x1D620] =	vst v63  }
0xc4: {  	_ =	swait.ge [sflag:s17], $0x7D0  }
0xc5: {  	[sflag:s17] =	ssyncset.done $0x0  }
0xc6: {  	[sflag:s17] =	ssyncadd.s32 $0xFFFFF830  }
0xc7: {  	[tilespmem:s22], [sflag:$0x1] =	stream.indirect.gather [spmem:s1], $0x8, s19, s21, $0xb8;
	[tilespmem:$0x1D620] =	vst v63  }
0xc8: {  	_ =	swait.ge [sflag:s23], $0x3E80  }
0xc9: {  	[sflag:s23] =	ssyncset.done $0x0  }
0xca: {  	[sflag:s23] =	ssyncadd.s32 $0xFFFFC180  }
0xcb: {  	[spmem:s3] =	stream.indirect.scatter.add.f32 [tilespmem:s22], [sflag:$0x2], $0x8, s20, s21, $0xb8;
	[tilespmem:$0x1D620] =	vst v63  }
0xcc: {  	_ =	swait.ge [sflag:s24], $0x3E80  }
0xcd: {  	[sflag:s24] =	ssyncset.done $0x0  }
0xce: {  	s25 =	sadd.s32 $0x1, s25;
	[sflag:s24] =	ssyncadd.s32 $0xFFFFC180  }
0xcf: {  	p0 =	sne.s32 s25, s12;
	[bflag:$0x0] =	sbarrier.arrive $0xFFFF  }
0xd0: {  	[hbm:s11], [sflag:s6] =	dma.local [spmem:s18], $0x1880  }
.Ltmp3:
0xd1: {  	_ =	swait.ge [sflag:s17], $0x1880;
	(pc) =	sbr.rel @p0 .LBB2_1-.Ltmp3, $3  }
0xd2: {  	[sflag:s17] =	ssyncset.done $0x0  }
0xd3: {  	[sflag:s17] =	ssyncadd.s32 $0xFFFFE780  }
0xd4: {  	[bflag:$0x0] =	sbarrier.arrive $0xFFFF;
	_ =	sdelay $0x1  }
0xd5: {  	_ =	sfence.sel $0x180000  }
0xd6: {  	[bflag:$0x0] =	sbarrier.arrive $0xFFFF  }
0xd7: {  	p0 =	sne.s32 s2, $0x0;
	_ =	strace $0x90000050  }
0xd8: {  	s0 =	sadd.s32 @!p0 $0x100000, s0;
	[bflag:$0x2] =	sbarrier.arrive $0xFFFF  }
0xd9: {  	[sflag:s0] =	ssyncadd.tile.s32 @!p0 $0x1;
	_ =	shalt  }
.Lfunc_end2:
_tile_overlayer_lowered:
.L_overlay_start_2:
0xda: {  	(tag) =	ssettag $0x2  }
0xdb: {  	s0 =	rddreg [dreg:$0x0];
	s2 =	stileid.u32  }
0xdc: {  	s1 =	rddreg [dreg:$0x1];
	p0 =	sne.s32 s2, $0x0  }
0xdd: {  	s3 =	rddreg [dreg:$0x2];
	[bflag:$0x3] =	sbarrier.arrive $0xFFFF;
	s2 =	simm.s32 @!p0 $0x1C03  }
0xde: {  	[timem:s3], [sflag:s2] =	dma.local @!p0 [hbm:s0], s1  }
0xdf: {  	s0 =	simm.s32 @!p0 $0x3  }
0xe0: {  	_ =	swait.ge @!p0 [sflag:s0], s1  }
0xe1: {  	s1 =	ssub.s32 @!p0 $0x0, s1;
	[sflag:s0] =	ssyncset.done @!p0 $0x0  }
0xe2: {  	[sflag:s0] =	ssyncadd.s32 @!p0 s1  }
0xe3: {  	[bflag:$0x3] =	sbarrier.arrive $0xFFFF  }
0xe4: {  	_ =	shalt  }

</sc_bundles>
